<compile_context>
chip_gen: v7x
topology: tpu7x:2x2x1
jax: 0.10.2.dev20260603
libtpu: 0.0.44.dev20260713+nightly
codegen_flags: <defaults>
</compile_context>

<pallas_src>
import functools

import jax
import jax.numpy as jnp
from jax.experimental import pallas as pl
from jax.experimental.pallas import tpu as pltpu
from jax.experimental.pallas import tpu_sc as plsc

_N = 10000
_K = 16
_PN = 10240
_M = 5000
_PM = 5120

_BR_KNN = 128
_BC1 = 512
_BC2 = 256


def _knn_body(colsT_ref, rows_ref, out_ref, *, n_valid):
    rows = rows_ref[...]
    colsT = colsT_ref[...]
    a2 = jnp.sum(rows * rows, axis=1, keepdims=True)
    c2 = jnp.sum(colsT * colsT, axis=0, keepdims=True)
    cross = jnp.dot(rows, colsT, preferred_element_type=jnp.float32)
    d = jnp.maximum(a2 + c2 - 2.0 * cross, 0.0)
    colid = jax.lax.broadcasted_iota(jnp.int32, d.shape, 1)
    d = jnp.where(colid < n_valid, d, jnp.inf)

    def ext(t, dcur):
        mn = jnp.min(dcur, axis=1, keepdims=True)
        am = jnp.min(jnp.where(dcur == mn, colid, jnp.int32(2**30)), axis=1)
        out_ref[pl.ds(t, 1), :] = am[None, :]
        return jnp.where(colid == am[:, None], jnp.inf, dcur)

    jax.lax.fori_loop(0, _K, ext, d)


def _knn(pos_pad, n_valid):
    pn = pos_pad.shape[0]
    idx_t = pl.pallas_call(
        functools.partial(_knn_body, n_valid=n_valid),
        grid=(pn // _BR_KNN,),
        in_specs=[
            pl.BlockSpec((3, pn), lambda i: (0, 0)),
            pl.BlockSpec((_BR_KNN, 3), lambda i: (i, 0)),
        ],
        out_specs=pl.BlockSpec((_K, _BR_KNN), lambda i: (0, i)),
        out_shape=jax.ShapeDtypeStruct((_K, pn), jnp.int32),
    )(pos_pad.T, pos_pad)
    return jnp.reshape(jnp.transpose(idx_t), (pn * _K,))


def _fps_body(px_ref, py_ref, pz_ref, out_ref):
    px = px_ref[...]
    py = py_ref[...]
    pz = pz_ref[...]
    i0 = jax.lax.broadcasted_iota(jnp.int32, px.shape, 0)
    i1 = jax.lax.broadcasted_iota(jnp.int32, px.shape, 1)
    lin = i0 * 1280 + i1
    valid = lin < _N

    def pick(arr, j):
        return jnp.sum(jnp.where(lin == j, arr, 0.0))

    x0 = pick(px, jnp.int32(0))
    y0 = pick(py, jnp.int32(0))
    z0 = pick(pz, jnp.int32(0))
    d0 = (px - x0) ** 2 + (py - y0) ** 2 + (pz - z0) ** 2
    d0 = jnp.where(valid, d0, -jnp.inf)

    o0 = jax.lax.broadcasted_iota(jnp.int32, (8, 640), 0)
    o1 = jax.lax.broadcasted_iota(jnp.int32, (8, 640), 1)
    lin_out = o0 * 640 + o1
    sel0 = jnp.zeros((8, 640), jnp.int32)

    def body(i, carry):
        dists, sel = carry
        mx = jnp.max(dists)
        nxt = jnp.min(jnp.where(dists == mx, lin, jnp.int32(2**30)))
        sel = jnp.where(lin_out == i, nxt, sel)
        xn = pick(px, nxt)
        yn = pick(py, nxt)
        zn = pick(pz, nxt)
        dn = (px - xn) ** 2 + (py - yn) ** 2 + (pz - zn) ** 2
        return jnp.minimum(dists, dn), sel

    _, sel = jax.lax.fori_loop(1, _M, body, (d0, sel0))
    out_ref[...] = sel


def _sc_gather(table, idx):
    b = idx.shape[0]
    ncols = table.shape[1]
    idx2 = idx.reshape(1, b)
    mesh = plsc.VectorSubcoreMesh(core_axis_name="core",
                                  subcore_axis_name="subcore")

    @pl.kernel(out_type=jax.ShapeDtypeStruct((b, ncols), table.dtype),
               mesh=mesh)
    def kern(x_hbm, i_hbm, o_hbm):
        def body(i_vmem, o_vmem):
            pltpu.sync_copy(x_hbm.at[i_vmem.at[0]], o_vmem)

        pltpu.emit_pipeline(
            body,
            grid=(b // 128,),
            in_specs=[pl.BlockSpec((1, 128), index_map=lambda i: (0, i))],
            out_specs=[pl.BlockSpec((128, ncols), index_map=lambda i: (i, 0))],
            core_axis_name="subcore",
            dimension_semantics=(pltpu.PARALLEL,),
        )(i_hbm, o_hbm)

    return kern(table, idx2)


def _c1_edge(g_ref, pos_ref, w1s_ref, w1d_ref, b1_ref, brc):
    e = brc * _K
    g = g_ref[...]
    ps = g[:, 0:3]
    pd = pos_ref[...]
    pdr = jnp.reshape(jnp.broadcast_to(pd[:, None, :], (brc, _K, 3)), (e, 3))
    rel = ps - pdr
    y = (jnp.dot(ps, w1s_ref[...], preferred_element_type=jnp.float32)
         + jnp.dot(rel, w1d_ref[...], preferred_element_type=jnp.float32)
         + b1_ref[...])
    return y


def _c1_stats_body(g_ref, pos_ref, w1s_ref, w1d_ref, b1_ref,
                   sum_ref, sqs_ref, *, brc):
    y = _c1_edge(g_ref, pos_ref, w1s_ref, w1d_ref, b1_ref, brc)
    e = brc * _K
    node = (pl.program_id(0) * brc
            + jax.lax.broadcasted_iota(jnp.int32, (e, 1), 0) // _K)
    y = jnp.where(node < _N, y, 0.0)

    @pl.when(pl.program_id(0) == 0)
    def _():
        sum_ref[...] = jnp.zeros_like(sum_ref)
        sqs_ref[...] = jnp.zeros_like(sqs_ref)

    sum_ref[...] += jnp.sum(y, axis=0, keepdims=True)
    sqs_ref[...] += jnp.sum(y * y, axis=0, keepdims=True)


def _c1_apply_body(g_ref, pos_ref, w1s_ref, w1d_ref, b1_ref,
                   sc_ref, sh_ref, h_ref, *, brc):
    y = _c1_edge(g_ref, pos_ref, w1s_ref, w1d_ref, b1_ref, brc)
    yn = y * sc_ref[...] + sh_ref[...]
    s = yn * jax.nn.sigmoid(yn)
    h_ref[...] = jnp.max(jnp.reshape(s, (brc, _K, 64)), axis=1)


def _c2_a(g_ref, pos2_ref, wh_ref, wp_ref, b2a_ref, brc):
    e = brc * _K
    g = g_ref[...]
    hs = g[:, 0:64]
    ps = g[:, 64:67]
    pd = pos2_ref[...]
    pdr = jnp.reshape(jnp.broadcast_to(pd[:, None, :], (brc, _K, 3)), (e, 3))
    rel = ps - pdr
    a = (jnp.dot(hs, wh_ref[...], preferred_element_type=jnp.float32)
         + jnp.dot(rel, wp_ref[...], preferred_element_type=jnp.float32)
         + b2a_ref[...])
    return a


def _c2_stats_a_body(g_ref, pos2_ref, wh_ref, wp_ref, b2a_ref,
                     sum_ref, sqs_ref, *, brc):
    a = _c2_a(g_ref, pos2_ref, wh_ref, wp_ref, b2a_ref, brc)
    e = brc * _K
    node = (pl.program_id(0) * brc
            + jax.lax.broadcasted_iota(jnp.int32, (e, 1), 0) // _K)
    a = jnp.where(node < _M, a, 0.0)

    @pl.when(pl.program_id(0) == 0)
    def _():
        sum_ref[...] = jnp.zeros_like(sum_ref)
        sqs_ref[...] = jnp.zeros_like(sqs_ref)

    sum_ref[...] += jnp.sum(a, axis=0, keepdims=True)
    sqs_ref[...] += jnp.sum(a * a, axis=0, keepdims=True)


def _c2_stats_b_body(g_ref, pos2_ref, wh_ref, wp_ref, b2a_ref,
                     sca_ref, sha_ref, w2b_ref, b2b_ref,
                     sum_ref, sqs_ref, *, brc):
    a = _c2_a(g_ref, pos2_ref, wh_ref, wp_ref, b2a_ref, brc)
    an = a * sca_ref[...] + sha_ref[...]
    z = an * jax.nn.sigmoid(an)
    bval = jnp.dot(z, w2b_ref[...], preferred_element_type=jnp.float32) \
        + b2b_ref[...]
    e = brc * _K
    node = (pl.program_id(0) * brc
            + jax.lax.broadcasted_iota(jnp.int32, (e, 1), 0) // _K)
    bval = jnp.where(node < _M, bval, 0.0)

    @pl.when(pl.program_id(0) == 0)
    def _():
        sum_ref[...] = jnp.zeros_like(sum_ref)
        sqs_ref[...] = jnp.zeros_like(sqs_ref)

    sum_ref[...] += jnp.sum(bval, axis=0, keepdims=True)
    sqs_ref[...] += jnp.sum(bval * bval, axis=0, keepdims=True)


def _c2_final_body(g_ref, pos2_ref, wh_ref, wp_ref, b2a_ref,
                   sca_ref, sha_ref, w2b_ref, b2b_ref, scb_ref, shb_ref,
                   out_ref, *, brc):
    a = _c2_a(g_ref, pos2_ref, wh_ref, wp_ref, b2a_ref, brc)
    an = a * sca_ref[...] + sha_ref[...]
    z = an * jax.nn.sigmoid(an)
    bval = jnp.dot(z, w2b_ref[...], preferred_element_type=jnp.float32) \
        + b2b_ref[...]
    bn = bval * scb_ref[...] + shb_ref[...]
    z2 = bn * jax.nn.sigmoid(bn)
    e = brc * _K
    node = (pl.program_id(0) * brc
            + jax.lax.broadcasted_iota(jnp.int32, (e, 1), 0) // _K)
    z2 = jnp.where(node < _M, z2, -jnp.inf)
    blockmax = jnp.max(z2, axis=0, keepdims=True)

    @pl.when(pl.program_id(0) == 0)
    def _():
        out_ref[...] = jnp.full_like(out_ref, -jnp.inf)

    out_ref[...] = jnp.maximum(out_ref[...], blockmax)


def _bn_coeffs(s, q, cnt, gamma, beta):
    mu = s / cnt
    var = jnp.maximum(q / cnt - mu * mu, 0.0)
    sc = gamma[None, :] * jax.lax.rsqrt(var + 1e-5)
    sh = beta[None, :] - mu * sc
    return sc, sh


def kernel(pos, batch, W1, b1, g1, be1, W2a, b2a, g2a, be2a,
           W2b, b2b, g2b, be2b):
    f32 = jnp.float32
    pos = pos.astype(f32)
    pos_pad = jnp.concatenate(
        [pos, jnp.zeros((_PN - _N, 3), f32)], axis=0)

    src1 = _knn(pos_pad, _N)

    px = pos_pad[:, 0].reshape(8, 1280)
    py = pos_pad[:, 1].reshape(8, 1280)
    pz = pos_pad[:, 2].reshape(8, 1280)
    samp8 = pl.pallas_call(
        _fps_body,
        out_shape=jax.ShapeDtypeStruct((8, 640), jnp.int32),
    )(px, py, pz)
    samp = jnp.reshape(samp8, (_PM,))

    pos128 = jnp.concatenate(
        [pos_pad, jnp.zeros((_PN, 125), f32)], axis=1)
    G1 = _sc_gather(pos128, src1)

    wspecs1 = [
        pl.BlockSpec((3, 64), lambda i: (0, 0)),
        pl.BlockSpec((3, 64), lambda i: (0, 0)),
        pl.BlockSpec((1, 64), lambda i: (0, 0)),
    ]
    s1, q1 = pl.pallas_call(
        functools.partial(_c1_stats_body, brc=_BC1),
        grid=(_PN // _BC1,),
        in_specs=[
            pl.BlockSpec((_BC1 * _K, 128), lambda i: (i, 0)),
            pl.BlockSpec((_BC1, 3), lambda i: (i, 0)),
        ] + wspecs1,
        out_specs=[pl.BlockSpec((1, 64), lambda i: (0, 0))] * 2,
        out_shape=[jax.ShapeDtypeStruct((1, 64), f32)] * 2,
    )(G1, pos_pad, W1[0:3], W1[3:6], b1[None, :])
    sc1, sh1 = _bn_coeffs(s1, q1, float(_N * _K), g1, be1)

    h = pl.pallas_call(
        functools.partial(_c1_apply_body, brc=_BC1),
        grid=(_PN // _BC1,),
        in_specs=[
            pl.BlockSpec((_BC1 * _K, 128), lambda i: (i, 0)),
            pl.BlockSpec((_BC1, 3), lambda i: (i, 0)),
        ] + wspecs1 + [
            pl.BlockSpec((1, 64), lambda i: (0, 0)),
            pl.BlockSpec((1, 64), lambda i: (0, 0)),
        ],
        out_specs=pl.BlockSpec((_BC1, 64), lambda i: (i, 0)),
        out_shape=jax.ShapeDtypeStruct((_PN, 64), f32),
    )(G1, pos_pad, W1[0:3], W1[3:6], b1[None, :], sc1, sh1)

    T2 = jnp.concatenate(
        [h, pos_pad, jnp.zeros((_PN, 61), f32)], axis=1)
    G2 = _sc_gather(T2, samp)
    pos2 = G2[:, 64:67]

    src2 = _knn(pos2, _M)

    G3 = _sc_gather(G2, src2)

    base_specs2 = [
        pl.BlockSpec((_BC2 * _K, 128), lambda i: (i, 0)),
        pl.BlockSpec((_BC2, 3), lambda i: (i, 0)),
        pl.BlockSpec((64, 128), lambda i: (0, 0)),
        pl.BlockSpec((3, 128), lambda i: (0, 0)),
        pl.BlockSpec((1, 128), lambda i: (0, 0)),
    ]
    sa, qa = pl.pallas_call(
        functools.partial(_c2_stats_a_body, brc=_BC2),
        grid=(_PM // _BC2,),
        in_specs=list(base_specs2),
        out_specs=[pl.BlockSpec((1, 128), lambda i: (0, 0))] * 2,
        out_shape=[jax.ShapeDtypeStruct((1, 128), f32)] * 2,
    )(G3, pos2, W2a[0:64], W2a[64:67], b2a[None, :])
    sca, sha = _bn_coeffs(sa, qa, float(_M * _K), g2a, be2a)

    bspecs = [
        pl.BlockSpec((1, 128), lambda i: (0, 0)),
        pl.BlockSpec((1, 128), lambda i: (0, 0)),
        pl.BlockSpec((128, 256), lambda i: (0, 0)),
        pl.BlockSpec((1, 256), lambda i: (0, 0)),
    ]
    sb, qb = pl.pallas_call(
        functools.partial(_c2_stats_b_body, brc=_BC2),
        grid=(_PM // _BC2,),
        in_specs=list(base_specs2) + bspecs,
        out_specs=[pl.BlockSpec((1, 256), lambda i: (0, 0))] * 2,
        out_shape=[jax.ShapeDtypeStruct((1, 256), f32)] * 2,
    )(G3, pos2, W2a[0:64], W2a[64:67], b2a[None, :],
      sca, sha, W2b, b2b[None, :])
    scb, shb = _bn_coeffs(sb, qb, float(_M * _K), g2b, be2b)

    out = pl.pallas_call(
        functools.partial(_c2_final_body, brc=_BC2),
        grid=(_PM // _BC2,),
        in_specs=list(base_specs2) + bspecs + [
            pl.BlockSpec((1, 256), lambda i: (0, 0)),
            pl.BlockSpec((1, 256), lambda i: (0, 0)),
        ],
        out_specs=pl.BlockSpec((1, 256), lambda i: (0, 0)),
        out_shape=jax.ShapeDtypeStruct((1, 256), f32),
    )(G3, pos2, W2a[0:64], W2a[64:67], b2a[None, :],
      sca, sha, W2b, b2b[None, :], scb, shb)

    return out

# --- scband reference (transcript-rebuilt; emitter-appended) ---
"""Pipeline reference for scband-point-net-encoder-59373627900376 (READ-ONLY COPY).

The authoritative reference and input builder live on the scoring server;
editing this copy changes nothing except your own understanding.
"""

import jax, jax.numpy as jnp
import numpy as np

N = 10000
K = 16
ZDIM = 256

def _pairwise_sqdist(a, b):
    a2 = jnp.sum(a * a, axis=1, keepdims=True)
    b2 = jnp.sum(b * b, axis=1, keepdims=True)
    d = a2 + b2.T - 2.0 * (a @ b.T)
    return jnp.maximum(d, 0.0)

def _knn_graph(pos, k):
    d = _pairwise_sqdist(pos, pos)
    _, idx = jax.lax.top_k(-d, k)
    n = pos.shape[0]
    src = idx.reshape(-1)
    dst = jnp.repeat(jnp.arange(n), k)
    return src, dst

def _fps(pos, n_samples):
    sel0 = jnp.zeros((n_samples,), dtype=jnp.int32)
    d0 = jnp.sum((pos - pos[0]) ** 2, axis=1)
    def body(i, state):
        sel, dists = state
        nxt = jnp.argmax(dists).astype(jnp.int32)
        sel = sel.at[i].set(nxt)
        dn = jnp.sum((pos - pos[nxt]) ** 2, axis=1)
        return (sel, jnp.minimum(dists, dn))
    sel, _ = jax.lax.fori_loop(1, n_samples, body, (sel0, d0))
    return sel

def _bn(x, gamma, beta, eps=1e-5):
    mu = jnp.mean(x, axis=0)
    var = jnp.var(x, axis=0)
    return gamma * (x - mu) * jax.lax.rsqrt(var + eps) + beta

def _silu(x):
    return x * jax.nn.sigmoid(x)

def setup_inputs(seed: int = 0):
    key = jax.random.key(seed)
    ks = jax.random.split(key, 8)
    pos = jax.random.normal(ks[0], (N, 3), dtype=jnp.float32)
    batch = jnp.zeros((N,), dtype=jnp.int32)
    W1 = jax.random.normal(ks[1], (6, 64), dtype=jnp.float32) / np.sqrt(6.0)
    b1 = jnp.zeros((64,), dtype=jnp.float32)
    g1 = jnp.ones((64,), dtype=jnp.float32)
    be1 = jnp.zeros((64,), dtype=jnp.float32)
    W2a = jax.random.normal(ks[2], (67, 128), dtype=jnp.float32) / np.sqrt(67.0)
    b2a = jnp.zeros((128,), dtype=jnp.float32)
    g2a = jnp.ones((128,), dtype=jnp.float32)
    be2a = jnp.zeros((128,), dtype=jnp.float32)
    W2b = jax.random.normal(ks[3], (128, ZDIM), dtype=jnp.float32) / np.sqrt(128.0)
    b2b = jnp.zeros((ZDIM,), dtype=jnp.float32)
    g2b = jnp.ones((ZDIM,), dtype=jnp.float32)
    be2b = jnp.zeros((ZDIM,), dtype=jnp.float32)
    return {"pos": pos, "batch": batch, "W1": W1, "b1": b1, "g1": g1, "be1": be1,
            "W2a": W2a, "b2a": b2a, "g2a": g2a, "be2a": be2a,
            "W2b": W2b, "b2b": b2b, "g2b": g2b, "be2b": be2b}

def reference(pos, batch, W1, b1, g1, be1, W2a, b2a, g2a, be2a, W2b, b2b, g2b, be2b):
    n = pos.shape[0]
    # conv1: knn graph on full cloud, PointNetConv with x = pos
    src1, dst1 = _knn_graph(pos, K)
    m1 = jnp.concatenate([pos[src1], pos[src1] - pos[dst1]], axis=1)
    h1 = _silu(_bn(m1 @ W1 + b1, g1, be1))
    h = jax.ops.segment_max(h1, dst1, num_segments=n)
    # farthest point sampling, ratio 0.5
    samp = _fps(pos, n // 2)
    h2 = h[samp]
    pos2 = pos[samp]
    batch2 = batch[samp]
    # conv2 on subsampled cloud
    src2, dst2 = _knn_graph(pos2, K)
    m2 = jnp.concatenate([h2[src2], pos2[src2] - pos2[dst2]], axis=1)
    z = _silu(_bn(m2 @ W2a + b2a, g2a, be2a))
    z = _silu(_bn(z @ W2b + b2b, g2b, be2b))
    h3 = jax.ops.segment_max(z, dst2, num_segments=pos2.shape[0])
    # global max aggregation over batch ids (single graph)
    out = jax.ops.segment_max(h3, batch2, num_segments=1)
    return out

if __name__ == "__main__":
    import jax
    _d = setup_inputs()
    print(jax.jit(kernel)(*tuple(_d.values())))

</pallas_src>

<mosaic_0001>
#map = affine_map<(d0, d1) -> (0, 0)>
module attributes {stable_mosaic.version = 14 : i64} {
  func.func @kern(%arg0: i32, %arg1: i32, %arg2: memref<10240x128xf32, #tpu.memory_space<hbm>>, %arg3: memref<1x5120xi32, #tpu.memory_space<hbm>>, %arg4: memref<5120x128xf32, #tpu.memory_space<hbm>>) attributes {dimension_semantics = [#tpu.dimension_semantics<core_parallel>, #tpu.dimension_semantics<subcore_parallel>], iteration_bounds = array<i64: 2, 16>, scalar_prefetch = 0 : i64, scratch_operands = 0 : i64, tpu.core_type = #tpu.core_type<sc_vector_subcore>, window_params = [{transform_indices = #map}, {transform_indices = #map}, {transform_indices = #map}]} {
    %lt3A = arith.constant 8 : i32
    %lt3A_0 = arith.cmpi slt, %arg1, %lt3A : i32
    %jit3A = arith.constant 3 : i32
    %jit3A_1 = arith.constant 2 : i32
    %select_n3A = arith.select %lt3A_0, %jit3A, %jit3A_1 : i32
    %lt3A_2 = arith.constant 8 : i32
    %lt3A_3 = arith.cmpi slt, %arg1, %lt3A_2 : i32
    %mul3A = arith.muli %arg1, %select_n3A : i32
    %mul3A_4 = arith.constant 2 : i32
    %mul3A_5 = arith.muli %arg1, %mul3A_4 : i32
    %add3A = arith.constant 8 : i32
    %add3A_6 = arith.addi %mul3A_5, %add3A : i32
    %select_n3A_7 = arith.select %lt3A_3, %mul3A, %add3A_6 : i32
    %mul3A_8 = arith.constant 1 : i32
    %mul3A_9 = arith.muli %mul3A_8, %select_n3A : i32
    "tpu.region"() ({
      %run_scoped3A = memref.alloca() : memref<2x1x128xi32, #tpu.memory_space<vmem>>
      %run_scoped3A_10 = tpu.sem_alloc : memref<2x!tpu.dma_semaphore, #tpu.memory_space<semaphore_mem>>
      %run_scoped3A_11 = memref.alloca() : memref<2x128x128xf32, #tpu.memory_space<vmem>>
      %run_scoped3A_12 = tpu.sem_alloc : memref<2x!tpu.dma_semaphore, #tpu.memory_space<semaphore_mem>>
      %gt3A = arith.constant 0 : i32
      %gt3A_13 = arith.cmpi sgt, %mul3A_9, %gt3A : i32
      %convert_element_type3A = arith.extui %gt3A_13 : i1 to i32
      %cond3A = arith.constant 0 : i32
      %cond3A_14 = arith.cmpi ne, %convert_element_type3A, %cond3A : i32
      scf.if %cond3A_14 {
        %mul3A_15 = arith.constant 1 : i32
        %mul3A_16 = arith.muli %mul3A_15, %select_n3A : i32
        %sub3A = arith.constant 1 : i32
        %sub3A_17 = arith.subi %mul3A_16, %sub3A : i32
        %eq3A = arith.constant 0 : i32
        %eq3A_18 = arith.cmpi eq, %sub3A_17, %eq3A : i32
        %add3A_19 = arith.constant 0 : i32
        %add3A_20 = arith.addi %add3A_19, %select_n3A_7 : i32
        %select_n3A_21 = arith.constant true
        %select_n3A_22 = arith.constant 0 : i32
        %select_n3A_23 = arith.constant -1 : i32
        %select_n3A_24 = arith.select %select_n3A_21, %select_n3A_23, %select_n3A_22 : i32
        %eq3A_25 = arith.constant -1 : i32
        %eq3A_26 = arith.cmpi eq, %select_n3A_24, %eq3A_25 : i32
        %sub3A_27 = arith.constant 1 : i32
        %sub3A_28 = arith.subi %select_n3A, %sub3A_27 : i32
        %select_n3A_29 = arith.select %eq3A_26, %sub3A_28, %select_n3A_24 : i32
        %add3A_30 = arith.addi %select_n3A_29, %select_n3A_7 : i32
        %select_n3A_31 = arith.constant true
        %select_n3A_32 = arith.constant 0 : i32
        %select_n3A_33 = arith.constant 1 : i32
        %select_n3A_34 = arith.select %select_n3A_31, %select_n3A_33, %select_n3A_32 : i32
        %eq3A_35 = arith.cmpi eq, %select_n3A_34, %select_n3A : i32
        %select_n3A_36 = arith.constant 0 : i32
        %select_n3A_37 = arith.select %eq3A_35, %select_n3A_36, %select_n3A_34 : i32
        %add3A_38 = arith.addi %select_n3A_37, %select_n3A_7 : i32
        %add3A_39 = arith.constant 1 : i32
        %add3A_40 = arith.addi %select_n3A_37, %add3A_39 : i32
        %select_n3A_41 = arith.constant true
        %select_n3A_42 = arith.select %select_n3A_41, %add3A_40, %select_n3A_37 : i32
        %eq3A_43 = arith.cmpi eq, %select_n3A_42, %select_n3A : i32
        %select_n3A_44 = arith.constant 0 : i32
        %select_n3A_45 = arith.select %eq3A_43, %select_n3A_44, %select_n3A_42 : i32
        %add3A_46 = arith.addi %select_n3A_45, %select_n3A_7 : i32
        "tpu.trace_start"() <{level = 10 : i32, message = "ep_initialize_0"}> : () -> ()
        %rem3A = arith.constant 0 : i32
        %rem3A_47 = arith.constant 2 : i32
        %rem3A_48 = arith.remui %rem3A, %rem3A_47 : i32
        %mul3A_49 = arith.constant 128 : i32
        %mul3A_50 = arith.muli %mul3A_49, %add3A_20 : i32
        %dma_start3A = arith.constant 0 : i32
        %dma_start3A_51 = arith.constant 0 : i32
        %dma_start3A_52 = tpu.memref_slice %run_scoped3A[%rem3A_48, %dma_start3A, %dma_start3A_51] : memref<2x1x128xi32, #tpu.memory_space<vmem>> -> memref<1x1x128xi32, #tpu.memory_space<vmem>>
        %dma_start3A_53 = tpu.memref_squeeze %dma_start3A_52 : memref<1x1x128xi32, #tpu.memory_space<vmem>> -> memref<1x128xi32, #tpu.memory_space<vmem>>
        %dma_start3A_54 = arith.constant 0 : i32
        %dma_start3A_55 = tpu.memref_slice %arg3[%dma_start3A_54, %mul3A_50] : memref<1x5120xi32, #tpu.memory_space<hbm>> -> memref<1x128xi32, #tpu.memory_space<hbm>>
        %dma_start3A_56 = tpu.memref_slice %run_scoped3A_10[%rem3A_48] : memref<2x!tpu.dma_semaphore, #tpu.memory_space<semaphore_mem>> -> memref<1x!tpu.dma_semaphore, #tpu.memory_space<semaphore_mem>>
        %dma_start3A_57 = tpu.memref_squeeze %dma_start3A_56 : memref<1x!tpu.dma_semaphore, #tpu.memory_space<semaphore_mem>> -> memref<!tpu.dma_semaphore, #tpu.memory_space<semaphore_mem>>
        %dma_start3A_58 = arith.constant 0 : i32
        %dma_start3A_59 = arith.constant 0 : i32
        %dma_start3A_60 = tpu.memref_slice %run_scoped3A[%rem3A_48, %dma_start3A_58, %dma_start3A_59] : memref<2x1x128xi32, #tpu.memory_space<vmem>> -> memref<1x1x128xi32, #tpu.memory_space<vmem>>
        %dma_start3A_61 = tpu.memref_squeeze %dma_start3A_60 : memref<1x1x128xi32, #tpu.memory_space<vmem>> -> memref<1x128xi32, #tpu.memory_space<vmem>>
        %dma_start3A_62 = arith.constant 0 : i32
        %dma_start3A_63 = tpu.memref_slice %arg3[%dma_start3A_62, %mul3A_50] : memref<1x5120xi32, #tpu.memory_space<hbm>> -> memref<1x128xi32, #tpu.memory_space<hbm>>
        tpu.enqueue_dma source(%dma_start3A_63 : memref<1x128xi32, #tpu.memory_space<hbm>>) target(%dma_start3A_61 : memref<1x128xi32, #tpu.memory_space<vmem>>) target_semaphore(%dma_start3A_57 : memref<!tpu.dma_semaphore, #tpu.memory_space<semaphore_mem>>)
        %add3A_64 = arith.constant 0 : i32
        %add3A_65 = arith.constant 1 : i32
        %add3A_66 = arith.addi %add3A_64, %add3A_65 : i32
        %select_n3A_67 = arith.constant true
        %select_n3A_68 = arith.constant 0 : i32
        %select_n3A_69 = arith.select %select_n3A_67, %add3A_66, %select_n3A_68 : i32
        %while3A = arith.constant 0 : i32
        %while3A_70 = arith.constant 0 : i32
        %while3A_71 = arith.constant 0 : i32
        %while3A_72 = arith.constant 0 : i32
        %while3A_73 = arith.constant 0 : i32
        "tpu.trace_stop"() : () -> ()
        %while3A_74 = arith.subi %mul3A_9, %while3A : i32
        %while3A_75 = arith.addi %while3A, %while3A_74 : i32
        %while3A_76 = arith.constant 1 : i32
        %while3A_77 = arith.divsi %while3A_74, %while3A_76 : i32
        %while3A_78 = arith.muli %while3A_77, %while3A_76 : i32
        %while3A_79 = arith.addi %while3A, %while3A_78 : i32
        %while3A_80 = arith.constant 1 : i32
        %while3A_81:5 = scf.for %while3A_135 = %while3A to %while3A_79 step %while3A_80 iter_args(%while3A_136 = %select_n3A_69, %while3A_137 = %while3A_70, %while3A_138 = %while3A_71, %while3A_139 = %while3A_72, %while3A_140 = %while3A_73) -> (i32, i32, i32, i32, i32)  : i32 {
          %mul3A_141 = arith.constant 1 : i32
          %mul3A_142 = arith.muli %mul3A_141, %select_n3A : i32
          %eq3A_143 = arith.constant 0 : i32
          %eq3A_144 = arith.cmpi eq, %while3A_135, %eq3A_143 : i32
          %sub3A_145 = arith.constant 1 : i32
          %sub3A_146 = arith.subi %mul3A_142, %sub3A_145 : i32
          %eq3A_147 = arith.cmpi eq, %while3A_135, %sub3A_146 : i32
          %add3A_148 = arith.addi %while3A_140, %select_n3A_7 : i32
          %sub3A_149 = arith.constant 1 : i32
          %sub3A_150 = arith.subi %while3A_140, %sub3A_149 : i32
          %select_n3A_151 = arith.constant true
          %select_n3A_152 = arith.select %select_n3A_151, %sub3A_150, %while3A_140 : i32
          %eq3A_153 = arith.constant -1 : i32
          %eq3A_154 = arith.cmpi eq, %select_n3A_152, %eq3A_153 : i32
          %sub3A_155 = arith.constant 1 : i32
          %sub3A_156 = arith.subi %select_n3A, %sub3A_155 : i32
          %select_n3A_157 = arith.select %eq3A_154, %sub3A_156, %select_n3A_152 : i32
          %add3A_158 = arith.addi %select_n3A_157, %select_n3A_7 : i32
          %add3A_159 = arith.constant 1 : i32
          %add3A_160 = arith.addi %while3A_140, %add3A_159 : i32
          %select_n3A_161 = arith.constant true
          %select_n3A_162 = arith.select %select_n3A_161, %add3A_160, %while3A_140 : i32
          %eq3A_163 = arith.cmpi eq, %select_n3A_162, %select_n3A : i32
          %select_n3A_164 = arith.constant 0 : i32
          %select_n3A_165 = arith.select %eq3A_163, %select_n3A_164, %select_n3A_162 : i32
          %add3A_166 = arith.addi %select_n3A_165, %select_n3A_7 : i32
          %add3A_167 = arith.constant 1 : i32
          %add3A_168 = arith.addi %select_n3A_165, %add3A_167 : i32
          %select_n3A_169 = arith.constant true
          %select_n3A_170 = arith.select %select_n3A_169, %add3A_168, %select_n3A_165 : i32
          %eq3A_171 = arith.cmpi eq, %select_n3A_170, %select_n3A : i32
          %select_n3A_172 = arith.constant 0 : i32
          %select_n3A_173 = arith.select %eq3A_171, %select_n3A_172, %select_n3A_170 : i32
          %add3A_174 = arith.addi %select_n3A_173, %select_n3A_7 : i32
          %ne3A = arith.cmpi ne, %add3A_148, %add3A_166 : i32
          %or3A = arith.constant false
          %or3A_175 = arith.ori %or3A, %ne3A : i1
          %sub3A_176 = arith.constant 2 : i32
          %sub3A_177 = arith.subi %mul3A_142, %sub3A_176 : i32
          %add3A_178 = arith.constant 1 : i32
          %add3A_179 = arith.addi %sub3A_177, %add3A_178 : i32
          %ge3A = arith.cmpi sge, %while3A_135, %add3A_179 : i32
          %not3A = arith.constant true
          %not3A_180 = arith.xori %ge3A, %not3A : i1
          %and3A = arith.andi %or3A_175, %not3A_180 : i1
          %convert_element_type3A_181 = arith.extui %and3A : i1 to i32
          %cond3A_182 = arith.constant 0 : i32
          %cond3A_183 = arith.cmpi ne, %convert_element_type3A_181, %cond3A_182 : i32
          scf.if %cond3A_183 {
            "tpu.trace_start"() <{level = 10 : i32, message = "ep_copy_in"}> : () -> ()
            %rem3A_287 = arith.constant 2 : i32
            %rem3A_288 = arith.remui %while3A_136, %rem3A_287 : i32
            %mul3A_289 = arith.constant 128 : i32
            %mul3A_290 = arith.muli %mul3A_289, %add3A_166 : i32
            %dma_start3A_291 = arith.constant 0 : i32
            %dma_start3A_292 = arith.constant 0 : i32
            %dma_start3A_293 = tpu.memref_slice %run_scoped3A[%rem3A_288, %dma_start3A_291, %dma_start3A_292] : memref<2x1x128xi32, #tpu.memory_space<vmem>> -> memref<1x1x128xi32, #tpu.memory_space<vmem>>
            %dma_start3A_294 = tpu.memref_squeeze %dma_start3A_293 : memref<1x1x128xi32, #tpu.memory_space<vmem>> -> memref<1x128xi32, #tpu.memory_space<vmem>>
            %dma_start3A_295 = arith.constant 0 : i32
            %dma_start3A_296 = tpu.memref_slice %arg3[%dma_start3A_295, %mul3A_290] : memref<1x5120xi32, #tpu.memory_space<hbm>> -> memref<1x128xi32, #tpu.memory_space<hbm>>
            %dma_start3A_297 = tpu.memref_slice %run_scoped3A_10[%rem3A_288] : memref<2x!tpu.dma_semaphore, #tpu.memory_space<semaphore_mem>> -> memref<1x!tpu.dma_semaphore, #tpu.memory_space<semaphore_mem>>
            %dma_start3A_298 = tpu.memref_squeeze %dma_start3A_297 : memref<1x!tpu.dma_semaphore, #tpu.memory_space<semaphore_mem>> -> memref<!tpu.dma_semaphore, #tpu.memory_space<semaphore_mem>>
            %dma_start3A_299 = arith.constant 0 : i32
            %dma_start3A_300 = arith.constant 0 : i32
            %dma_start3A_301 = tpu.memref_slice %run_scoped3A[%rem3A_288, %dma_start3A_299, %dma_start3A_300] : memref<2x1x128xi32, #tpu.memory_space<vmem>> -> memref<1x1x128xi32, #tpu.memory_space<vmem>>
            %dma_start3A_302 = tpu.memref_squeeze %dma_start3A_301 : memref<1x1x128xi32, #tpu.memory_space<vmem>> -> memref<1x128xi32, #tpu.memory_space<vmem>>
            %dma_start3A_303 = arith.constant 0 : i32
            %dma_start3A_304 = tpu.memref_slice %arg3[%dma_start3A_303, %mul3A_290] : memref<1x5120xi32, #tpu.memory_space<hbm>> -> memref<1x128xi32, #tpu.memory_space<hbm>>
            tpu.enqueue_dma source(%dma_start3A_304 : memref<1x128xi32, #tpu.memory_space<hbm>>) target(%dma_start3A_302 : memref<1x128xi32, #tpu.memory_space<vmem>>) target_semaphore(%dma_start3A_298 : memref<!tpu.dma_semaphore, #tpu.memory_space<semaphore_mem>>)
            "tpu.trace_stop"() : () -> ()
          } else {
          }
          %and3A_184 = arith.constant true
          %and3A_185 = arith.andi %and3A, %and3A_184 : i1
          %add3A_186 = arith.constant 1 : i32
          %add3A_187 = arith.addi %while3A_136, %add3A_186 : i32
          %select_n3A_188 = arith.select %and3A_185, %add3A_187, %while3A_136 : i32
          %ne3A_189 = arith.cmpi ne, %add3A_148, %add3A_166 : i32
          %or3A_190 = arith.constant false
          %or3A_191 = arith.ori %or3A_190, %ne3A_189 : i1
          %or3A_192 = arith.constant false
          %or3A_193 = arith.ori %or3A_191, %or3A_192 : i1
          %sub3A_194 = arith.constant 2 : i32
          %sub3A_195 = arith.subi %mul3A_142, %sub3A_194 : i32
          %add3A_196 = arith.constant 1 : i32
          %add3A_197 = arith.addi %sub3A_195, %add3A_196 : i32
          %ge3A_198 = arith.cmpi sge, %while3A_135, %add3A_197 : i32
          %not3A_199 = arith.constant true
          %not3A_200 = arith.xori %ge3A_198, %not3A_199 : i1
          %and3A_201 = arith.andi %or3A_193, %not3A_200 : i1
          %ne3A_202 = arith.cmpi ne, %add3A_148, %add3A_158 : i32
          %or3A_203 = arith.constant false
          %or3A_204 = arith.ori %or3A_203, %ne3A_202 : i1
          %or3A_205 = arith.ori %or3A_204, %eq3A_144 : i1
          %convert_element_type3A_206 = arith.extui %or3A_205 : i1 to i32
          %cond3A_207 = arith.constant 0 : i32
          %cond3A_208 = arith.cmpi ne, %convert_element_type3A_206, %cond3A_207 : i32
          scf.if %cond3A_208 {
            "tpu.trace_start"() <{level = 10 : i32, message = "ep_wait_in"}> : () -> ()
            %mul3A_287 = arith.constant 128 : i32
            %mul3A_288 = arith.muli %mul3A_287, %add3A_148 : i32
            %rem3A_289 = arith.constant 2 : i32
            %rem3A_290 = arith.remui %while3A_137, %rem3A_289 : i32
            %dma_wait3A = arith.constant 0 : i32
            %dma_wait3A_291 = arith.constant 0 : i32
            %dma_wait3A_292 = tpu.memref_slice %run_scoped3A[%rem3A_290, %dma_wait3A, %dma_wait3A_291] : memref<2x1x128xi32, #tpu.memory_space<vmem>> -> memref<1x1x128xi32, #tpu.memory_space<vmem>>
            %dma_wait3A_293 = tpu.memref_squeeze %dma_wait3A_292 : memref<1x1x128xi32, #tpu.memory_space<vmem>> -> memref<1x128xi32, #tpu.memory_space<vmem>>
            %dma_wait3A_294 = arith.constant 0 : i32
            %dma_wait3A_295 = tpu.memref_slice %arg3[%dma_wait3A_294, %mul3A_288] : memref<1x5120xi32, #tpu.memory_space<hbm>> -> memref<1x128xi32, #tpu.memory_space<hbm>>
            %dma_wait3A_296 = tpu.memref_slice %run_scoped3A_10[%rem3A_290] : memref<2x!tpu.dma_semaphore, #tpu.memory_space<semaphore_mem>> -> memref<1x!tpu.dma_semaphore, #tpu.memory_space<semaphore_mem>>
            %dma_wait3A_297 = tpu.memref_squeeze %dma_wait3A_296 : memref<1x!tpu.dma_semaphore, #tpu.memory_space<semaphore_mem>> -> memref<!tpu.dma_semaphore, #tpu.memory_space<semaphore_mem>>
            %dma_wait3A_298 = arith.constant 0 : i32
            %dma_wait3A_299 = arith.constant 0 : i32
            %dma_wait3A_300 = tpu.memref_slice %run_scoped3A[%rem3A_290, %dma_wait3A_298, %dma_wait3A_299] : memref<2x1x128xi32, #tpu.memory_space<vmem>> -> memref<1x1x128xi32, #tpu.memory_space<vmem>>
            %dma_wait3A_301 = tpu.memref_squeeze %dma_wait3A_300 : memref<1x1x128xi32, #tpu.memory_space<vmem>> -> memref<1x128xi32, #tpu.memory_space<vmem>>
            %dma_wait3A_302 = arith.constant 0 : i32
            %dma_wait3A_303 = tpu.memref_slice %arg3[%dma_wait3A_302, %mul3A_288] : memref<1x5120xi32, #tpu.memory_space<hbm>> -> memref<1x128xi32, #tpu.memory_space<hbm>>
            tpu.wait_dma2 semaphore(%dma_wait3A_297 : memref<!tpu.dma_semaphore, #tpu.memory_space<semaphore_mem>>) src(%dma_wait3A_303 : memref<1x128xi32, #tpu.memory_space<hbm>>) dst(%dma_wait3A_301 : memref<1x128xi32, #tpu.memory_space<vmem>>)
            "tpu.trace_stop"() : () -> ()
          } else {
          }
          %ne3A_209 = arith.cmpi ne, %add3A_148, %add3A_158 : i32
          %or3A_210 = arith.constant false
          %or3A_211 = arith.ori %or3A_210, %ne3A_209 : i1
          %or3A_212 = arith.constant false
          %or3A_213 = arith.ori %or3A_211, %or3A_212 : i1
          %or3A_214 = arith.ori %or3A_213, %eq3A_144 : i1
          %convert_element_type3A_215 = arith.extui %or3A_214 : i1 to i32
          %cond3A_216 = arith.constant 0 : i32
          %cond3A_217 = arith.cmpi ne, %convert_element_type3A_215, %cond3A_216 : i32
          scf.if %cond3A_217 {
          } else {
          }
          %rem3A_218 = arith.constant 2 : i32
          %rem3A_219 = arith.remui %while3A_137, %rem3A_218 : i32
          %rem3A_220 = arith.constant 2 : i32
          %rem3A_221 = arith.remui %while3A_138, %rem3A_220 : i32
          %run_scoped3A_222 = arith.constant 0 : i32
          "tpu.trace_start"() <{level = 10 : i32, message = "ep_run_kernel"}> : () -> ()
          "tpu.region"() ({
            %run_scoped3A_287 = tpu.sem_alloc : memref<!tpu.dma_semaphore, #tpu.memory_space<semaphore_mem>>
            %dma_start3A_288 = arith.constant 0 : i32
            %dma_start3A_289 = arith.constant 0 : i32
            %dma_start3A_290 = tpu.memref_slice %run_scoped3A_11[%rem3A_221, %dma_start3A_288, %dma_start3A_289] : memref<2x128x128xf32, #tpu.memory_space<vmem>> -> memref<1x128x128xf32, #tpu.memory_space<vmem>>
            %dma_start3A_291 = tpu.memref_squeeze %dma_start3A_290 : memref<1x128x128xf32, #tpu.memory_space<vmem>> -> memref<128x128xf32, #tpu.memory_space<vmem>>
            %dma_start3A_292 = arith.constant 0 : i32
            %dma_start3A_293 = arith.constant 0 : i32
            %dma_start3A_294 = tpu.memref_slice %run_scoped3A[%rem3A_219, %dma_start3A_292, %dma_start3A_293] : memref<2x1x128xi32, #tpu.memory_space<vmem>> -> memref<1x1x128xi32, #tpu.memory_space<vmem>>
            %dma_start3A_295 = tpu.memref_squeeze %dma_start3A_294 : memref<1x1x128xi32, #tpu.memory_space<vmem>> -> memref<1x128xi32, #tpu.memory_space<vmem>>
            %dma_start3A_296 = arith.constant 0 : i32
            %dma_start3A_297 = tpu.memref_slice %dma_start3A_295[%run_scoped3A_222, %dma_start3A_296] : memref<1x128xi32, #tpu.memory_space<vmem>> -> memref<1x128xi32, #tpu.memory_space<vmem>>
            %dma_start3A_298 = tpu.memref_squeeze %dma_start3A_297 : memref<1x128xi32, #tpu.memory_space<vmem>> -> memref<128xi32, #tpu.memory_space<vmem>>
            %dma_start3A_299 = arith.constant 0 : i32
            %dma_start3A_300 = arith.constant 0 : i32
            %dma_start3A_301 = tpu.memref_slice %arg2[%dma_start3A_299, %dma_start3A_300] : memref<10240x128xf32, #tpu.memory_space<hbm>> -> memref<10240x128xf32, #tpu.memory_space<hbm>>
            tpu.enqueue_indirect_dma source(%dma_start3A_301 : memref<10240x128xf32, #tpu.memory_space<hbm>>) target(%dma_start3A_291 : memref<128x128xf32, #tpu.memory_space<vmem>>) offsets(%dma_start3A_298 : memref<128xi32, #tpu.memory_space<vmem>>) semaphore(%run_scoped3A_287 : memref<!tpu.dma_semaphore, #tpu.memory_space<semaphore_mem>>)
            %dma_wait3A = arith.constant 0 : i32
            %dma_wait3A_302 = arith.constant 0 : i32
            %dma_wait3A_303 = tpu.memref_slice %run_scoped3A_11[%rem3A_221, %dma_wait3A, %dma_wait3A_302] : memref<2x128x128xf32, #tpu.memory_space<vmem>> -> memref<1x128x128xf32, #tpu.memory_space<vmem>>
            %dma_wait3A_304 = tpu.memref_squeeze %dma_wait3A_303 : memref<1x128x128xf32, #tpu.memory_space<vmem>> -> memref<128x128xf32, #tpu.memory_space<vmem>>
            %dma_wait3A_305 = arith.constant 0 : i32
            %dma_wait3A_306 = arith.constant 0 : i32
            %dma_wait3A_307 = tpu.memref_slice %run_scoped3A[%rem3A_219, %dma_wait3A_305, %dma_wait3A_306] : memref<2x1x128xi32, #tpu.memory_space<vmem>> -> memref<1x1x128xi32, #tpu.memory_space<vmem>>
            %dma_wait3A_308 = tpu.memref_squeeze %dma_wait3A_307 : memref<1x1x128xi32, #tpu.memory_space<vmem>> -> memref<1x128xi32, #tpu.memory_space<vmem>>
            %dma_wait3A_309 = arith.constant 0 : i32
            %dma_wait3A_310 = tpu.memref_slice %dma_wait3A_308[%run_scoped3A_222, %dma_wait3A_309] : memref<1x128xi32, #tpu.memory_space<vmem>> -> memref<1x128xi32, #tpu.memory_space<vmem>>
            %dma_wait3A_311 = tpu.memref_squeeze %dma_wait3A_310 : memref<1x128xi32, #tpu.memory_space<vmem>> -> memref<128xi32, #tpu.memory_space<vmem>>
            %dma_wait3A_312 = arith.constant 0 : i32
            %dma_wait3A_313 = arith.constant 0 : i32
            %dma_wait3A_314 = tpu.memref_slice %arg2[%dma_wait3A_312, %dma_wait3A_313] : memref<10240x128xf32, #tpu.memory_space<hbm>> -> memref<10240x128xf32, #tpu.memory_space<hbm>>
            tpu.wait_indirect_dma semaphore(%run_scoped3A_287 : memref<!tpu.dma_semaphore, #tpu.memory_space<semaphore_mem>>) src(%dma_wait3A_314 : memref<10240x128xf32, #tpu.memory_space<hbm>>) dst(%dma_wait3A_304 : memref<128x128xf32, #tpu.memory_space<vmem>>)
            tpu.yield
          }) : () -> ()
          "tpu.trace_stop"() : () -> ()
          %ne3A_223 = arith.cmpi ne, %add3A_148, %add3A_166 : i32
          %or3A_224 = arith.constant false
          %or3A_225 = arith.ori %or3A_224, %ne3A_223 : i1
          %or3A_226 = arith.ori %or3A_225, %eq3A_147 : i1
          %convert_element_type3A_227 = arith.extui %or3A_226 : i1 to i32
          %cond3A_228 = arith.constant 0 : i32
          %cond3A_229 = arith.cmpi ne, %convert_element_type3A_227, %cond3A_228 : i32
          scf.if %cond3A_229 {
          } else {
          }
          %and3A_230 = arith.constant false
          %and3A_231 = arith.andi %or3A_226, %and3A_230 : i1
          %ne3A_232 = arith.cmpi ne, %add3A_148, %add3A_166 : i32
          %or3A_233 = arith.constant false
          %or3A_234 = arith.ori %or3A_233, %ne3A_232 : i1
          %or3A_235 = arith.constant false
          %or3A_236 = arith.ori %or3A_234, %or3A_235 : i1
          %or3A_237 = arith.ori %or3A_236, %eq3A_147 : i1
          %convert_element_type3A_238 = arith.extui %or3A_237 : i1 to i32
          %cond3A_239 = arith.constant 0 : i32
          %cond3A_240 = arith.cmpi ne, %convert_element_type3A_238, %cond3A_239 : i32
          scf.if %cond3A_240 {
            "tpu.trace_start"() <{level = 10 : i32, message = "ep_copy_out"}> : () -> ()
            %rem3A_287 = arith.constant 2 : i32
            %rem3A_288 = arith.remui %while3A_138, %rem3A_287 : i32
            %mul3A_289 = arith.constant 128 : i32
            %mul3A_290 = arith.muli %mul3A_289, %add3A_148 : i32
            %dma_start3A_291 = arith.constant 0 : i32
            %dma_start3A_292 = arith.constant 0 : i32
            %dma_start3A_293 = tpu.memref_slice %run_scoped3A_11[%rem3A_288, %dma_start3A_291, %dma_start3A_292] : memref<2x128x128xf32, #tpu.memory_space<vmem>> -> memref<1x128x128xf32, #tpu.memory_space<vmem>>
            %dma_start3A_294 = tpu.memref_squeeze %dma_start3A_293 : memref<1x128x128xf32, #tpu.memory_space<vmem>> -> memref<128x128xf32, #tpu.memory_space<vmem>>
            %dma_start3A_295 = arith.constant 0 : i32
            %dma_start3A_296 = tpu.memref_slice %arg4[%mul3A_290, %dma_start3A_295] : memref<5120x128xf32, #tpu.memory_space<hbm>> -> memref<128x128xf32, #tpu.memory_space<hbm>>
            %dma_start3A_297 = tpu.memref_slice %run_scoped3A_12[%rem3A_288] : memref<2x!tpu.dma_semaphore, #tpu.memory_space<semaphore_mem>> -> memref<1x!tpu.dma_semaphore, #tpu.memory_space<semaphore_mem>>
            %dma_start3A_298 = tpu.memref_squeeze %dma_start3A_297 : memref<1x!tpu.dma_semaphore, #tpu.memory_space<semaphore_mem>> -> memref<!tpu.dma_semaphore, #tpu.memory_space<semaphore_mem>>
            %dma_start3A_299 = arith.constant 0 : i32
            %dma_start3A_300 = tpu.memref_slice %arg4[%mul3A_290, %dma_start3A_299] : memref<5120x128xf32, #tpu.memory_space<hbm>> -> memref<128x128xf32, #tpu.memory_space<hbm>>
            %dma_start3A_301 = arith.constant 0 : i32
            %dma_start3A_302 = arith.constant 0 : i32
            %dma_start3A_303 = tpu.memref_slice %run_scoped3A_11[%rem3A_288, %dma_start3A_301, %dma_start3A_302] : memref<2x128x128xf32, #tpu.memory_space<vmem>> -> memref<1x128x128xf32, #tpu.memory_space<vmem>>
            %dma_start3A_304 = tpu.memref_squeeze %dma_start3A_303 : memref<1x128x128xf32, #tpu.memory_space<vmem>> -> memref<128x128xf32, #tpu.memory_space<vmem>>
            tpu.enqueue_dma source(%dma_start3A_304 : memref<128x128xf32, #tpu.memory_space<vmem>>) target(%dma_start3A_300 : memref<128x128xf32, #tpu.memory_space<hbm>>) target_semaphore(%dma_start3A_298 : memref<!tpu.dma_semaphore, #tpu.memory_space<semaphore_mem>>)
            "tpu.trace_stop"() : () -> ()
          } else {
          }
          %and3A_241 = arith.constant true
          %and3A_242 = arith.andi %or3A_237, %and3A_241 : i1
          %add3A_243 = arith.constant 1 : i32
          %add3A_244 = arith.addi %while3A_138, %add3A_243 : i32
          %select_n3A_245 = arith.select %and3A_242, %add3A_244, %while3A_138 : i32
          %ne3A_246 = arith.cmpi ne, %add3A_148, %add3A_158 : i32
          %or3A_247 = arith.constant false
          %or3A_248 = arith.ori %or3A_247, %ne3A_246 : i1
          %not3A_249 = arith.constant true
          %not3A_250 = arith.xori %eq3A_144, %not3A_249 : i1
          %and3A_251 = arith.andi %or3A_248, %not3A_250 : i1
          %convert_element_type3A_252 = arith.extui %and3A_251 : i1 to i32
          %cond3A_253 = arith.constant 0 : i32
          %cond3A_254 = arith.cmpi ne, %convert_element_type3A_252, %cond3A_253 : i32
          scf.if %cond3A_254 {
          } else {
          }
          %and3A_255 = arith.constant false
          %and3A_256 = arith.andi %and3A_251, %and3A_255 : i1
          %ne3A_257 = arith.cmpi ne, %add3A_148, %add3A_158 : i32
          %or3A_258 = arith.constant false
          %or3A_259 = arith.ori %or3A_258, %ne3A_257 : i1
          %or3A_260 = arith.constant false
          %or3A_261 = arith.ori %or3A_259, %or3A_260 : i1
          %not3A_262 = arith.constant true
          %not3A_263 = arith.xori %eq3A_144, %not3A_262 : i1
          %and3A_264 = arith.andi %or3A_261, %not3A_263 : i1
          %convert_element_type3A_265 = arith.extui %and3A_264 : i1 to i32
          %cond3A_266 = arith.constant 0 : i32
          %cond3A_267 = arith.cmpi ne, %convert_element_type3A_265, %cond3A_266 : i32
          scf.if %cond3A_267 {
            "tpu.trace_start"() <{level = 10 : i32, message = "ep_wait_out"}> : () -> ()
            %rem3A_287 = arith.constant 2 : i32
            %rem3A_288 = arith.remui %while3A_139, %rem3A_287 : i32
            %mul3A_289 = arith.constant 128 : i32
            %mul3A_290 = arith.muli %mul3A_289, %add3A_158 : i32
            %dma_wait3A = arith.constant 0 : i32
            %dma_wait3A_291 = arith.constant 0 : i32
            %dma_wait3A_292 = tpu.memref_slice %run_scoped3A_11[%rem3A_288, %dma_wait3A, %dma_wait3A_291] : memref<2x128x128xf32, #tpu.memory_space<vmem>> -> memref<1x128x128xf32, #tpu.memory_space<vmem>>
            %dma_wait3A_293 = tpu.memref_squeeze %dma_wait3A_292 : memref<1x128x128xf32, #tpu.memory_space<vmem>> -> memref<128x128xf32, #tpu.memory_space<vmem>>
            %dma_wait3A_294 = arith.constant 0 : i32
            %dma_wait3A_295 = tpu.memref_slice %arg4[%mul3A_290, %dma_wait3A_294] : memref<5120x128xf32, #tpu.memory_space<hbm>> -> memref<128x128xf32, #tpu.memory_space<hbm>>
            %dma_wait3A_296 = tpu.memref_slice %run_scoped3A_12[%rem3A_288] : memref<2x!tpu.dma_semaphore, #tpu.memory_space<semaphore_mem>> -> memref<1x!tpu.dma_semaphore, #tpu.memory_space<semaphore_mem>>
            %dma_wait3A_297 = tpu.memref_squeeze %dma_wait3A_296 : memref<1x!tpu.dma_semaphore, #tpu.memory_space<semaphore_mem>> -> memref<!tpu.dma_semaphore, #tpu.memory_space<semaphore_mem>>
            %dma_wait3A_298 = arith.constant 0 : i32
            %dma_wait3A_299 = tpu.memref_slice %arg4[%mul3A_290, %dma_wait3A_298] : memref<5120x128xf32, #tpu.memory_space<hbm>> -> memref<128x128xf32, #tpu.memory_space<hbm>>
            %dma_wait3A_300 = arith.constant 0 : i32
            %dma_wait3A_301 = arith.constant 0 : i32
            %dma_wait3A_302 = tpu.memref_slice %run_scoped3A_11[%rem3A_288, %dma_wait3A_300, %dma_wait3A_301] : memref<2x128x128xf32, #tpu.memory_space<vmem>> -> memref<1x128x128xf32, #tpu.memory_space<vmem>>
            %dma_wait3A_303 = tpu.memref_squeeze %dma_wait3A_302 : memref<1x128x128xf32, #tpu.memory_space<vmem>> -> memref<128x128xf32, #tpu.memory_space<vmem>>
            tpu.wait_dma2 semaphore(%dma_wait3A_297 : memref<!tpu.dma_semaphore, #tpu.memory_space<semaphore_mem>>) src(%dma_wait3A_303 : memref<128x128xf32, #tpu.memory_space<vmem>>) dst(%dma_wait3A_299 : memref<128x128xf32, #tpu.memory_space<hbm>>)
            "tpu.trace_stop"() : () -> ()
          } else {
          }
          %and3A_268 = arith.constant true
          %and3A_269 = arith.andi %and3A_264, %and3A_268 : i1
          %add3A_270 = arith.constant 1 : i32
          %add3A_271 = arith.addi %while3A_139, %add3A_270 : i32
          %select_n3A_272 = arith.select %and3A_269, %add3A_271, %while3A_139 : i32
          %ne3A_273 = arith.cmpi ne, %add3A_148, %add3A_166 : i32
          %or3A_274 = arith.constant false
          %or3A_275 = arith.ori %or3A_274, %ne3A_273 : i1
          %or3A_276 = arith.ori %or3A_275, %eq3A_147 : i1
          %add3A_277 = arith.constant 1 : i32
          %add3A_278 = arith.addi %while3A_137, %add3A_277 : i32
          %select_n3A_279 = arith.select %or3A_276, %add3A_278, %while3A_137 : i32
          %add3A_280 = arith.constant 1 : i32
          %add3A_281 = arith.addi %while3A_140, %add3A_280 : i32
          %select_n3A_282 = arith.constant true
          %select_n3A_283 = arith.select %select_n3A_282, %add3A_281, %while3A_140 : i32
          %eq3A_284 = arith.cmpi eq, %select_n3A_283, %select_n3A : i32
          %select_n3A_285 = arith.constant 0 : i32
          %select_n3A_286 = arith.select %eq3A_284, %select_n3A_285, %select_n3A_283 : i32
          scf.yield %select_n3A_188, %select_n3A_279, %select_n3A_245, %select_n3A_272, %select_n3A_286 : i32, i32, i32, i32, i32
        }
        %while3A_82 = arith.constant 1 : i32
        %while3A_83:5 = scf.for %while3A_135 = %while3A_79 to %while3A_75 step %while3A_82 iter_args(%while3A_136 = %while3A_81#0, %while3A_137 = %while3A_81#1, %while3A_138 = %while3A_81#2, %while3A_139 = %while3A_81#3, %while3A_140 = %while3A_81#4) -> (i32, i32, i32, i32, i32)  : i32 {
          %mul3A_141 = arith.constant 1 : i32
          %mul3A_142 = arith.muli %mul3A_141, %select_n3A : i32
          %eq3A_143 = arith.constant 0 : i32
          %eq3A_144 = arith.cmpi eq, %while3A_135, %eq3A_143 : i32
          %sub3A_145 = arith.constant 1 : i32
          %sub3A_146 = arith.subi %mul3A_142, %sub3A_145 : i32
          %eq3A_147 = arith.cmpi eq, %while3A_135, %sub3A_146 : i32
          %add3A_148 = arith.addi %while3A_140, %select_n3A_7 : i32
          %sub3A_149 = arith.constant 1 : i32
          %sub3A_150 = arith.subi %while3A_140, %sub3A_149 : i32
          %select_n3A_151 = arith.constant true
          %select_n3A_152 = arith.select %select_n3A_151, %sub3A_150, %while3A_140 : i32
          %eq3A_153 = arith.constant -1 : i32
          %eq3A_154 = arith.cmpi eq, %select_n3A_152, %eq3A_153 : i32
          %sub3A_155 = arith.constant 1 : i32
          %sub3A_156 = arith.subi %select_n3A, %sub3A_155 : i32
          %select_n3A_157 = arith.select %eq3A_154, %sub3A_156, %select_n3A_152 : i32
          %add3A_158 = arith.addi %select_n3A_157, %select_n3A_7 : i32
          %add3A_159 = arith.constant 1 : i32
          %add3A_160 = arith.addi %while3A_140, %add3A_159 : i32
          %select_n3A_161 = arith.constant true
          %select_n3A_162 = arith.select %select_n3A_161, %add3A_160, %while3A_140 : i32
          %eq3A_163 = arith.cmpi eq, %select_n3A_162, %select_n3A : i32
          %select_n3A_164 = arith.constant 0 : i32
          %select_n3A_165 = arith.select %eq3A_163, %select_n3A_164, %select_n3A_162 : i32
          %add3A_166 = arith.addi %select_n3A_165, %select_n3A_7 : i32
          %add3A_167 = arith.constant 1 : i32
          %add3A_168 = arith.addi %select_n3A_165, %add3A_167 : i32
          %select_n3A_169 = arith.constant true
          %select_n3A_170 = arith.select %select_n3A_169, %add3A_168, %select_n3A_165 : i32
          %eq3A_171 = arith.cmpi eq, %select_n3A_170, %select_n3A : i32
          %select_n3A_172 = arith.constant 0 : i32
          %select_n3A_173 = arith.select %eq3A_171, %select_n3A_172, %select_n3A_170 : i32
          %add3A_174 = arith.addi %select_n3A_173, %select_n3A_7 : i32
          %ne3A = arith.cmpi ne, %add3A_148, %add3A_166 : i32
          %or3A = arith.constant false
          %or3A_175 = arith.ori %or3A, %ne3A : i1
          %sub3A_176 = arith.constant 2 : i32
          %sub3A_177 = arith.subi %mul3A_142, %sub3A_176 : i32
          %add3A_178 = arith.constant 1 : i32
          %add3A_179 = arith.addi %sub3A_177, %add3A_178 : i32
          %ge3A = arith.cmpi sge, %while3A_135, %add3A_179 : i32
          %not3A = arith.constant true
          %not3A_180 = arith.xori %ge3A, %not3A : i1
          %and3A = arith.andi %or3A_175, %not3A_180 : i1
          %convert_element_type3A_181 = arith.extui %and3A : i1 to i32
          %cond3A_182 = arith.constant 0 : i32
          %cond3A_183 = arith.cmpi ne, %convert_element_type3A_181, %cond3A_182 : i32
          scf.if %cond3A_183 {
            "tpu.trace_start"() <{level = 10 : i32, message = "ep_copy_in"}> : () -> ()
            %rem3A_287 = arith.constant 2 : i32
            %rem3A_288 = arith.remui %while3A_136, %rem3A_287 : i32
            %mul3A_289 = arith.constant 128 : i32
            %mul3A_290 = arith.muli %mul3A_289, %add3A_166 : i32
            %dma_start3A_291 = arith.constant 0 : i32
            %dma_start3A_292 = arith.constant 0 : i32
            %dma_start3A_293 = tpu.memref_slice %run_scoped3A[%rem3A_288, %dma_start3A_291, %dma_start3A_292] : memref<2x1x128xi32, #tpu.memory_space<vmem>> -> memref<1x1x128xi32, #tpu.memory_space<vmem>>
            %dma_start3A_294 = tpu.memref_squeeze %dma_start3A_293 : memref<1x1x128xi32, #tpu.memory_space<vmem>> -> memref<1x128xi32, #tpu.memory_space<vmem>>
            %dma_start3A_295 = arith.constant 0 : i32
            %dma_start3A_296 = tpu.memref_slice %arg3[%dma_start3A_295, %mul3A_290] : memref<1x5120xi32, #tpu.memory_space<hbm>> -> memref<1x128xi32, #tpu.memory_space<hbm>>
            %dma_start3A_297 = tpu.memref_slice %run_scoped3A_10[%rem3A_288] : memref<2x!tpu.dma_semaphore, #tpu.memory_space<semaphore_mem>> -> memref<1x!tpu.dma_semaphore, #tpu.memory_space<semaphore_mem>>
            %dma_start3A_298 = tpu.memref_squeeze %dma_start3A_297 : memref<1x!tpu.dma_semaphore, #tpu.memory_space<semaphore_mem>> -> memref<!tpu.dma_semaphore, #tpu.memory_space<semaphore_mem>>
            %dma_start3A_299 = arith.constant 0 : i32
            %dma_start3A_300 = arith.constant 0 : i32
            %dma_start3A_301 = tpu.memref_slice %run_scoped3A[%rem3A_288, %dma_start3A_299, %dma_start3A_300] : memref<2x1x128xi32, #tpu.memory_space<vmem>> -> memref<1x1x128xi32, #tpu.memory_space<vmem>>
            %dma_start3A_302 = tpu.memref_squeeze %dma_start3A_301 : memref<1x1x128xi32, #tpu.memory_space<vmem>> -> memref<1x128xi32, #tpu.memory_space<vmem>>
            %dma_start3A_303 = arith.constant 0 : i32
            %dma_start3A_304 = tpu.memref_slice %arg3[%dma_start3A_303, %mul3A_290] : memref<1x5120xi32, #tpu.memory_space<hbm>> -> memref<1x128xi32, #tpu.memory_space<hbm>>
            tpu.enqueue_dma source(%dma_start3A_304 : memref<1x128xi32, #tpu.memory_space<hbm>>) target(%dma_start3A_302 : memref<1x128xi32, #tpu.memory_space<vmem>>) target_semaphore(%dma_start3A_298 : memref<!tpu.dma_semaphore, #tpu.memory_space<semaphore_mem>>)
            "tpu.trace_stop"() : () -> ()
          } else {
          }
          %and3A_184 = arith.constant true
          %and3A_185 = arith.andi %and3A, %and3A_184 : i1
          %add3A_186 = arith.constant 1 : i32
          %add3A_187 = arith.addi %while3A_136, %add3A_186 : i32
          %select_n3A_188 = arith.select %and3A_185, %add3A_187, %while3A_136 : i32
          %ne3A_189 = arith.cmpi ne, %add3A_148, %add3A_166 : i32
          %or3A_190 = arith.constant false
          %or3A_191 = arith.ori %or3A_190, %ne3A_189 : i1
          %or3A_192 = arith.constant false
          %or3A_193 = arith.ori %or3A_191, %or3A_192 : i1
          %sub3A_194 = arith.constant 2 : i32
          %sub3A_195 = arith.subi %mul3A_142, %sub3A_194 : i32
          %add3A_196 = arith.constant 1 : i32
          %add3A_197 = arith.addi %sub3A_195, %add3A_196 : i32
          %ge3A_198 = arith.cmpi sge, %while3A_135, %add3A_197 : i32
          %not3A_199 = arith.constant true
          %not3A_200 = arith.xori %ge3A_198, %not3A_199 : i1
          %and3A_201 = arith.andi %or3A_193, %not3A_200 : i1
          %ne3A_202 = arith.cmpi ne, %add3A_148, %add3A_158 : i32
          %or3A_203 = arith.constant false
          %or3A_204 = arith.ori %or3A_203, %ne3A_202 : i1
          %or3A_205 = arith.ori %or3A_204, %eq3A_144 : i1
          %convert_element_type3A_206 = arith.extui %or3A_205 : i1 to i32
          %cond3A_207 = arith.constant 0 : i32
          %cond3A_208 = arith.cmpi ne, %convert_element_type3A_206, %cond3A_207 : i32
          scf.if %cond3A_208 {
            "tpu.trace_start"() <{level = 10 : i32, message = "ep_wait_in"}> : () -> ()
            %mul3A_287 = arith.constant 128 : i32
            %mul3A_288 = arith.muli %mul3A_287, %add3A_148 : i32
            %rem3A_289 = arith.constant 2 : i32
            %rem3A_290 = arith.remui %while3A_137, %rem3A_289 : i32
            %dma_wait3A = arith.constant 0 : i32
            %dma_wait3A_291 = arith.constant 0 : i32
            %dma_wait3A_292 = tpu.memref_slice %run_scoped3A[%rem3A_290, %dma_wait3A, %dma_wait3A_291] : memref<2x1x128xi32, #tpu.memory_space<vmem>> -> memref<1x1x128xi32, #tpu.memory_space<vmem>>
            %dma_wait3A_293 = tpu.memref_squeeze %dma_wait3A_292 : memref<1x1x128xi32, #tpu.memory_space<vmem>> -> memref<1x128xi32, #tpu.memory_space<vmem>>
            %dma_wait3A_294 = arith.constant 0 : i32
            %dma_wait3A_295 = tpu.memref_slice %arg3[%dma_wait3A_294, %mul3A_288] : memref<1x5120xi32, #tpu.memory_space<hbm>> -> memref<1x128xi32, #tpu.memory_space<hbm>>
            %dma_wait3A_296 = tpu.memref_slice %run_scoped3A_10[%rem3A_290] : memref<2x!tpu.dma_semaphore, #tpu.memory_space<semaphore_mem>> -> memref<1x!tpu.dma_semaphore, #tpu.memory_space<semaphore_mem>>
            %dma_wait3A_297 = tpu.memref_squeeze %dma_wait3A_296 : memref<1x!tpu.dma_semaphore, #tpu.memory_space<semaphore_mem>> -> memref<!tpu.dma_semaphore, #tpu.memory_space<semaphore_mem>>
            %dma_wait3A_298 = arith.constant 0 : i32
            %dma_wait3A_299 = arith.constant 0 : i32
            %dma_wait3A_300 = tpu.memref_slice %run_scoped3A[%rem3A_290, %dma_wait3A_298, %dma_wait3A_299] : memref<2x1x128xi32, #tpu.memory_space<vmem>> -> memref<1x1x128xi32, #tpu.memory_space<vmem>>
            %dma_wait3A_301 = tpu.memref_squeeze %dma_wait3A_300 : memref<1x1x128xi32, #tpu.memory_space<vmem>> -> memref<1x128xi32, #tpu.memory_space<vmem>>
            %dma_wait3A_302 = arith.constant 0 : i32
            %dma_wait3A_303 = tpu.memref_slice %arg3[%dma_wait3A_302, %mul3A_288] : memref<1x5120xi32, #tpu.memory_space<hbm>> -> memref<1x128xi32, #tpu.memory_space<hbm>>
            tpu.wait_dma2 semaphore(%dma_wait3A_297 : memref<!tpu.dma_semaphore, #tpu.memory_space<semaphore_mem>>) src(%dma_wait3A_303 : memref<1x128xi32, #tpu.memory_space<hbm>>) dst(%dma_wait3A_301 : memref<1x128xi32, #tpu.memory_space<vmem>>)
            "tpu.trace_stop"() : () -> ()
          } else {
          }
          %ne3A_209 = arith.cmpi ne, %add3A_148, %add3A_158 : i32
          %or3A_210 = arith.constant false
          %or3A_211 = arith.ori %or3A_210, %ne3A_209 : i1
          %or3A_212 = arith.constant false
          %or3A_213 = arith.ori %or3A_211, %or3A_212 : i1
          %or3A_214 = arith.ori %or3A_213, %eq3A_144 : i1
          %convert_element_type3A_215 = arith.extui %or3A_214 : i1 to i32
          %cond3A_216 = arith.constant 0 : i32
          %cond3A_217 = arith.cmpi ne, %convert_element_type3A_215, %cond3A_216 : i32
          scf.if %cond3A_217 {
          } else {
          }
          %rem3A_218 = arith.constant 2 : i32
          %rem3A_219 = arith.remui %while3A_137, %rem3A_218 : i32
          %rem3A_220 = arith.constant 2 : i32
          %rem3A_221 = arith.remui %while3A_138, %rem3A_220 : i32
          %run_scoped3A_222 = arith.constant 0 : i32
          "tpu.trace_start"() <{level = 10 : i32, message = "ep_run_kernel"}> : () -> ()
          "tpu.region"() ({
            %run_scoped3A_287 = tpu.sem_alloc : memref<!tpu.dma_semaphore, #tpu.memory_space<semaphore_mem>>
            %dma_start3A_288 = arith.constant 0 : i32
            %dma_start3A_289 = arith.constant 0 : i32
            %dma_start3A_290 = tpu.memref_slice %run_scoped3A_11[%rem3A_221, %dma_start3A_288, %dma_start3A_289] : memref<2x128x128xf32, #tpu.memory_space<vmem>> -> memref<1x128x128xf32, #tpu.memory_space<vmem>>
            %dma_start3A_291 = tpu.memref_squeeze %dma_start3A_290 : memref<1x128x128xf32, #tpu.memory_space<vmem>> -> memref<128x128xf32, #tpu.memory_space<vmem>>
            %dma_start3A_292 = arith.constant 0 : i32
            %dma_start3A_293 = arith.constant 0 : i32
            %dma_start3A_294 = tpu.memref_slice %run_scoped3A[%rem3A_219, %dma_start3A_292, %dma_start3A_293] : memref<2x1x128xi32, #tpu.memory_space<vmem>> -> memref<1x1x128xi32, #tpu.memory_space<vmem>>
            %dma_start3A_295 = tpu.memref_squeeze %dma_start3A_294 : memref<1x1x128xi32, #tpu.memory_space<vmem>> -> memref<1x128xi32, #tpu.memory_space<vmem>>
            %dma_start3A_296 = arith.constant 0 : i32
            %dma_start3A_297 = tpu.memref_slice %dma_start3A_295[%run_scoped3A_222, %dma_start3A_296] : memref<1x128xi32, #tpu.memory_space<vmem>> -> memref<1x128xi32, #tpu.memory_space<vmem>>
            %dma_start3A_298 = tpu.memref_squeeze %dma_start3A_297 : memref<1x128xi32, #tpu.memory_space<vmem>> -> memref<128xi32, #tpu.memory_space<vmem>>
            %dma_start3A_299 = arith.constant 0 : i32
            %dma_start3A_300 = arith.constant 0 : i32
            %dma_start3A_301 = tpu.memref_slice %arg2[%dma_start3A_299, %dma_start3A_300] : memref<10240x128xf32, #tpu.memory_space<hbm>> -> memref<10240x128xf32, #tpu.memory_space<hbm>>
            tpu.enqueue_indirect_dma source(%dma_start3A_301 : memref<10240x128xf32, #tpu.memory_space<hbm>>) target(%dma_start3A_291 : memref<128x128xf32, #tpu.memory_space<vmem>>) offsets(%dma_start3A_298 : memref<128xi32, #tpu.memory_space<vmem>>) semaphore(%run_scoped3A_287 : memref<!tpu.dma_semaphore, #tpu.memory_space<semaphore_mem>>)
            %dma_wait3A = arith.constant 0 : i32
            %dma_wait3A_302 = arith.constant 0 : i32
            %dma_wait3A_303 = tpu.memref_slice %run_scoped3A_11[%rem3A_221, %dma_wait3A, %dma_wait3A_302] : memref<2x128x128xf32, #tpu.memory_space<vmem>> -> memref<1x128x128xf32, #tpu.memory_space<vmem>>
            %dma_wait3A_304 = tpu.memref_squeeze %dma_wait3A_303 : memref<1x128x128xf32, #tpu.memory_space<vmem>> -> memref<128x128xf32, #tpu.memory_space<vmem>>
            %dma_wait3A_305 = arith.constant 0 : i32
            %dma_wait3A_306 = arith.constant 0 : i32
            %dma_wait3A_307 = tpu.memref_slice %run_scoped3A[%rem3A_219, %dma_wait3A_305, %dma_wait3A_306] : memref<2x1x128xi32, #tpu.memory_space<vmem>> -> memref<1x1x128xi32, #tpu.memory_space<vmem>>
            %dma_wait3A_308 = tpu.memref_squeeze %dma_wait3A_307 : memref<1x1x128xi32, #tpu.memory_space<vmem>> -> memref<1x128xi32, #tpu.memory_space<vmem>>
            %dma_wait3A_309 = arith.constant 0 : i32
            %dma_wait3A_310 = tpu.memref_slice %dma_wait3A_308[%run_scoped3A_222, %dma_wait3A_309] : memref<1x128xi32, #tpu.memory_space<vmem>> -> memref<1x128xi32, #tpu.memory_space<vmem>>
            %dma_wait3A_311 = tpu.memref_squeeze %dma_wait3A_310 : memref<1x128xi32, #tpu.memory_space<vmem>> -> memref<128xi32, #tpu.memory_space<vmem>>
            %dma_wait3A_312 = arith.constant 0 : i32
            %dma_wait3A_313 = arith.constant 0 : i32
            %dma_wait3A_314 = tpu.memref_slice %arg2[%dma_wait3A_312, %dma_wait3A_313] : memref<10240x128xf32, #tpu.memory_space<hbm>> -> memref<10240x128xf32, #tpu.memory_space<hbm>>
            tpu.wait_indirect_dma semaphore(%run_scoped3A_287 : memref<!tpu.dma_semaphore, #tpu.memory_space<semaphore_mem>>) src(%dma_wait3A_314 : memref<10240x128xf32, #tpu.memory_space<hbm>>) dst(%dma_wait3A_304 : memref<128x128xf32, #tpu.memory_space<vmem>>)
            tpu.yield
          }) : () -> ()
          "tpu.trace_stop"() : () -> ()
          %ne3A_223 = arith.cmpi ne, %add3A_148, %add3A_166 : i32
          %or3A_224 = arith.constant false
          %or3A_225 = arith.ori %or3A_224, %ne3A_223 : i1
          %or3A_226 = arith.ori %or3A_225, %eq3A_147 : i1
          %convert_element_type3A_227 = arith.extui %or3A_226 : i1 to i32
          %cond3A_228 = arith.constant 0 : i32
          %cond3A_229 = arith.cmpi ne, %convert_element_type3A_227, %cond3A_228 : i32
          scf.if %cond3A_229 {
          } else {
          }
          %and3A_230 = arith.constant false
          %and3A_231 = arith.andi %or3A_226, %and3A_230 : i1
          %ne3A_232 = arith.cmpi ne, %add3A_148, %add3A_166 : i32
          %or3A_233 = arith.constant false
          %or3A_234 = arith.ori %or3A_233, %ne3A_232 : i1
          %or3A_235 = arith.constant false
          %or3A_236 = arith.ori %or3A_234, %or3A_235 : i1
          %or3A_237 = arith.ori %or3A_236, %eq3A_147 : i1
          %convert_element_type3A_238 = arith.extui %or3A_237 : i1 to i32
          %cond3A_239 = arith.constant 0 : i32
          %cond3A_240 = arith.cmpi ne, %convert_element_type3A_238, %cond3A_239 : i32
          scf.if %cond3A_240 {
            "tpu.trace_start"() <{level = 10 : i32, message = "ep_copy_out"}> : () -> ()
            %rem3A_287 = arith.constant 2 : i32
            %rem3A_288 = arith.remui %while3A_138, %rem3A_287 : i32
            %mul3A_289 = arith.constant 128 : i32
            %mul3A_290 = arith.muli %mul3A_289, %add3A_148 : i32
            %dma_start3A_291 = arith.constant 0 : i32
            %dma_start3A_292 = arith.constant 0 : i32
            %dma_start3A_293 = tpu.memref_slice %run_scoped3A_11[%rem3A_288, %dma_start3A_291, %dma_start3A_292] : memref<2x128x128xf32, #tpu.memory_space<vmem>> -> memref<1x128x128xf32, #tpu.memory_space<vmem>>
            %dma_start3A_294 = tpu.memref_squeeze %dma_start3A_293 : memref<1x128x128xf32, #tpu.memory_space<vmem>> -> memref<128x128xf32, #tpu.memory_space<vmem>>
            %dma_start3A_295 = arith.constant 0 : i32
            %dma_start3A_296 = tpu.memref_slice %arg4[%mul3A_290, %dma_start3A_295] : memref<5120x128xf32, #tpu.memory_space<hbm>> -> memref<128x128xf32, #tpu.memory_space<hbm>>
            %dma_start3A_297 = tpu.memref_slice %run_scoped3A_12[%rem3A_288] : memref<2x!tpu.dma_semaphore, #tpu.memory_space<semaphore_mem>> -> memref<1x!tpu.dma_semaphore, #tpu.memory_space<semaphore_mem>>
            %dma_start3A_298 = tpu.memref_squeeze %dma_start3A_297 : memref<1x!tpu.dma_semaphore, #tpu.memory_space<semaphore_mem>> -> memref<!tpu.dma_semaphore, #tpu.memory_space<semaphore_mem>>
            %dma_start3A_299 = arith.constant 0 : i32
            %dma_start3A_300 = tpu.memref_slice %arg4[%mul3A_290, %dma_start3A_299] : memref<5120x128xf32, #tpu.memory_space<hbm>> -> memref<128x128xf32, #tpu.memory_space<hbm>>
            %dma_start3A_301 = arith.constant 0 : i32
            %dma_start3A_302 = arith.constant 0 : i32
            %dma_start3A_303 = tpu.memref_slice %run_scoped3A_11[%rem3A_288, %dma_start3A_301, %dma_start3A_302] : memref<2x128x128xf32, #tpu.memory_space<vmem>> -> memref<1x128x128xf32, #tpu.memory_space<vmem>>
            %dma_start3A_304 = tpu.memref_squeeze %dma_start3A_303 : memref<1x128x128xf32, #tpu.memory_space<vmem>> -> memref<128x128xf32, #tpu.memory_space<vmem>>
            tpu.enqueue_dma source(%dma_start3A_304 : memref<128x128xf32, #tpu.memory_space<vmem>>) target(%dma_start3A_300 : memref<128x128xf32, #tpu.memory_space<hbm>>) target_semaphore(%dma_start3A_298 : memref<!tpu.dma_semaphore, #tpu.memory_space<semaphore_mem>>)
            "tpu.trace_stop"() : () -> ()
          } else {
          }
          %and3A_241 = arith.constant true
          %and3A_242 = arith.andi %or3A_237, %and3A_241 : i1
          %add3A_243 = arith.constant 1 : i32
          %add3A_244 = arith.addi %while3A_138, %add3A_243 : i32
          %select_n3A_245 = arith.select %and3A_242, %add3A_244, %while3A_138 : i32
          %ne3A_246 = arith.cmpi ne, %add3A_148, %add3A_158 : i32
          %or3A_247 = arith.constant false
          %or3A_248 = arith.ori %or3A_247, %ne3A_246 : i1
          %not3A_249 = arith.constant true
          %not3A_250 = arith.xori %eq3A_144, %not3A_249 : i1
          %and3A_251 = arith.andi %or3A_248, %not3A_250 : i1
          %convert_element_type3A_252 = arith.extui %and3A_251 : i1 to i32
          %cond3A_253 = arith.constant 0 : i32
          %cond3A_254 = arith.cmpi ne, %convert_element_type3A_252, %cond3A_253 : i32
          scf.if %cond3A_254 {
          } else {
          }
          %and3A_255 = arith.constant false
          %and3A_256 = arith.andi %and3A_251, %and3A_255 : i1
          %ne3A_257 = arith.cmpi ne, %add3A_148, %add3A_158 : i32
          %or3A_258 = arith.constant false
          %or3A_259 = arith.ori %or3A_258, %ne3A_257 : i1
          %or3A_260 = arith.constant false
          %or3A_261 = arith.ori %or3A_259, %or3A_260 : i1
          %not3A_262 = arith.constant true
          %not3A_263 = arith.xori %eq3A_144, %not3A_262 : i1
          %and3A_264 = arith.andi %or3A_261, %not3A_263 : i1
          %convert_element_type3A_265 = arith.extui %and3A_264 : i1 to i32
          %cond3A_266 = arith.constant 0 : i32
          %cond3A_267 = arith.cmpi ne, %convert_element_type3A_265, %cond3A_266 : i32
          scf.if %cond3A_267 {
            "tpu.trace_start"() <{level = 10 : i32, message = "ep_wait_out"}> : () -> ()
            %rem3A_287 = arith.constant 2 : i32
            %rem3A_288 = arith.remui %while3A_139, %rem3A_287 : i32
            %mul3A_289 = arith.constant 128 : i32
            %mul3A_290 = arith.muli %mul3A_289, %add3A_158 : i32
            %dma_wait3A = arith.constant 0 : i32
            %dma_wait3A_291 = arith.constant 0 : i32
            %dma_wait3A_292 = tpu.memref_slice %run_scoped3A_11[%rem3A_288, %dma_wait3A, %dma_wait3A_291] : memref<2x128x128xf32, #tpu.memory_space<vmem>> -> memref<1x128x128xf32, #tpu.memory_space<vmem>>
            %dma_wait3A_293 = tpu.memref_squeeze %dma_wait3A_292 : memref<1x128x128xf32, #tpu.memory_space<vmem>> -> memref<128x128xf32, #tpu.memory_space<vmem>>
            %dma_wait3A_294 = arith.constant 0 : i32
            %dma_wait3A_295 = tpu.memref_slice %arg4[%mul3A_290, %dma_wait3A_294] : memref<5120x128xf32, #tpu.memory_space<hbm>> -> memref<128x128xf32, #tpu.memory_space<hbm>>
            %dma_wait3A_296 = tpu.memref_slice %run_scoped3A_12[%rem3A_288] : memref<2x!tpu.dma_semaphore, #tpu.memory_space<semaphore_mem>> -> memref<1x!tpu.dma_semaphore, #tpu.memory_space<semaphore_mem>>
            %dma_wait3A_297 = tpu.memref_squeeze %dma_wait3A_296 : memref<1x!tpu.dma_semaphore, #tpu.memory_space<semaphore_mem>> -> memref<!tpu.dma_semaphore, #tpu.memory_space<semaphore_mem>>
            %dma_wait3A_298 = arith.constant 0 : i32
            %dma_wait3A_299 = tpu.memref_slice %arg4[%mul3A_290, %dma_wait3A_298] : memref<5120x128xf32, #tpu.memory_space<hbm>> -> memref<128x128xf32, #tpu.memory_space<hbm>>
            %dma_wait3A_300 = arith.constant 0 : i32
            %dma_wait3A_301 = arith.constant 0 : i32
            %dma_wait3A_302 = tpu.memref_slice %run_scoped3A_11[%rem3A_288, %dma_wait3A_300, %dma_wait3A_301] : memref<2x128x128xf32, #tpu.memory_space<vmem>> -> memref<1x128x128xf32, #tpu.memory_space<vmem>>
            %dma_wait3A_303 = tpu.memref_squeeze %dma_wait3A_302 : memref<1x128x128xf32, #tpu.memory_space<vmem>> -> memref<128x128xf32, #tpu.memory_space<vmem>>
            tpu.wait_dma2 semaphore(%dma_wait3A_297 : memref<!tpu.dma_semaphore, #tpu.memory_space<semaphore_mem>>) src(%dma_wait3A_303 : memref<128x128xf32, #tpu.memory_space<vmem>>) dst(%dma_wait3A_299 : memref<128x128xf32, #tpu.memory_space<hbm>>)
            "tpu.trace_stop"() : () -> ()
          } else {
          }
          %and3A_268 = arith.constant true
          %and3A_269 = arith.andi %and3A_264, %and3A_268 : i1
          %add3A_270 = arith.constant 1 : i32
          %add3A_271 = arith.addi %while3A_139, %add3A_270 : i32
          %select_n3A_272 = arith.select %and3A_269, %add3A_271, %while3A_139 : i32
          %ne3A_273 = arith.cmpi ne, %add3A_148, %add3A_166 : i32
          %or3A_274 = arith.constant false
          %or3A_275 = arith.ori %or3A_274, %ne3A_273 : i1
          %or3A_276 = arith.ori %or3A_275, %eq3A_147 : i1
          %add3A_277 = arith.constant 1 : i32
          %add3A_278 = arith.addi %while3A_137, %add3A_277 : i32
          %select_n3A_279 = arith.select %or3A_276, %add3A_278, %while3A_137 : i32
          %add3A_280 = arith.constant 1 : i32
          %add3A_281 = arith.addi %while3A_140, %add3A_280 : i32
          %select_n3A_282 = arith.constant true
          %select_n3A_283 = arith.select %select_n3A_282, %add3A_281, %while3A_140 : i32
          %eq3A_284 = arith.cmpi eq, %select_n3A_283, %select_n3A : i32
          %select_n3A_285 = arith.constant 0 : i32
          %select_n3A_286 = arith.select %eq3A_284, %select_n3A_285, %select_n3A_283 : i32
          scf.yield %select_n3A_188, %select_n3A_279, %select_n3A_245, %select_n3A_272, %select_n3A_286 : i32, i32, i32, i32, i32
        }
        %sub3A_84 = arith.constant 1 : i32
        %sub3A_85 = arith.subi %while3A_83#4, %sub3A_84 : i32
        %select_n3A_86 = arith.constant true
        %select_n3A_87 = arith.select %select_n3A_86, %sub3A_85, %while3A_83#4 : i32
        %eq3A_88 = arith.constant -1 : i32
        %eq3A_89 = arith.cmpi eq, %select_n3A_87, %eq3A_88 : i32
        %sub3A_90 = arith.constant 1 : i32
        %sub3A_91 = arith.subi %select_n3A, %sub3A_90 : i32
        %select_n3A_92 = arith.select %eq3A_89, %sub3A_91, %select_n3A_87 : i32
        %sub3A_93 = arith.constant 1 : i32
        %sub3A_94 = arith.subi %mul3A_9, %sub3A_93 : i32
        %mul3A_95 = arith.constant 1 : i32
        %mul3A_96 = arith.muli %mul3A_95, %select_n3A : i32
        %eq3A_97 = arith.constant 0 : i32
        %eq3A_98 = arith.cmpi eq, %sub3A_94, %eq3A_97 : i32
        %sub3A_99 = arith.constant 1 : i32
        %sub3A_100 = arith.subi %mul3A_96, %sub3A_99 : i32
        %eq3A_101 = arith.cmpi eq, %sub3A_94, %sub3A_100 : i32
        %add3A_102 = arith.addi %select_n3A_92, %select_n3A_7 : i32
        %sub3A_103 = arith.constant 1 : i32
        %sub3A_104 = arith.subi %select_n3A_92, %sub3A_103 : i32
        %select_n3A_105 = arith.constant true
        %select_n3A_106 = arith.select %select_n3A_105, %sub3A_104, %select_n3A_92 : i32
        %eq3A_107 = arith.constant -1 : i32
        %eq3A_108 = arith.cmpi eq, %select_n3A_106, %eq3A_107 : i32
        %sub3A_109 = arith.constant 1 : i32
        %sub3A_110 = arith.subi %select_n3A, %sub3A_109 : i32
        %select_n3A_111 = arith.select %eq3A_108, %sub3A_110, %select_n3A_106 : i32
        %add3A_112 = arith.addi %select_n3A_111, %select_n3A_7 : i32
        %add3A_113 = arith.constant 1 : i32
        %add3A_114 = arith.addi %select_n3A_92, %add3A_113 : i32
        %select_n3A_115 = arith.constant true
        %select_n3A_116 = arith.select %select_n3A_115, %add3A_114, %select_n3A_92 : i32
        %eq3A_117 = arith.cmpi eq, %select_n3A_116, %select_n3A : i32
        %select_n3A_118 = arith.constant 0 : i32
        %select_n3A_119 = arith.select %eq3A_117, %select_n3A_118, %select_n3A_116 : i32
        %add3A_120 = arith.addi %select_n3A_119, %select_n3A_7 : i32
        %add3A_121 = arith.constant 1 : i32
        %add3A_122 = arith.addi %select_n3A_119, %add3A_121 : i32
        %select_n3A_123 = arith.constant true
        %select_n3A_124 = arith.select %select_n3A_123, %add3A_122, %select_n3A_119 : i32
        %eq3A_125 = arith.cmpi eq, %select_n3A_124, %select_n3A : i32
        %select_n3A_126 = arith.constant 0 : i32
        %select_n3A_127 = arith.select %eq3A_125, %select_n3A_126, %select_n3A_124 : i32
        %add3A_128 = arith.addi %select_n3A_127, %select_n3A_7 : i32
        %convert_element_type3A_129 = arith.extui %eq3A_101 : i1 to i32
        %cond3A_130 = arith.constant 0 : i32
        %cond3A_131 = arith.cmpi ne, %convert_element_type3A_129, %cond3A_130 : i32
        scf.if %cond3A_131 {
        } else {
        }
        %convert_element_type3A_132 = arith.extui %eq3A_101 : i1 to i32
        %cond3A_133 = arith.constant 0 : i32
        %cond3A_134 = arith.cmpi ne, %convert_element_type3A_132, %cond3A_133 : i32
        scf.if %cond3A_134 {
          "tpu.trace_start"() <{level = 10 : i32, message = "ep_finalize"}> : () -> ()
          %rem3A_135 = arith.constant 2 : i32
          %rem3A_136 = arith.remui %while3A_83#3, %rem3A_135 : i32
          %mul3A_137 = arith.constant 128 : i32
          %mul3A_138 = arith.muli %mul3A_137, %add3A_102 : i32
          %dma_wait3A = arith.constant 0 : i32
          %dma_wait3A_139 = arith.constant 0 : i32
          %dma_wait3A_140 = tpu.memref_slice %run_scoped3A_11[%rem3A_136, %dma_wait3A, %dma_wait3A_139] : memref<2x128x128xf32, #tpu.memory_space<vmem>> -> memref<1x128x128xf32, #tpu.memory_space<vmem>>
          %dma_wait3A_141 = tpu.memref_squeeze %dma_wait3A_140 : memref<1x128x128xf32, #tpu.memory_space<vmem>> -> memref<128x128xf32, #tpu.memory_space<vmem>>
          %dma_wait3A_142 = arith.constant 0 : i32
          %dma_wait3A_143 = tpu.memref_slice %arg4[%mul3A_138, %dma_wait3A_142] : memref<5120x128xf32, #tpu.memory_space<hbm>> -> memref<128x128xf32, #tpu.memory_space<hbm>>
          %dma_wait3A_144 = tpu.memref_slice %run_scoped3A_12[%rem3A_136] : memref<2x!tpu.dma_semaphore, #tpu.memory_space<semaphore_mem>> -> memref<1x!tpu.dma_semaphore, #tpu.memory_space<semaphore_mem>>
          %dma_wait3A_145 = tpu.memref_squeeze %dma_wait3A_144 : memref<1x!tpu.dma_semaphore, #tpu.memory_space<semaphore_mem>> -> memref<!tpu.dma_semaphore, #tpu.memory_space<semaphore_mem>>
          %dma_wait3A_146 = arith.constant 0 : i32
          %dma_wait3A_147 = tpu.memref_slice %arg4[%mul3A_138, %dma_wait3A_146] : memref<5120x128xf32, #tpu.memory_space<hbm>> -> memref<128x128xf32, #tpu.memory_space<hbm>>
          %dma_wait3A_148 = arith.constant 0 : i32
          %dma_wait3A_149 = arith.constant 0 : i32
          %dma_wait3A_150 = tpu.memref_slice %run_scoped3A_11[%rem3A_136, %dma_wait3A_148, %dma_wait3A_149] : memref<2x128x128xf32, #tpu.memory_space<vmem>> -> memref<1x128x128xf32, #tpu.memory_space<vmem>>
          %dma_wait3A_151 = tpu.memref_squeeze %dma_wait3A_150 : memref<1x128x128xf32, #tpu.memory_space<vmem>> -> memref<128x128xf32, #tpu.memory_space<vmem>>
          tpu.wait_dma2 semaphore(%dma_wait3A_145 : memref<!tpu.dma_semaphore, #tpu.memory_space<semaphore_mem>>) src(%dma_wait3A_151 : memref<128x128xf32, #tpu.memory_space<vmem>>) dst(%dma_wait3A_147 : memref<128x128xf32, #tpu.memory_space<hbm>>)
          "tpu.trace_stop"() : () -> ()
        } else {
        }
      } else {
      }
      tpu.yield
    }) : () -> ()
    return
  }
}

#map = affine_map<(d0, d1) -> (0, 0)>
module attributes {stable_mosaic.version = 14 : i64} {
  func.func @kern(%arg0: i32, %arg1: i32, %arg2: memref<5120x128xf32, #tpu.memory_space<hbm>>, %arg3: memref<1x81920xi32, #tpu.memory_space<hbm>>, %arg4: memref<81920x128xf32, #tpu.memory_space<hbm>>) attributes {dimension_semantics = [#tpu.dimension_semantics<core_parallel>, #tpu.dimension_semantics<subcore_parallel>], iteration_bounds = array<i64: 2, 16>, scalar_prefetch = 0 : i64, scratch_operands = 0 : i64, tpu.core_type = #tpu.core_type<sc_vector_subcore>, window_params = [{transform_indices = #map}, {transform_indices = #map}, {transform_indices = #map}]} {
    %mul3A = arith.constant 40 : i32
    %mul3A_0 = arith.muli %arg1, %mul3A : i32
    "tpu.region"() ({
      %run_scoped3A = memref.alloca() : memref<2x1x128xi32, #tpu.memory_space<vmem>>
      %run_scoped3A_1 = tpu.sem_alloc : memref<2x!tpu.dma_semaphore, #tpu.memory_space<semaphore_mem>>
      %run_scoped3A_2 = memref.alloca() : memref<2x128x128xf32, #tpu.memory_space<vmem>>
      %run_scoped3A_3 = tpu.sem_alloc : memref<2x!tpu.dma_semaphore, #tpu.memory_space<semaphore_mem>>
      %add3A = arith.constant 0 : i32
      %add3A_4 = arith.addi %add3A, %mul3A_0 : i32
      %select_n3A = arith.constant true
      %select_n3A_5 = arith.constant 0 : i32
      %select_n3A_6 = arith.constant -1 : i32
      %select_n3A_7 = arith.select %select_n3A, %select_n3A_6, %select_n3A_5 : i32
      %eq3A = arith.constant -1 : i32
      %eq3A_8 = arith.cmpi eq, %select_n3A_7, %eq3A : i32
      %select_n3A_9 = arith.constant 39 : i32
      %select_n3A_10 = arith.select %eq3A_8, %select_n3A_9, %select_n3A_7 : i32
      %add3A_11 = arith.addi %select_n3A_10, %mul3A_0 : i32
      %select_n3A_12 = arith.constant true
      %select_n3A_13 = arith.constant 0 : i32
      %select_n3A_14 = arith.constant 1 : i32
      %select_n3A_15 = arith.select %select_n3A_12, %select_n3A_14, %select_n3A_13 : i32
      %eq3A_16 = arith.constant 40 : i32
      %eq3A_17 = arith.cmpi eq, %select_n3A_15, %eq3A_16 : i32
      %select_n3A_18 = arith.constant 0 : i32
      %select_n3A_19 = arith.select %eq3A_17, %select_n3A_18, %select_n3A_15 : i32
      %add3A_20 = arith.addi %select_n3A_19, %mul3A_0 : i32
      %add3A_21 = arith.constant 1 : i32
      %add3A_22 = arith.addi %select_n3A_19, %add3A_21 : i32
      %select_n3A_23 = arith.constant true
      %select_n3A_24 = arith.select %select_n3A_23, %add3A_22, %select_n3A_19 : i32
      %eq3A_25 = arith.constant 40 : i32
      %eq3A_26 = arith.cmpi eq, %select_n3A_24, %eq3A_25 : i32
      %select_n3A_27 = arith.constant 0 : i32
      %select_n3A_28 = arith.select %eq3A_26, %select_n3A_27, %select_n3A_24 : i32
      %add3A_29 = arith.addi %select_n3A_28, %mul3A_0 : i32
      "tpu.trace_start"() <{level = 10 : i32, message = "ep_initialize_0"}> : () -> ()
      %rem3A = arith.constant 0 : i32
      %rem3A_30 = arith.constant 2 : i32
      %rem3A_31 = arith.remui %rem3A, %rem3A_30 : i32
      %mul3A_32 = arith.constant 128 : i32
      %mul3A_33 = arith.muli %mul3A_32, %add3A_4 : i32
      %dma_start3A = arith.constant 0 : i32
      %dma_start3A_34 = arith.constant 0 : i32
      %dma_start3A_35 = tpu.memref_slice %run_scoped3A[%rem3A_31, %dma_start3A, %dma_start3A_34] : memref<2x1x128xi32, #tpu.memory_space<vmem>> -> memref<1x1x128xi32, #tpu.memory_space<vmem>>
      %dma_start3A_36 = tpu.memref_squeeze %dma_start3A_35 : memref<1x1x128xi32, #tpu.memory_space<vmem>> -> memref<1x128xi32, #tpu.memory_space<vmem>>
      %dma_start3A_37 = arith.constant 0 : i32
      %dma_start3A_38 = tpu.memref_slice %arg3[%dma_start3A_37, %mul3A_33] : memref<1x81920xi32, #tpu.memory_space<hbm>> -> memref<1x128xi32, #tpu.memory_space<hbm>>
      %dma_start3A_39 = tpu.memref_slice %run_scoped3A_1[%rem3A_31] : memref<2x!tpu.dma_semaphore, #tpu.memory_space<semaphore_mem>> -> memref<1x!tpu.dma_semaphore, #tpu.memory_space<semaphore_mem>>
      %dma_start3A_40 = tpu.memref_squeeze %dma_start3A_39 : memref<1x!tpu.dma_semaphore, #tpu.memory_space<semaphore_mem>> -> memref<!tpu.dma_semaphore, #tpu.memory_space<semaphore_mem>>
      %dma_start3A_41 = arith.constant 0 : i32
      %dma_start3A_42 = arith.constant 0 : i32
      %dma_start3A_43 = tpu.memref_slice %run_scoped3A[%rem3A_31, %dma_start3A_41, %dma_start3A_42] : memref<2x1x128xi32, #tpu.memory_space<vmem>> -> memref<1x1x128xi32, #tpu.memory_space<vmem>>
      %dma_start3A_44 = tpu.memref_squeeze %dma_start3A_43 : memref<1x1x128xi32, #tpu.memory_space<vmem>> -> memref<1x128xi32, #tpu.memory_space<vmem>>
      %dma_start3A_45 = arith.constant 0 : i32
      %dma_start3A_46 = tpu.memref_slice %arg3[%dma_start3A_45, %mul3A_33] : memref<1x81920xi32, #tpu.memory_space<hbm>> -> memref<1x128xi32, #tpu.memory_space<hbm>>
      tpu.enqueue_dma source(%dma_start3A_46 : memref<1x128xi32, #tpu.memory_space<hbm>>) target(%dma_start3A_44 : memref<1x128xi32, #tpu.memory_space<vmem>>) target_semaphore(%dma_start3A_40 : memref<!tpu.dma_semaphore, #tpu.memory_space<semaphore_mem>>)
      %add3A_47 = arith.constant 0 : i32
      %add3A_48 = arith.constant 1 : i32
      %add3A_49 = arith.addi %add3A_47, %add3A_48 : i32
      %select_n3A_50 = arith.constant true
      %select_n3A_51 = arith.constant 0 : i32
      %select_n3A_52 = arith.select %select_n3A_50, %add3A_49, %select_n3A_51 : i32
      "tpu.trace_stop"() : () -> ()
      %scan3A = arith.constant 0 : i32
      %scan3A_53 = arith.constant 0 : i32
      %scan3A_54 = arith.constant 0 : i32
      %scan3A_55 = arith.constant 0 : i32
      %scan3A_56 = arith.constant 0 : i32
      %scan3A_57 = arith.constant 40 : i32
      %scan3A_58 = arith.addi %scan3A_56, %scan3A_57 : i32
      %scan3A_59 = arith.constant 1 : i32
      %scan3A_60:5 = scf.for %scan3A_114 = %scan3A_56 to %scan3A_58 step %scan3A_59 iter_args(%scan3A_115 = %select_n3A_52, %scan3A_116 = %scan3A, %scan3A_117 = %scan3A_53, %scan3A_118 = %scan3A_54, %scan3A_119 = %scan3A_55) -> (i32, i32, i32, i32, i32)  : i32 {
        %eq3A_120 = arith.constant 0 : i32
        %eq3A_121 = arith.cmpi eq, %scan3A_114, %eq3A_120 : i32
        %eq3A_122 = arith.constant 39 : i32
        %eq3A_123 = arith.cmpi eq, %scan3A_114, %eq3A_122 : i32
        %add3A_124 = arith.addi %scan3A_119, %mul3A_0 : i32
        %sub3A_125 = arith.constant 1 : i32
        %sub3A_126 = arith.subi %scan3A_119, %sub3A_125 : i32
        %select_n3A_127 = arith.constant true
        %select_n3A_128 = arith.select %select_n3A_127, %sub3A_126, %scan3A_119 : i32
        %eq3A_129 = arith.constant -1 : i32
        %eq3A_130 = arith.cmpi eq, %select_n3A_128, %eq3A_129 : i32
        %select_n3A_131 = arith.constant 39 : i32
        %select_n3A_132 = arith.select %eq3A_130, %select_n3A_131, %select_n3A_128 : i32
        %add3A_133 = arith.addi %select_n3A_132, %mul3A_0 : i32
        %add3A_134 = arith.constant 1 : i32
        %add3A_135 = arith.addi %scan3A_119, %add3A_134 : i32
        %select_n3A_136 = arith.constant true
        %select_n3A_137 = arith.select %select_n3A_136, %add3A_135, %scan3A_119 : i32
        %eq3A_138 = arith.constant 40 : i32
        %eq3A_139 = arith.cmpi eq, %select_n3A_137, %eq3A_138 : i32
        %select_n3A_140 = arith.constant 0 : i32
        %select_n3A_141 = arith.select %eq3A_139, %select_n3A_140, %select_n3A_137 : i32
        %add3A_142 = arith.addi %select_n3A_141, %mul3A_0 : i32
        %add3A_143 = arith.constant 1 : i32
        %add3A_144 = arith.addi %select_n3A_141, %add3A_143 : i32
        %select_n3A_145 = arith.constant true
        %select_n3A_146 = arith.select %select_n3A_145, %add3A_144, %select_n3A_141 : i32
        %eq3A_147 = arith.constant 40 : i32
        %eq3A_148 = arith.cmpi eq, %select_n3A_146, %eq3A_147 : i32
        %select_n3A_149 = arith.constant 0 : i32
        %select_n3A_150 = arith.select %eq3A_148, %select_n3A_149, %select_n3A_146 : i32
        %add3A_151 = arith.addi %select_n3A_150, %mul3A_0 : i32
        %ne3A = arith.cmpi ne, %add3A_124, %add3A_142 : i32
        %or3A = arith.constant false
        %or3A_152 = arith.ori %or3A, %ne3A : i1
        %ge3A = arith.constant 39 : i32
        %ge3A_153 = arith.cmpi sge, %scan3A_114, %ge3A : i32
        %not3A = arith.constant true
        %not3A_154 = arith.xori %ge3A_153, %not3A : i1
        %and3A = arith.andi %or3A_152, %not3A_154 : i1
        %convert_element_type3A = arith.extui %and3A : i1 to i32
        %cond3A = arith.constant 0 : i32
        %cond3A_155 = arith.cmpi ne, %convert_element_type3A, %cond3A : i32
        scf.if %cond3A_155 {
          "tpu.trace_start"() <{level = 10 : i32, message = "ep_copy_in"}> : () -> ()
          %rem3A_257 = arith.constant 2 : i32
          %rem3A_258 = arith.remui %scan3A_115, %rem3A_257 : i32
          %mul3A_259 = arith.constant 128 : i32
          %mul3A_260 = arith.muli %mul3A_259, %add3A_142 : i32
          %dma_start3A_261 = arith.constant 0 : i32
          %dma_start3A_262 = arith.constant 0 : i32
          %dma_start3A_263 = tpu.memref_slice %run_scoped3A[%rem3A_258, %dma_start3A_261, %dma_start3A_262] : memref<2x1x128xi32, #tpu.memory_space<vmem>> -> memref<1x1x128xi32, #tpu.memory_space<vmem>>
          %dma_start3A_264 = tpu.memref_squeeze %dma_start3A_263 : memref<1x1x128xi32, #tpu.memory_space<vmem>> -> memref<1x128xi32, #tpu.memory_space<vmem>>
          %dma_start3A_265 = arith.constant 0 : i32
          %dma_start3A_266 = tpu.memref_slice %arg3[%dma_start3A_265, %mul3A_260] : memref<1x81920xi32, #tpu.memory_space<hbm>> -> memref<1x128xi32, #tpu.memory_space<hbm>>
          %dma_start3A_267 = tpu.memref_slice %run_scoped3A_1[%rem3A_258] : memref<2x!tpu.dma_semaphore, #tpu.memory_space<semaphore_mem>> -> memref<1x!tpu.dma_semaphore, #tpu.memory_space<semaphore_mem>>
          %dma_start3A_268 = tpu.memref_squeeze %dma_start3A_267 : memref<1x!tpu.dma_semaphore, #tpu.memory_space<semaphore_mem>> -> memref<!tpu.dma_semaphore, #tpu.memory_space<semaphore_mem>>
          %dma_start3A_269 = arith.constant 0 : i32
          %dma_start3A_270 = arith.constant 0 : i32
          %dma_start3A_271 = tpu.memref_slice %run_scoped3A[%rem3A_258, %dma_start3A_269, %dma_start3A_270] : memref<2x1x128xi32, #tpu.memory_space<vmem>> -> memref<1x1x128xi32, #tpu.memory_space<vmem>>
          %dma_start3A_272 = tpu.memref_squeeze %dma_start3A_271 : memref<1x1x128xi32, #tpu.memory_space<vmem>> -> memref<1x128xi32, #tpu.memory_space<vmem>>
          %dma_start3A_273 = arith.constant 0 : i32
          %dma_start3A_274 = tpu.memref_slice %arg3[%dma_start3A_273, %mul3A_260] : memref<1x81920xi32, #tpu.memory_space<hbm>> -> memref<1x128xi32, #tpu.memory_space<hbm>>
          tpu.enqueue_dma source(%dma_start3A_274 : memref<1x128xi32, #tpu.memory_space<hbm>>) target(%dma_start3A_272 : memref<1x128xi32, #tpu.memory_space<vmem>>) target_semaphore(%dma_start3A_268 : memref<!tpu.dma_semaphore, #tpu.memory_space<semaphore_mem>>)
          "tpu.trace_stop"() : () -> ()
        } else {
        }
        %and3A_156 = arith.constant true
        %and3A_157 = arith.andi %and3A, %and3A_156 : i1
        %add3A_158 = arith.constant 1 : i32
        %add3A_159 = arith.addi %scan3A_115, %add3A_158 : i32
        %select_n3A_160 = arith.select %and3A_157, %add3A_159, %scan3A_115 : i32
        %ne3A_161 = arith.cmpi ne, %add3A_124, %add3A_142 : i32
        %or3A_162 = arith.constant false
        %or3A_163 = arith.ori %or3A_162, %ne3A_161 : i1
        %or3A_164 = arith.constant false
        %or3A_165 = arith.ori %or3A_163, %or3A_164 : i1
        %ge3A_166 = arith.constant 39 : i32
        %ge3A_167 = arith.cmpi sge, %scan3A_114, %ge3A_166 : i32
        %not3A_168 = arith.constant true
        %not3A_169 = arith.xori %ge3A_167, %not3A_168 : i1
        %and3A_170 = arith.andi %or3A_165, %not3A_169 : i1
        %ne3A_171 = arith.cmpi ne, %add3A_124, %add3A_133 : i32
        %or3A_172 = arith.constant false
        %or3A_173 = arith.ori %or3A_172, %ne3A_171 : i1
        %or3A_174 = arith.ori %or3A_173, %eq3A_121 : i1
        %convert_element_type3A_175 = arith.extui %or3A_174 : i1 to i32
        %cond3A_176 = arith.constant 0 : i32
        %cond3A_177 = arith.cmpi ne, %convert_element_type3A_175, %cond3A_176 : i32
        scf.if %cond3A_177 {
          "tpu.trace_start"() <{level = 10 : i32, message = "ep_wait_in"}> : () -> ()
          %mul3A_257 = arith.constant 128 : i32
          %mul3A_258 = arith.muli %mul3A_257, %add3A_124 : i32
          %rem3A_259 = arith.constant 2 : i32
          %rem3A_260 = arith.remui %scan3A_116, %rem3A_259 : i32
          %dma_wait3A_261 = arith.constant 0 : i32
          %dma_wait3A_262 = arith.constant 0 : i32
          %dma_wait3A_263 = tpu.memref_slice %run_scoped3A[%rem3A_260, %dma_wait3A_261, %dma_wait3A_262] : memref<2x1x128xi32, #tpu.memory_space<vmem>> -> memref<1x1x128xi32, #tpu.memory_space<vmem>>
          %dma_wait3A_264 = tpu.memref_squeeze %dma_wait3A_263 : memref<1x1x128xi32, #tpu.memory_space<vmem>> -> memref<1x128xi32, #tpu.memory_space<vmem>>
          %dma_wait3A_265 = arith.constant 0 : i32
          %dma_wait3A_266 = tpu.memref_slice %arg3[%dma_wait3A_265, %mul3A_258] : memref<1x81920xi32, #tpu.memory_space<hbm>> -> memref<1x128xi32, #tpu.memory_space<hbm>>
          %dma_wait3A_267 = tpu.memref_slice %run_scoped3A_1[%rem3A_260] : memref<2x!tpu.dma_semaphore, #tpu.memory_space<semaphore_mem>> -> memref<1x!tpu.dma_semaphore, #tpu.memory_space<semaphore_mem>>
          %dma_wait3A_268 = tpu.memref_squeeze %dma_wait3A_267 : memref<1x!tpu.dma_semaphore, #tpu.memory_space<semaphore_mem>> -> memref<!tpu.dma_semaphore, #tpu.memory_space<semaphore_mem>>
          %dma_wait3A_269 = arith.constant 0 : i32
          %dma_wait3A_270 = arith.constant 0 : i32
          %dma_wait3A_271 = tpu.memref_slice %run_scoped3A[%rem3A_260, %dma_wait3A_269, %dma_wait3A_270] : memref<2x1x128xi32, #tpu.memory_space<vmem>> -> memref<1x1x128xi32, #tpu.memory_space<vmem>>
          %dma_wait3A_272 = tpu.memref_squeeze %dma_wait3A_271 : memref<1x1x128xi32, #tpu.memory_space<vmem>> -> memref<1x128xi32, #tpu.memory_space<vmem>>
          %dma_wait3A_273 = arith.constant 0 : i32
          %dma_wait3A_274 = tpu.memref_slice %arg3[%dma_wait3A_273, %mul3A_258] : memref<1x81920xi32, #tpu.memory_space<hbm>> -> memref<1x128xi32, #tpu.memory_space<hbm>>
          tpu.wait_dma2 semaphore(%dma_wait3A_268 : memref<!tpu.dma_semaphore, #tpu.memory_space<semaphore_mem>>) src(%dma_wait3A_274 : memref<1x128xi32, #tpu.memory_space<hbm>>) dst(%dma_wait3A_272 : memref<1x128xi32, #tpu.memory_space<vmem>>)
          "tpu.trace_stop"() : () -> ()
        } else {
        }
        %ne3A_178 = arith.cmpi ne, %add3A_124, %add3A_133 : i32
        %or3A_179 = arith.constant false
        %or3A_180 = arith.ori %or3A_179, %ne3A_178 : i1
        %or3A_181 = arith.constant false
        %or3A_182 = arith.ori %or3A_180, %or3A_181 : i1
        %or3A_183 = arith.ori %or3A_182, %eq3A_121 : i1
        %convert_element_type3A_184 = arith.extui %or3A_183 : i1 to i32
        %cond3A_185 = arith.constant 0 : i32
        %cond3A_186 = arith.cmpi ne, %convert_element_type3A_184, %cond3A_185 : i32
        scf.if %cond3A_186 {
        } else {
        }
        %rem3A_187 = arith.constant 2 : i32
        %rem3A_188 = arith.remui %scan3A_116, %rem3A_187 : i32
        %rem3A_189 = arith.constant 2 : i32
        %rem3A_190 = arith.remui %scan3A_117, %rem3A_189 : i32
        %run_scoped3A_191 = arith.constant 0 : i32
        "tpu.trace_start"() <{level = 10 : i32, message = "ep_run_kernel"}> : () -> ()
        "tpu.region"() ({
          %run_scoped3A_257 = tpu.sem_alloc : memref<!tpu.dma_semaphore, #tpu.memory_space<semaphore_mem>>
          %dma_start3A_258 = arith.constant 0 : i32
          %dma_start3A_259 = arith.constant 0 : i32
          %dma_start3A_260 = tpu.memref_slice %run_scoped3A_2[%rem3A_190, %dma_start3A_258, %dma_start3A_259] : memref<2x128x128xf32, #tpu.memory_space<vmem>> -> memref<1x128x128xf32, #tpu.memory_space<vmem>>
          %dma_start3A_261 = tpu.memref_squeeze %dma_start3A_260 : memref<1x128x128xf32, #tpu.memory_space<vmem>> -> memref<128x128xf32, #tpu.memory_space<vmem>>
          %dma_start3A_262 = arith.constant 0 : i32
          %dma_start3A_263 = arith.constant 0 : i32
          %dma_start3A_264 = tpu.memref_slice %run_scoped3A[%rem3A_188, %dma_start3A_262, %dma_start3A_263] : memref<2x1x128xi32, #tpu.memory_space<vmem>> -> memref<1x1x128xi32, #tpu.memory_space<vmem>>
          %dma_start3A_265 = tpu.memref_squeeze %dma_start3A_264 : memref<1x1x128xi32, #tpu.memory_space<vmem>> -> memref<1x128xi32, #tpu.memory_space<vmem>>
          %dma_start3A_266 = arith.constant 0 : i32
          %dma_start3A_267 = tpu.memref_slice %dma_start3A_265[%run_scoped3A_191, %dma_start3A_266] : memref<1x128xi32, #tpu.memory_space<vmem>> -> memref<1x128xi32, #tpu.memory_space<vmem>>
          %dma_start3A_268 = tpu.memref_squeeze %dma_start3A_267 : memref<1x128xi32, #tpu.memory_space<vmem>> -> memref<128xi32, #tpu.memory_space<vmem>>
          %dma_start3A_269 = arith.constant 0 : i32
          %dma_start3A_270 = arith.constant 0 : i32
          %dma_start3A_271 = tpu.memref_slice %arg2[%dma_start3A_269, %dma_start3A_270] : memref<5120x128xf32, #tpu.memory_space<hbm>> -> memref<5120x128xf32, #tpu.memory_space<hbm>>
          tpu.enqueue_indirect_dma source(%dma_start3A_271 : memref<5120x128xf32, #tpu.memory_space<hbm>>) target(%dma_start3A_261 : memref<128x128xf32, #tpu.memory_space<vmem>>) offsets(%dma_start3A_268 : memref<128xi32, #tpu.memory_space<vmem>>) semaphore(%run_scoped3A_257 : memref<!tpu.dma_semaphore, #tpu.memory_space<semaphore_mem>>)
          %dma_wait3A_272 = arith.constant 0 : i32
          %dma_wait3A_273 = arith.constant 0 : i32
          %dma_wait3A_274 = tpu.memref_slice %run_scoped3A_2[%rem3A_190, %dma_wait3A_272, %dma_wait3A_273] : memref<2x128x128xf32, #tpu.memory_space<vmem>> -> memref<1x128x128xf32, #tpu.memory_space<vmem>>
          %dma_wait3A_275 = tpu.memref_squeeze %dma_wait3A_274 : memref<1x128x128xf32, #tpu.memory_space<vmem>> -> memref<128x128xf32, #tpu.memory_space<vmem>>
          %dma_wait3A_276 = arith.constant 0 : i32
          %dma_wait3A_277 = arith.constant 0 : i32
          %dma_wait3A_278 = tpu.memref_slice %run_scoped3A[%rem3A_188, %dma_wait3A_276, %dma_wait3A_277] : memref<2x1x128xi32, #tpu.memory_space<vmem>> -> memref<1x1x128xi32, #tpu.memory_space<vmem>>
          %dma_wait3A_279 = tpu.memref_squeeze %dma_wait3A_278 : memref<1x1x128xi32, #tpu.memory_space<vmem>> -> memref<1x128xi32, #tpu.memory_space<vmem>>
          %dma_wait3A_280 = arith.constant 0 : i32
          %dma_wait3A_281 = tpu.memref_slice %dma_wait3A_279[%run_scoped3A_191, %dma_wait3A_280] : memref<1x128xi32, #tpu.memory_space<vmem>> -> memref<1x128xi32, #tpu.memory_space<vmem>>
          %dma_wait3A_282 = tpu.memref_squeeze %dma_wait3A_281 : memref<1x128xi32, #tpu.memory_space<vmem>> -> memref<128xi32, #tpu.memory_space<vmem>>
          %dma_wait3A_283 = arith.constant 0 : i32
          %dma_wait3A_284 = arith.constant 0 : i32
          %dma_wait3A_285 = tpu.memref_slice %arg2[%dma_wait3A_283, %dma_wait3A_284] : memref<5120x128xf32, #tpu.memory_space<hbm>> -> memref<5120x128xf32, #tpu.memory_space<hbm>>
          tpu.wait_indirect_dma semaphore(%run_scoped3A_257 : memref<!tpu.dma_semaphore, #tpu.memory_space<semaphore_mem>>) src(%dma_wait3A_285 : memref<5120x128xf32, #tpu.memory_space<hbm>>) dst(%dma_wait3A_275 : memref<128x128xf32, #tpu.memory_space<vmem>>)
          tpu.yield
        }) : () -> ()
        "tpu.trace_stop"() : () -> ()
        %ne3A_192 = arith.cmpi ne, %add3A_124, %add3A_142 : i32
        %or3A_193 = arith.constant false
        %or3A_194 = arith.ori %or3A_193, %ne3A_192 : i1
        %or3A_195 = arith.ori %or3A_194, %eq3A_123 : i1
        %convert_element_type3A_196 = arith.extui %or3A_195 : i1 to i32
        %cond3A_197 = arith.constant 0 : i32
        %cond3A_198 = arith.cmpi ne, %convert_element_type3A_196, %cond3A_197 : i32
        scf.if %cond3A_198 {
        } else {
        }
        %and3A_199 = arith.constant false
        %and3A_200 = arith.andi %or3A_195, %and3A_199 : i1
        %ne3A_201 = arith.cmpi ne, %add3A_124, %add3A_142 : i32
        %or3A_202 = arith.constant false
        %or3A_203 = arith.ori %or3A_202, %ne3A_201 : i1
        %or3A_204 = arith.constant false
        %or3A_205 = arith.ori %or3A_203, %or3A_204 : i1
        %or3A_206 = arith.ori %or3A_205, %eq3A_123 : i1
        %convert_element_type3A_207 = arith.extui %or3A_206 : i1 to i32
        %cond3A_208 = arith.constant 0 : i32
        %cond3A_209 = arith.cmpi ne, %convert_element_type3A_207, %cond3A_208 : i32
        scf.if %cond3A_209 {
          "tpu.trace_start"() <{level = 10 : i32, message = "ep_copy_out"}> : () -> ()
          %rem3A_257 = arith.constant 2 : i32
          %rem3A_258 = arith.remui %scan3A_117, %rem3A_257 : i32
          %mul3A_259 = arith.constant 128 : i32
          %mul3A_260 = arith.muli %mul3A_259, %add3A_124 : i32
          %dma_start3A_261 = arith.constant 0 : i32
          %dma_start3A_262 = arith.constant 0 : i32
          %dma_start3A_263 = tpu.memref_slice %run_scoped3A_2[%rem3A_258, %dma_start3A_261, %dma_start3A_262] : memref<2x128x128xf32, #tpu.memory_space<vmem>> -> memref<1x128x128xf32, #tpu.memory_space<vmem>>
          %dma_start3A_264 = tpu.memref_squeeze %dma_start3A_263 : memref<1x128x128xf32, #tpu.memory_space<vmem>> -> memref<128x128xf32, #tpu.memory_space<vmem>>
          %dma_start3A_265 = arith.constant 0 : i32
          %dma_start3A_266 = tpu.memref_slice %arg4[%mul3A_260, %dma_start3A_265] : memref<81920x128xf32, #tpu.memory_space<hbm>> -> memref<128x128xf32, #tpu.memory_space<hbm>>
          %dma_start3A_267 = tpu.memref_slice %run_scoped3A_3[%rem3A_258] : memref<2x!tpu.dma_semaphore, #tpu.memory_space<semaphore_mem>> -> memref<1x!tpu.dma_semaphore, #tpu.memory_space<semaphore_mem>>
          %dma_start3A_268 = tpu.memref_squeeze %dma_start3A_267 : memref<1x!tpu.dma_semaphore, #tpu.memory_space<semaphore_mem>> -> memref<!tpu.dma_semaphore, #tpu.memory_space<semaphore_mem>>
          %dma_start3A_269 = arith.constant 0 : i32
          %dma_start3A_270 = tpu.memref_slice %arg4[%mul3A_260, %dma_start3A_269] : memref<81920x128xf32, #tpu.memory_space<hbm>> -> memref<128x128xf32, #tpu.memory_space<hbm>>
          %dma_start3A_271 = arith.constant 0 : i32
          %dma_start3A_272 = arith.constant 0 : i32
          %dma_start3A_273 = tpu.memref_slice %run_scoped3A_2[%rem3A_258, %dma_start3A_271, %dma_start3A_272] : memref<2x128x128xf32, #tpu.memory_space<vmem>> -> memref<1x128x128xf32, #tpu.memory_space<vmem>>
          %dma_start3A_274 = tpu.memref_squeeze %dma_start3A_273 : memref<1x128x128xf32, #tpu.memory_space<vmem>> -> memref<128x128xf32, #tpu.memory_space<vmem>>
          tpu.enqueue_dma source(%dma_start3A_274 : memref<128x128xf32, #tpu.memory_space<vmem>>) target(%dma_start3A_270 : memref<128x128xf32, #tpu.memory_space<hbm>>) target_semaphore(%dma_start3A_268 : memref<!tpu.dma_semaphore, #tpu.memory_space<semaphore_mem>>)
          "tpu.trace_stop"() : () -> ()
        } else {
        }
        %and3A_210 = arith.constant true
        %and3A_211 = arith.andi %or3A_206, %and3A_210 : i1
        %add3A_212 = arith.constant 1 : i32
        %add3A_213 = arith.addi %scan3A_117, %add3A_212 : i32
        %select_n3A_214 = arith.select %and3A_211, %add3A_213, %scan3A_117 : i32
        %ne3A_215 = arith.cmpi ne, %add3A_124, %add3A_133 : i32
        %or3A_216 = arith.constant false
        %or3A_217 = arith.ori %or3A_216, %ne3A_215 : i1
        %not3A_218 = arith.constant true
        %not3A_219 = arith.xori %eq3A_121, %not3A_218 : i1
        %and3A_220 = arith.andi %or3A_217, %not3A_219 : i1
        %convert_element_type3A_221 = arith.extui %and3A_220 : i1 to i32
        %cond3A_222 = arith.constant 0 : i32
        %cond3A_223 = arith.cmpi ne, %convert_element_type3A_221, %cond3A_222 : i32
        scf.if %cond3A_223 {
        } else {
        }
        %and3A_224 = arith.constant false
        %and3A_225 = arith.andi %and3A_220, %and3A_224 : i1
        %ne3A_226 = arith.cmpi ne, %add3A_124, %add3A_133 : i32
        %or3A_227 = arith.constant false
        %or3A_228 = arith.ori %or3A_227, %ne3A_226 : i1
        %or3A_229 = arith.constant false
        %or3A_230 = arith.ori %or3A_228, %or3A_229 : i1
        %not3A_231 = arith.constant true
        %not3A_232 = arith.xori %eq3A_121, %not3A_231 : i1
        %and3A_233 = arith.andi %or3A_230, %not3A_232 : i1
        %convert_element_type3A_234 = arith.extui %and3A_233 : i1 to i32
        %cond3A_235 = arith.constant 0 : i32
        %cond3A_236 = arith.cmpi ne, %convert_element_type3A_234, %cond3A_235 : i32
        scf.if %cond3A_236 {
          "tpu.trace_start"() <{level = 10 : i32, message = "ep_wait_out"}> : () -> ()
          %rem3A_257 = arith.constant 2 : i32
          %rem3A_258 = arith.remui %scan3A_118, %rem3A_257 : i32
          %mul3A_259 = arith.constant 128 : i32
          %mul3A_260 = arith.muli %mul3A_259, %add3A_133 : i32
          %dma_wait3A_261 = arith.constant 0 : i32
          %dma_wait3A_262 = arith.constant 0 : i32
          %dma_wait3A_263 = tpu.memref_slice %run_scoped3A_2[%rem3A_258, %dma_wait3A_261, %dma_wait3A_262] : memref<2x128x128xf32, #tpu.memory_space<vmem>> -> memref<1x128x128xf32, #tpu.memory_space<vmem>>
          %dma_wait3A_264 = tpu.memref_squeeze %dma_wait3A_263 : memref<1x128x128xf32, #tpu.memory_space<vmem>> -> memref<128x128xf32, #tpu.memory_space<vmem>>
          %dma_wait3A_265 = arith.constant 0 : i32
          %dma_wait3A_266 = tpu.memref_slice %arg4[%mul3A_260, %dma_wait3A_265] : memref<81920x128xf32, #tpu.memory_space<hbm>> -> memref<128x128xf32, #tpu.memory_space<hbm>>
          %dma_wait3A_267 = tpu.memref_slice %run_scoped3A_3[%rem3A_258] : memref<2x!tpu.dma_semaphore, #tpu.memory_space<semaphore_mem>> -> memref<1x!tpu.dma_semaphore, #tpu.memory_space<semaphore_mem>>
          %dma_wait3A_268 = tpu.memref_squeeze %dma_wait3A_267 : memref<1x!tpu.dma_semaphore, #tpu.memory_space<semaphore_mem>> -> memref<!tpu.dma_semaphore, #tpu.memory_space<semaphore_mem>>
          %dma_wait3A_269 = arith.constant 0 : i32
          %dma_wait3A_270 = tpu.memref_slice %arg4[%mul3A_260, %dma_wait3A_269] : memref<81920x128xf32, #tpu.memory_space<hbm>> -> memref<128x128xf32, #tpu.memory_space<hbm>>
          %dma_wait3A_271 = arith.constant 0 : i32
          %dma_wait3A_272 = arith.constant 0 : i32
          %dma_wait3A_273 = tpu.memref_slice %run_scoped3A_2[%rem3A_258, %dma_wait3A_271, %dma_wait3A_272] : memref<2x128x128xf32, #tpu.memory_space<vmem>> -> memref<1x128x128xf32, #tpu.memory_space<vmem>>
          %dma_wait3A_274 = tpu.memref_squeeze %dma_wait3A_273 : memref<1x128x128xf32, #tpu.memory_space<vmem>> -> memref<128x128xf32, #tpu.memory_space<vmem>>
          tpu.wait_dma2 semaphore(%dma_wait3A_268 : memref<!tpu.dma_semaphore, #tpu.memory_space<semaphore_mem>>) src(%dma_wait3A_274 : memref<128x128xf32, #tpu.memory_space<vmem>>) dst(%dma_wait3A_270 : memref<128x128xf32, #tpu.memory_space<hbm>>)
          "tpu.trace_stop"() : () -> ()
        } else {
        }
        %and3A_237 = arith.constant true
        %and3A_238 = arith.andi %and3A_233, %and3A_237 : i1
        %add3A_239 = arith.constant 1 : i32
        %add3A_240 = arith.addi %scan3A_118, %add3A_239 : i32
        %select_n3A_241 = arith.select %and3A_238, %add3A_240, %scan3A_118 : i32
        %ne3A_242 = arith.cmpi ne, %add3A_124, %add3A_142 : i32
        %or3A_243 = arith.constant false
        %or3A_244 = arith.ori %or3A_243, %ne3A_242 : i1
        %or3A_245 = arith.ori %or3A_244, %eq3A_123 : i1
        %add3A_246 = arith.constant 1 : i32
        %add3A_247 = arith.addi %scan3A_116, %add3A_246 : i32
        %select_n3A_248 = arith.select %or3A_245, %add3A_247, %scan3A_116 : i32
        %add3A_249 = arith.constant 1 : i32
        %add3A_250 = arith.addi %scan3A_119, %add3A_249 : i32
        %select_n3A_251 = arith.constant true
        %select_n3A_252 = arith.select %select_n3A_251, %add3A_250, %scan3A_119 : i32
        %eq3A_253 = arith.constant 40 : i32
        %eq3A_254 = arith.cmpi eq, %select_n3A_252, %eq3A_253 : i32
        %select_n3A_255 = arith.constant 0 : i32
        %select_n3A_256 = arith.select %eq3A_254, %select_n3A_255, %select_n3A_252 : i32
        scf.yield %select_n3A_160, %select_n3A_248, %select_n3A_214, %select_n3A_241, %select_n3A_256 : i32, i32, i32, i32, i32
      }
      %scan3A_61 = arith.constant 40 : i32
      %sub3A = arith.constant 1 : i32
      %sub3A_62 = arith.subi %scan3A_60#4, %sub3A : i32
      %select_n3A_63 = arith.constant true
      %select_n3A_64 = arith.select %select_n3A_63, %sub3A_62, %scan3A_60#4 : i32
      %eq3A_65 = arith.constant -1 : i32
      %eq3A_66 = arith.cmpi eq, %select_n3A_64, %eq3A_65 : i32
      %select_n3A_67 = arith.constant 39 : i32
      %select_n3A_68 = arith.select %eq3A_66, %select_n3A_67, %select_n3A_64 : i32
      %add3A_69 = arith.addi %select_n3A_68, %mul3A_0 : i32
      %sub3A_70 = arith.constant 1 : i32
      %sub3A_71 = arith.subi %select_n3A_68, %sub3A_70 : i32
      %select_n3A_72 = arith.constant true
      %select_n3A_73 = arith.select %select_n3A_72, %sub3A_71, %select_n3A_68 : i32
      %eq3A_74 = arith.constant -1 : i32
      %eq3A_75 = arith.cmpi eq, %select_n3A_73, %eq3A_74 : i32
      %select_n3A_76 = arith.constant 39 : i32
      %select_n3A_77 = arith.select %eq3A_75, %select_n3A_76, %select_n3A_73 : i32
      %add3A_78 = arith.addi %select_n3A_77, %mul3A_0 : i32
      %add3A_79 = arith.constant 1 : i32
      %add3A_80 = arith.addi %select_n3A_68, %add3A_79 : i32
      %select_n3A_81 = arith.constant true
      %select_n3A_82 = arith.select %select_n3A_81, %add3A_80, %select_n3A_68 : i32
      %eq3A_83 = arith.constant 40 : i32
      %eq3A_84 = arith.cmpi eq, %select_n3A_82, %eq3A_83 : i32
      %select_n3A_85 = arith.constant 0 : i32
      %select_n3A_86 = arith.select %eq3A_84, %select_n3A_85, %select_n3A_82 : i32
      %add3A_87 = arith.addi %select_n3A_86, %mul3A_0 : i32
      %add3A_88 = arith.constant 1 : i32
      %add3A_89 = arith.addi %select_n3A_86, %add3A_88 : i32
      %select_n3A_90 = arith.constant true
      %select_n3A_91 = arith.select %select_n3A_90, %add3A_89, %select_n3A_86 : i32
      %eq3A_92 = arith.constant 40 : i32
      %eq3A_93 = arith.cmpi eq, %select_n3A_91, %eq3A_92 : i32
      %select_n3A_94 = arith.constant 0 : i32
      %select_n3A_95 = arith.select %eq3A_93, %select_n3A_94, %select_n3A_91 : i32
      %add3A_96 = arith.addi %select_n3A_95, %mul3A_0 : i32
      "tpu.trace_start"() <{level = 10 : i32, message = "ep_finalize"}> : () -> ()
      %rem3A_97 = arith.constant 2 : i32
      %rem3A_98 = arith.remui %scan3A_60#3, %rem3A_97 : i32
      %mul3A_99 = arith.constant 128 : i32
      %mul3A_100 = arith.muli %mul3A_99, %add3A_69 : i32
      %dma_wait3A = arith.constant 0 : i32
      %dma_wait3A_101 = arith.constant 0 : i32
      %dma_wait3A_102 = tpu.memref_slice %run_scoped3A_2[%rem3A_98, %dma_wait3A, %dma_wait3A_101] : memref<2x128x128xf32, #tpu.memory_space<vmem>> -> memref<1x128x128xf32, #tpu.memory_space<vmem>>
      %dma_wait3A_103 = tpu.memref_squeeze %dma_wait3A_102 : memref<1x128x128xf32, #tpu.memory_space<vmem>> -> memref<128x128xf32, #tpu.memory_space<vmem>>
      %dma_wait3A_104 = arith.constant 0 : i32
      %dma_wait3A_105 = tpu.memref_slice %arg4[%mul3A_100, %dma_wait3A_104] : memref<81920x128xf32, #tpu.memory_space<hbm>> -> memref<128x128xf32, #tpu.memory_space<hbm>>
      %dma_wait3A_106 = tpu.memref_slice %run_scoped3A_3[%rem3A_98] : memref<2x!tpu.dma_semaphore, #tpu.memory_space<semaphore_mem>> -> memref<1x!tpu.dma_semaphore, #tpu.memory_space<semaphore_mem>>
      %dma_wait3A_107 = tpu.memref_squeeze %dma_wait3A_106 : memref<1x!tpu.dma_semaphore, #tpu.memory_space<semaphore_mem>> -> memref<!tpu.dma_semaphore, #tpu.memory_space<semaphore_mem>>
      %dma_wait3A_108 = arith.constant 0 : i32
      %dma_wait3A_109 = tpu.memref_slice %arg4[%mul3A_100, %dma_wait3A_108] : memref<81920x128xf32, #tpu.memory_space<hbm>> -> memref<128x128xf32, #tpu.memory_space<hbm>>
      %dma_wait3A_110 = arith.constant 0 : i32
      %dma_wait3A_111 = arith.constant 0 : i32
      %dma_wait3A_112 = tpu.memref_slice %run_scoped3A_2[%rem3A_98, %dma_wait3A_110, %dma_wait3A_111] : memref<2x128x128xf32, #tpu.memory_space<vmem>> -> memref<1x128x128xf32, #tpu.memory_space<vmem>>
      %dma_wait3A_113 = tpu.memref_squeeze %dma_wait3A_112 : memref<1x128x128xf32, #tpu.memory_space<vmem>> -> memref<128x128xf32, #tpu.memory_space<vmem>>
      tpu.wait_dma2 semaphore(%dma_wait3A_107 : memref<!tpu.dma_semaphore, #tpu.memory_space<semaphore_mem>>) src(%dma_wait3A_113 : memref<128x128xf32, #tpu.memory_space<vmem>>) dst(%dma_wait3A_109 : memref<128x128xf32, #tpu.memory_space<hbm>>)
      "tpu.trace_stop"() : () -> ()
      tpu.yield
    }) : () -> ()
    return
  }
}

#map = affine_map<(d0, d1) -> (0, 0)>
module attributes {stable_mosaic.version = 14 : i64} {
  func.func @kern(%arg0: i32, %arg1: i32, %arg2: memref<10240x128xf32, #tpu.memory_space<hbm>>, %arg3: memref<1x163840xi32, #tpu.memory_space<hbm>>, %arg4: memref<163840x128xf32, #tpu.memory_space<hbm>>) attributes {dimension_semantics = [#tpu.dimension_semantics<core_parallel>, #tpu.dimension_semantics<subcore_parallel>], iteration_bounds = array<i64: 2, 16>, scalar_prefetch = 0 : i64, scratch_operands = 0 : i64, tpu.core_type = #tpu.core_type<sc_vector_subcore>, window_params = [{transform_indices = #map}, {transform_indices = #map}, {transform_indices = #map}]} {
    %mul3A = arith.constant 80 : i32
    %mul3A_0 = arith.muli %arg1, %mul3A : i32
    "tpu.region"() ({
      %run_scoped3A = memref.alloca() : memref<2x1x128xi32, #tpu.memory_space<vmem>>
      %run_scoped3A_1 = tpu.sem_alloc : memref<2x!tpu.dma_semaphore, #tpu.memory_space<semaphore_mem>>
      %run_scoped3A_2 = memref.alloca() : memref<2x128x128xf32, #tpu.memory_space<vmem>>
      %run_scoped3A_3 = tpu.sem_alloc : memref<2x!tpu.dma_semaphore, #tpu.memory_space<semaphore_mem>>
      %add3A = arith.constant 0 : i32
      %add3A_4 = arith.addi %add3A, %mul3A_0 : i32
      %select_n3A = arith.constant true
      %select_n3A_5 = arith.constant 0 : i32
      %select_n3A_6 = arith.constant -1 : i32
      %select_n3A_7 = arith.select %select_n3A, %select_n3A_6, %select_n3A_5 : i32
      %eq3A = arith.constant -1 : i32
      %eq3A_8 = arith.cmpi eq, %select_n3A_7, %eq3A : i32
      %select_n3A_9 = arith.constant 79 : i32
      %select_n3A_10 = arith.select %eq3A_8, %select_n3A_9, %select_n3A_7 : i32
      %add3A_11 = arith.addi %select_n3A_10, %mul3A_0 : i32
      %select_n3A_12 = arith.constant true
      %select_n3A_13 = arith.constant 0 : i32
      %select_n3A_14 = arith.constant 1 : i32
      %select_n3A_15 = arith.select %select_n3A_12, %select_n3A_14, %select_n3A_13 : i32
      %eq3A_16 = arith.constant 80 : i32
      %eq3A_17 = arith.cmpi eq, %select_n3A_15, %eq3A_16 : i32
      %select_n3A_18 = arith.constant 0 : i32
      %select_n3A_19 = arith.select %eq3A_17, %select_n3A_18, %select_n3A_15 : i32
      %add3A_20 = arith.addi %select_n3A_19, %mul3A_0 : i32
      %add3A_21 = arith.constant 1 : i32
      %add3A_22 = arith.addi %select_n3A_19, %add3A_21 : i32
      %select_n3A_23 = arith.constant true
      %select_n3A_24 = arith.select %select_n3A_23, %add3A_22, %select_n3A_19 : i32
      %eq3A_25 = arith.constant 80 : i32
      %eq3A_26 = arith.cmpi eq, %select_n3A_24, %eq3A_25 : i32
      %select_n3A_27 = arith.constant 0 : i32
      %select_n3A_28 = arith.select %eq3A_26, %select_n3A_27, %select_n3A_24 : i32
      %add3A_29 = arith.addi %select_n3A_28, %mul3A_0 : i32
      "tpu.trace_start"() <{level = 10 : i32, message = "ep_initialize_0"}> : () -> ()
      %rem3A = arith.constant 0 : i32
      %rem3A_30 = arith.constant 2 : i32
      %rem3A_31 = arith.remui %rem3A, %rem3A_30 : i32
      %mul3A_32 = arith.constant 128 : i32
      %mul3A_33 = arith.muli %mul3A_32, %add3A_4 : i32
      %dma_start3A = arith.constant 0 : i32
      %dma_start3A_34 = arith.constant 0 : i32
      %dma_start3A_35 = tpu.memref_slice %run_scoped3A[%rem3A_31, %dma_start3A, %dma_start3A_34] : memref<2x1x128xi32, #tpu.memory_space<vmem>> -> memref<1x1x128xi32, #tpu.memory_space<vmem>>
      %dma_start3A_36 = tpu.memref_squeeze %dma_start3A_35 : memref<1x1x128xi32, #tpu.memory_space<vmem>> -> memref<1x128xi32, #tpu.memory_space<vmem>>
      %dma_start3A_37 = arith.constant 0 : i32
      %dma_start3A_38 = tpu.memref_slice %arg3[%dma_start3A_37, %mul3A_33] : memref<1x163840xi32, #tpu.memory_space<hbm>> -> memref<1x128xi32, #tpu.memory_space<hbm>>
      %dma_start3A_39 = tpu.memref_slice %run_scoped3A_1[%rem3A_31] : memref<2x!tpu.dma_semaphore, #tpu.memory_space<semaphore_mem>> -> memref<1x!tpu.dma_semaphore, #tpu.memory_space<semaphore_mem>>
      %dma_start3A_40 = tpu.memref_squeeze %dma_start3A_39 : memref<1x!tpu.dma_semaphore, #tpu.memory_space<semaphore_mem>> -> memref<!tpu.dma_semaphore, #tpu.memory_space<semaphore_mem>>
      %dma_start3A_41 = arith.constant 0 : i32
      %dma_start3A_42 = arith.constant 0 : i32
      %dma_start3A_43 = tpu.memref_slice %run_scoped3A[%rem3A_31, %dma_start3A_41, %dma_start3A_42] : memref<2x1x128xi32, #tpu.memory_space<vmem>> -> memref<1x1x128xi32, #tpu.memory_space<vmem>>
      %dma_start3A_44 = tpu.memref_squeeze %dma_start3A_43 : memref<1x1x128xi32, #tpu.memory_space<vmem>> -> memref<1x128xi32, #tpu.memory_space<vmem>>
      %dma_start3A_45 = arith.constant 0 : i32
      %dma_start3A_46 = tpu.memref_slice %arg3[%dma_start3A_45, %mul3A_33] : memref<1x163840xi32, #tpu.memory_space<hbm>> -> memref<1x128xi32, #tpu.memory_space<hbm>>
      tpu.enqueue_dma source(%dma_start3A_46 : memref<1x128xi32, #tpu.memory_space<hbm>>) target(%dma_start3A_44 : memref<1x128xi32, #tpu.memory_space<vmem>>) target_semaphore(%dma_start3A_40 : memref<!tpu.dma_semaphore, #tpu.memory_space<semaphore_mem>>)
      %add3A_47 = arith.constant 0 : i32
      %add3A_48 = arith.constant 1 : i32
      %add3A_49 = arith.addi %add3A_47, %add3A_48 : i32
      %select_n3A_50 = arith.constant true
      %select_n3A_51 = arith.constant 0 : i32
      %select_n3A_52 = arith.select %select_n3A_50, %add3A_49, %select_n3A_51 : i32
      "tpu.trace_stop"() : () -> ()
      %scan3A = arith.constant 0 : i32
      %scan3A_53 = arith.constant 0 : i32
      %scan3A_54 = arith.constant 0 : i32
      %scan3A_55 = arith.constant 0 : i32
      %scan3A_56 = arith.constant 0 : i32
      %scan3A_57 = arith.constant 80 : i32
      %scan3A_58 = arith.addi %scan3A_56, %scan3A_57 : i32
      %scan3A_59 = arith.constant 1 : i32
      %scan3A_60:5 = scf.for %scan3A_114 = %scan3A_56 to %scan3A_58 step %scan3A_59 iter_args(%scan3A_115 = %select_n3A_52, %scan3A_116 = %scan3A, %scan3A_117 = %scan3A_53, %scan3A_118 = %scan3A_54, %scan3A_119 = %scan3A_55) -> (i32, i32, i32, i32, i32)  : i32 {
        %eq3A_120 = arith.constant 0 : i32
        %eq3A_121 = arith.cmpi eq, %scan3A_114, %eq3A_120 : i32
        %eq3A_122 = arith.constant 79 : i32
        %eq3A_123 = arith.cmpi eq, %scan3A_114, %eq3A_122 : i32
        %add3A_124 = arith.addi %scan3A_119, %mul3A_0 : i32
        %sub3A_125 = arith.constant 1 : i32
        %sub3A_126 = arith.subi %scan3A_119, %sub3A_125 : i32
        %select_n3A_127 = arith.constant true
        %select_n3A_128 = arith.select %select_n3A_127, %sub3A_126, %scan3A_119 : i32
        %eq3A_129 = arith.constant -1 : i32
        %eq3A_130 = arith.cmpi eq, %select_n3A_128, %eq3A_129 : i32
        %select_n3A_131 = arith.constant 79 : i32
        %select_n3A_132 = arith.select %eq3A_130, %select_n3A_131, %select_n3A_128 : i32
        %add3A_133 = arith.addi %select_n3A_132, %mul3A_0 : i32
        %add3A_134 = arith.constant 1 : i32
        %add3A_135 = arith.addi %scan3A_119, %add3A_134 : i32
        %select_n3A_136 = arith.constant true
        %select_n3A_137 = arith.select %select_n3A_136, %add3A_135, %scan3A_119 : i32
        %eq3A_138 = arith.constant 80 : i32
        %eq3A_139 = arith.cmpi eq, %select_n3A_137, %eq3A_138 : i32
        %select_n3A_140 = arith.constant 0 : i32
        %select_n3A_141 = arith.select %eq3A_139, %select_n3A_140, %select_n3A_137 : i32
        %add3A_142 = arith.addi %select_n3A_141, %mul3A_0 : i32
        %add3A_143 = arith.constant 1 : i32
        %add3A_144 = arith.addi %select_n3A_141, %add3A_143 : i32
        %select_n3A_145 = arith.constant true
        %select_n3A_146 = arith.select %select_n3A_145, %add3A_144, %select_n3A_141 : i32
        %eq3A_147 = arith.constant 80 : i32
        %eq3A_148 = arith.cmpi eq, %select_n3A_146, %eq3A_147 : i32
        %select_n3A_149 = arith.constant 0 : i32
        %select_n3A_150 = arith.select %eq3A_148, %select_n3A_149, %select_n3A_146 : i32
        %add3A_151 = arith.addi %select_n3A_150, %mul3A_0 : i32
        %ne3A = arith.cmpi ne, %add3A_124, %add3A_142 : i32
        %or3A = arith.constant false
        %or3A_152 = arith.ori %or3A, %ne3A : i1
        %ge3A = arith.constant 79 : i32
        %ge3A_153 = arith.cmpi sge, %scan3A_114, %ge3A : i32
        %not3A = arith.constant true
        %not3A_154 = arith.xori %ge3A_153, %not3A : i1
        %and3A = arith.andi %or3A_152, %not3A_154 : i1
        %convert_element_type3A = arith.extui %and3A : i1 to i32
        %cond3A = arith.constant 0 : i32
        %cond3A_155 = arith.cmpi ne, %convert_element_type3A, %cond3A : i32
        scf.if %cond3A_155 {
          "tpu.trace_start"() <{level = 10 : i32, message = "ep_copy_in"}> : () -> ()
          %rem3A_257 = arith.constant 2 : i32
          %rem3A_258 = arith.remui %scan3A_115, %rem3A_257 : i32
          %mul3A_259 = arith.constant 128 : i32
          %mul3A_260 = arith.muli %mul3A_259, %add3A_142 : i32
          %dma_start3A_261 = arith.constant 0 : i32
          %dma_start3A_262 = arith.constant 0 : i32
          %dma_start3A_263 = tpu.memref_slice %run_scoped3A[%rem3A_258, %dma_start3A_261, %dma_start3A_262] : memref<2x1x128xi32, #tpu.memory_space<vmem>> -> memref<1x1x128xi32, #tpu.memory_space<vmem>>
          %dma_start3A_264 = tpu.memref_squeeze %dma_start3A_263 : memref<1x1x128xi32, #tpu.memory_space<vmem>> -> memref<1x128xi32, #tpu.memory_space<vmem>>
          %dma_start3A_265 = arith.constant 0 : i32
          %dma_start3A_266 = tpu.memref_slice %arg3[%dma_start3A_265, %mul3A_260] : memref<1x163840xi32, #tpu.memory_space<hbm>> -> memref<1x128xi32, #tpu.memory_space<hbm>>
          %dma_start3A_267 = tpu.memref_slice %run_scoped3A_1[%rem3A_258] : memref<2x!tpu.dma_semaphore, #tpu.memory_space<semaphore_mem>> -> memref<1x!tpu.dma_semaphore, #tpu.memory_space<semaphore_mem>>
          %dma_start3A_268 = tpu.memref_squeeze %dma_start3A_267 : memref<1x!tpu.dma_semaphore, #tpu.memory_space<semaphore_mem>> -> memref<!tpu.dma_semaphore, #tpu.memory_space<semaphore_mem>>
          %dma_start3A_269 = arith.constant 0 : i32
          %dma_start3A_270 = arith.constant 0 : i32
          %dma_start3A_271 = tpu.memref_slice %run_scoped3A[%rem3A_258, %dma_start3A_269, %dma_start3A_270] : memref<2x1x128xi32, #tpu.memory_space<vmem>> -> memref<1x1x128xi32, #tpu.memory_space<vmem>>
          %dma_start3A_272 = tpu.memref_squeeze %dma_start3A_271 : memref<1x1x128xi32, #tpu.memory_space<vmem>> -> memref<1x128xi32, #tpu.memory_space<vmem>>
          %dma_start3A_273 = arith.constant 0 : i32
          %dma_start3A_274 = tpu.memref_slice %arg3[%dma_start3A_273, %mul3A_260] : memref<1x163840xi32, #tpu.memory_space<hbm>> -> memref<1x128xi32, #tpu.memory_space<hbm>>
          tpu.enqueue_dma source(%dma_start3A_274 : memref<1x128xi32, #tpu.memory_space<hbm>>) target(%dma_start3A_272 : memref<1x128xi32, #tpu.memory_space<vmem>>) target_semaphore(%dma_start3A_268 : memref<!tpu.dma_semaphore, #tpu.memory_space<semaphore_mem>>)
          "tpu.trace_stop"() : () -> ()
        } else {
        }
        %and3A_156 = arith.constant true
        %and3A_157 = arith.andi %and3A, %and3A_156 : i1
        %add3A_158 = arith.constant 1 : i32
        %add3A_159 = arith.addi %scan3A_115, %add3A_158 : i32
        %select_n3A_160 = arith.select %and3A_157, %add3A_159, %scan3A_115 : i32
        %ne3A_161 = arith.cmpi ne, %add3A_124, %add3A_142 : i32
        %or3A_162 = arith.constant false
        %or3A_163 = arith.ori %or3A_162, %ne3A_161 : i1
        %or3A_164 = arith.constant false
        %or3A_165 = arith.ori %or3A_163, %or3A_164 : i1
        %ge3A_166 = arith.constant 79 : i32
        %ge3A_167 = arith.cmpi sge, %scan3A_114, %ge3A_166 : i32
        %not3A_168 = arith.constant true
        %not3A_169 = arith.xori %ge3A_167, %not3A_168 : i1
        %and3A_170 = arith.andi %or3A_165, %not3A_169 : i1
        %ne3A_171 = arith.cmpi ne, %add3A_124, %add3A_133 : i32
        %or3A_172 = arith.constant false
        %or3A_173 = arith.ori %or3A_172, %ne3A_171 : i1
        %or3A_174 = arith.ori %or3A_173, %eq3A_121 : i1
        %convert_element_type3A_175 = arith.extui %or3A_174 : i1 to i32
        %cond3A_176 = arith.constant 0 : i32
        %cond3A_177 = arith.cmpi ne, %convert_element_type3A_175, %cond3A_176 : i32
        scf.if %cond3A_177 {
          "tpu.trace_start"() <{level = 10 : i32, message = "ep_wait_in"}> : () -> ()
          %mul3A_257 = arith.constant 128 : i32
          %mul3A_258 = arith.muli %mul3A_257, %add3A_124 : i32
          %rem3A_259 = arith.constant 2 : i32
          %rem3A_260 = arith.remui %scan3A_116, %rem3A_259 : i32
          %dma_wait3A_261 = arith.constant 0 : i32
          %dma_wait3A_262 = arith.constant 0 : i32
          %dma_wait3A_263 = tpu.memref_slice %run_scoped3A[%rem3A_260, %dma_wait3A_261, %dma_wait3A_262] : memref<2x1x128xi32, #tpu.memory_space<vmem>> -> memref<1x1x128xi32, #tpu.memory_space<vmem>>
          %dma_wait3A_264 = tpu.memref_squeeze %dma_wait3A_263 : memref<1x1x128xi32, #tpu.memory_space<vmem>> -> memref<1x128xi32, #tpu.memory_space<vmem>>
          %dma_wait3A_265 = arith.constant 0 : i32
          %dma_wait3A_266 = tpu.memref_slice %arg3[%dma_wait3A_265, %mul3A_258] : memref<1x163840xi32, #tpu.memory_space<hbm>> -> memref<1x128xi32, #tpu.memory_space<hbm>>
          %dma_wait3A_267 = tpu.memref_slice %run_scoped3A_1[%rem3A_260] : memref<2x!tpu.dma_semaphore, #tpu.memory_space<semaphore_mem>> -> memref<1x!tpu.dma_semaphore, #tpu.memory_space<semaphore_mem>>
          %dma_wait3A_268 = tpu.memref_squeeze %dma_wait3A_267 : memref<1x!tpu.dma_semaphore, #tpu.memory_space<semaphore_mem>> -> memref<!tpu.dma_semaphore, #tpu.memory_space<semaphore_mem>>
          %dma_wait3A_269 = arith.constant 0 : i32
          %dma_wait3A_270 = arith.constant 0 : i32
          %dma_wait3A_271 = tpu.memref_slice %run_scoped3A[%rem3A_260, %dma_wait3A_269, %dma_wait3A_270] : memref<2x1x128xi32, #tpu.memory_space<vmem>> -> memref<1x1x128xi32, #tpu.memory_space<vmem>>
          %dma_wait3A_272 = tpu.memref_squeeze %dma_wait3A_271 : memref<1x1x128xi32, #tpu.memory_space<vmem>> -> memref<1x128xi32, #tpu.memory_space<vmem>>
          %dma_wait3A_273 = arith.constant 0 : i32
          %dma_wait3A_274 = tpu.memref_slice %arg3[%dma_wait3A_273, %mul3A_258] : memref<1x163840xi32, #tpu.memory_space<hbm>> -> memref<1x128xi32, #tpu.memory_space<hbm>>
          tpu.wait_dma2 semaphore(%dma_wait3A_268 : memref<!tpu.dma_semaphore, #tpu.memory_space<semaphore_mem>>) src(%dma_wait3A_274 : memref<1x128xi32, #tpu.memory_space<hbm>>) dst(%dma_wait3A_272 : memref<1x128xi32, #tpu.memory_space<vmem>>)
          "tpu.trace_stop"() : () -> ()
        } else {
        }
        %ne3A_178 = arith.cmpi ne, %add3A_124, %add3A_133 : i32
        %or3A_179 = arith.constant false
        %or3A_180 = arith.ori %or3A_179, %ne3A_178 : i1
        %or3A_181 = arith.constant false
        %or3A_182 = arith.ori %or3A_180, %or3A_181 : i1
        %or3A_183 = arith.ori %or3A_182, %eq3A_121 : i1
        %convert_element_type3A_184 = arith.extui %or3A_183 : i1 to i32
        %cond3A_185 = arith.constant 0 : i32
        %cond3A_186 = arith.cmpi ne, %convert_element_type3A_184, %cond3A_185 : i32
        scf.if %cond3A_186 {
        } else {
        }
        %rem3A_187 = arith.constant 2 : i32
        %rem3A_188 = arith.remui %scan3A_116, %rem3A_187 : i32
        %rem3A_189 = arith.constant 2 : i32
        %rem3A_190 = arith.remui %scan3A_117, %rem3A_189 : i32
        %run_scoped3A_191 = arith.constant 0 : i32
        "tpu.trace_start"() <{level = 10 : i32, message = "ep_run_kernel"}> : () -> ()
        "tpu.region"() ({
          %run_scoped3A_257 = tpu.sem_alloc : memref<!tpu.dma_semaphore, #tpu.memory_space<semaphore_mem>>
          %dma_start3A_258 = arith.constant 0 : i32
          %dma_start3A_259 = arith.constant 0 : i32
          %dma_start3A_260 = tpu.memref_slice %run_scoped3A_2[%rem3A_190, %dma_start3A_258, %dma_start3A_259] : memref<2x128x128xf32, #tpu.memory_space<vmem>> -> memref<1x128x128xf32, #tpu.memory_space<vmem>>
          %dma_start3A_261 = tpu.memref_squeeze %dma_start3A_260 : memref<1x128x128xf32, #tpu.memory_space<vmem>> -> memref<128x128xf32, #tpu.memory_space<vmem>>
          %dma_start3A_262 = arith.constant 0 : i32
          %dma_start3A_263 = arith.constant 0 : i32
          %dma_start3A_264 = tpu.memref_slice %run_scoped3A[%rem3A_188, %dma_start3A_262, %dma_start3A_263] : memref<2x1x128xi32, #tpu.memory_space<vmem>> -> memref<1x1x128xi32, #tpu.memory_space<vmem>>
          %dma_start3A_265 = tpu.memref_squeeze %dma_start3A_264 : memref<1x1x128xi32, #tpu.memory_space<vmem>> -> memref<1x128xi32, #tpu.memory_space<vmem>>
          %dma_start3A_266 = arith.constant 0 : i32
          %dma_start3A_267 = tpu.memref_slice %dma_start3A_265[%run_scoped3A_191, %dma_start3A_266] : memref<1x128xi32, #tpu.memory_space<vmem>> -> memref<1x128xi32, #tpu.memory_space<vmem>>
          %dma_start3A_268 = tpu.memref_squeeze %dma_start3A_267 : memref<1x128xi32, #tpu.memory_space<vmem>> -> memref<128xi32, #tpu.memory_space<vmem>>
          %dma_start3A_269 = arith.constant 0 : i32
          %dma_start3A_270 = arith.constant 0 : i32
          %dma_start3A_271 = tpu.memref_slice %arg2[%dma_start3A_269, %dma_start3A_270] : memref<10240x128xf32, #tpu.memory_space<hbm>> -> memref<10240x128xf32, #tpu.memory_space<hbm>>
          tpu.enqueue_indirect_dma source(%dma_start3A_271 : memref<10240x128xf32, #tpu.memory_space<hbm>>) target(%dma_start3A_261 : memref<128x128xf32, #tpu.memory_space<vmem>>) offsets(%dma_start3A_268 : memref<128xi32, #tpu.memory_space<vmem>>) semaphore(%run_scoped3A_257 : memref<!tpu.dma_semaphore, #tpu.memory_space<semaphore_mem>>)
          %dma_wait3A_272 = arith.constant 0 : i32
          %dma_wait3A_273 = arith.constant 0 : i32
          %dma_wait3A_274 = tpu.memref_slice %run_scoped3A_2[%rem3A_190, %dma_wait3A_272, %dma_wait3A_273] : memref<2x128x128xf32, #tpu.memory_space<vmem>> -> memref<1x128x128xf32, #tpu.memory_space<vmem>>
          %dma_wait3A_275 = tpu.memref_squeeze %dma_wait3A_274 : memref<1x128x128xf32, #tpu.memory_space<vmem>> -> memref<128x128xf32, #tpu.memory_space<vmem>>
          %dma_wait3A_276 = arith.constant 0 : i32
          %dma_wait3A_277 = arith.constant 0 : i32
          %dma_wait3A_278 = tpu.memref_slice %run_scoped3A[%rem3A_188, %dma_wait3A_276, %dma_wait3A_277] : memref<2x1x128xi32, #tpu.memory_space<vmem>> -> memref<1x1x128xi32, #tpu.memory_space<vmem>>
          %dma_wait3A_279 = tpu.memref_squeeze %dma_wait3A_278 : memref<1x1x128xi32, #tpu.memory_space<vmem>> -> memref<1x128xi32, #tpu.memory_space<vmem>>
          %dma_wait3A_280 = arith.constant 0 : i32
          %dma_wait3A_281 = tpu.memref_slice %dma_wait3A_279[%run_scoped3A_191, %dma_wait3A_280] : memref<1x128xi32, #tpu.memory_space<vmem>> -> memref<1x128xi32, #tpu.memory_space<vmem>>
          %dma_wait3A_282 = tpu.memref_squeeze %dma_wait3A_281 : memref<1x128xi32, #tpu.memory_space<vmem>> -> memref<128xi32, #tpu.memory_space<vmem>>
          %dma_wait3A_283 = arith.constant 0 : i32
          %dma_wait3A_284 = arith.constant 0 : i32
          %dma_wait3A_285 = tpu.memref_slice %arg2[%dma_wait3A_283, %dma_wait3A_284] : memref<10240x128xf32, #tpu.memory_space<hbm>> -> memref<10240x128xf32, #tpu.memory_space<hbm>>
          tpu.wait_indirect_dma semaphore(%run_scoped3A_257 : memref<!tpu.dma_semaphore, #tpu.memory_space<semaphore_mem>>) src(%dma_wait3A_285 : memref<10240x128xf32, #tpu.memory_space<hbm>>) dst(%dma_wait3A_275 : memref<128x128xf32, #tpu.memory_space<vmem>>)
          tpu.yield
        }) : () -> ()
        "tpu.trace_stop"() : () -> ()
        %ne3A_192 = arith.cmpi ne, %add3A_124, %add3A_142 : i32
        %or3A_193 = arith.constant false
        %or3A_194 = arith.ori %or3A_193, %ne3A_192 : i1
        %or3A_195 = arith.ori %or3A_194, %eq3A_123 : i1
        %convert_element_type3A_196 = arith.extui %or3A_195 : i1 to i32
        %cond3A_197 = arith.constant 0 : i32
        %cond3A_198 = arith.cmpi ne, %convert_element_type3A_196, %cond3A_197 : i32
        scf.if %cond3A_198 {
        } else {
        }
        %and3A_199 = arith.constant false
        %and3A_200 = arith.andi %or3A_195, %and3A_199 : i1
        %ne3A_201 = arith.cmpi ne, %add3A_124, %add3A_142 : i32
        %or3A_202 = arith.constant false
        %or3A_203 = arith.ori %or3A_202, %ne3A_201 : i1
        %or3A_204 = arith.constant false
        %or3A_205 = arith.ori %or3A_203, %or3A_204 : i1
        %or3A_206 = arith.ori %or3A_205, %eq3A_123 : i1
        %convert_element_type3A_207 = arith.extui %or3A_206 : i1 to i32
        %cond3A_208 = arith.constant 0 : i32
        %cond3A_209 = arith.cmpi ne, %convert_element_type3A_207, %cond3A_208 : i32
        scf.if %cond3A_209 {
          "tpu.trace_start"() <{level = 10 : i32, message = "ep_copy_out"}> : () -> ()
          %rem3A_257 = arith.constant 2 : i32
          %rem3A_258 = arith.remui %scan3A_117, %rem3A_257 : i32
          %mul3A_259 = arith.constant 128 : i32
          %mul3A_260 = arith.muli %mul3A_259, %add3A_124 : i32
          %dma_start3A_261 = arith.constant 0 : i32
          %dma_start3A_262 = arith.constant 0 : i32
          %dma_start3A_263 = tpu.memref_slice %run_scoped3A_2[%rem3A_258, %dma_start3A_261, %dma_start3A_262] : memref<2x128x128xf32, #tpu.memory_space<vmem>> -> memref<1x128x128xf32, #tpu.memory_space<vmem>>
          %dma_start3A_264 = tpu.memref_squeeze %dma_start3A_263 : memref<1x128x128xf32, #tpu.memory_space<vmem>> -> memref<128x128xf32, #tpu.memory_space<vmem>>
          %dma_start3A_265 = arith.constant 0 : i32
          %dma_start3A_266 = tpu.memref_slice %arg4[%mul3A_260, %dma_start3A_265] : memref<163840x128xf32, #tpu.memory_space<hbm>> -> memref<128x128xf32, #tpu.memory_space<hbm>>
          %dma_start3A_267 = tpu.memref_slice %run_scoped3A_3[%rem3A_258] : memref<2x!tpu.dma_semaphore, #tpu.memory_space<semaphore_mem>> -> memref<1x!tpu.dma_semaphore, #tpu.memory_space<semaphore_mem>>
          %dma_start3A_268 = tpu.memref_squeeze %dma_start3A_267 : memref<1x!tpu.dma_semaphore, #tpu.memory_space<semaphore_mem>> -> memref<!tpu.dma_semaphore, #tpu.memory_space<semaphore_mem>>
          %dma_start3A_269 = arith.constant 0 : i32
          %dma_start3A_270 = tpu.memref_slice %arg4[%mul3A_260, %dma_start3A_269] : memref<163840x128xf32, #tpu.memory_space<hbm>> -> memref<128x128xf32, #tpu.memory_space<hbm>>
          %dma_start3A_271 = arith.constant 0 : i32
          %dma_start3A_272 = arith.constant 0 : i32
          %dma_start3A_273 = tpu.memref_slice %run_scoped3A_2[%rem3A_258, %dma_start3A_271, %dma_start3A_272] : memref<2x128x128xf32, #tpu.memory_space<vmem>> -> memref<1x128x128xf32, #tpu.memory_space<vmem>>
          %dma_start3A_274 = tpu.memref_squeeze %dma_start3A_273 : memref<1x128x128xf32, #tpu.memory_space<vmem>> -> memref<128x128xf32, #tpu.memory_space<vmem>>
          tpu.enqueue_dma source(%dma_start3A_274 : memref<128x128xf32, #tpu.memory_space<vmem>>) target(%dma_start3A_270 : memref<128x128xf32, #tpu.memory_space<hbm>>) target_semaphore(%dma_start3A_268 : memref<!tpu.dma_semaphore, #tpu.memory_space<semaphore_mem>>)
          "tpu.trace_stop"() : () -> ()
        } else {
        }
        %and3A_210 = arith.constant true
        %and3A_211 = arith.andi %or3A_206, %and3A_210 : i1
        %add3A_212 = arith.constant 1 : i32
        %add3A_213 = arith.addi %scan3A_117, %add3A_212 : i32
        %select_n3A_214 = arith.select %and3A_211, %add3A_213, %scan3A_117 : i32
        %ne3A_215 = arith.cmpi ne, %add3A_124, %add3A_133 : i32
        %or3A_216 = arith.constant false
        %or3A_217 = arith.ori %or3A_216, %ne3A_215 : i1
        %not3A_218 = arith.constant true
        %not3A_219 = arith.xori %eq3A_121, %not3A_218 : i1
        %and3A_220 = arith.andi %or3A_217, %not3A_219 : i1
        %convert_element_type3A_221 = arith.extui %and3A_220 : i1 to i32
        %cond3A_222 = arith.constant 0 : i32
        %cond3A_223 = arith.cmpi ne, %convert_element_type3A_221, %cond3A_222 : i32
        scf.if %cond3A_223 {
        } else {
        }
        %and3A_224 = arith.constant false
        %and3A_225 = arith.andi %and3A_220, %and3A_224 : i1
        %ne3A_226 = arith.cmpi ne, %add3A_124, %add3A_133 : i32
        %or3A_227 = arith.constant false
        %or3A_228 = arith.ori %or3A_227, %ne3A_226 : i1
        %or3A_229 = arith.constant false
        %or3A_230 = arith.ori %or3A_228, %or3A_229 : i1
        %not3A_231 = arith.constant true
        %not3A_232 = arith.xori %eq3A_121, %not3A_231 : i1
        %and3A_233 = arith.andi %or3A_230, %not3A_232 : i1
        %convert_element_type3A_234 = arith.extui %and3A_233 : i1 to i32
        %cond3A_235 = arith.constant 0 : i32
        %cond3A_236 = arith.cmpi ne, %convert_element_type3A_234, %cond3A_235 : i32
        scf.if %cond3A_236 {
          "tpu.trace_start"() <{level = 10 : i32, message = "ep_wait_out"}> : () -> ()
          %rem3A_257 = arith.constant 2 : i32
          %rem3A_258 = arith.remui %scan3A_118, %rem3A_257 : i32
          %mul3A_259 = arith.constant 128 : i32
          %mul3A_260 = arith.muli %mul3A_259, %add3A_133 : i32
          %dma_wait3A_261 = arith.constant 0 : i32
          %dma_wait3A_262 = arith.constant 0 : i32
          %dma_wait3A_263 = tpu.memref_slice %run_scoped3A_2[%rem3A_258, %dma_wait3A_261, %dma_wait3A_262] : memref<2x128x128xf32, #tpu.memory_space<vmem>> -> memref<1x128x128xf32, #tpu.memory_space<vmem>>
          %dma_wait3A_264 = tpu.memref_squeeze %dma_wait3A_263 : memref<1x128x128xf32, #tpu.memory_space<vmem>> -> memref<128x128xf32, #tpu.memory_space<vmem>>
          %dma_wait3A_265 = arith.constant 0 : i32
          %dma_wait3A_266 = tpu.memref_slice %arg4[%mul3A_260, %dma_wait3A_265] : memref<163840x128xf32, #tpu.memory_space<hbm>> -> memref<128x128xf32, #tpu.memory_space<hbm>>
          %dma_wait3A_267 = tpu.memref_slice %run_scoped3A_3[%rem3A_258] : memref<2x!tpu.dma_semaphore, #tpu.memory_space<semaphore_mem>> -> memref<1x!tpu.dma_semaphore, #tpu.memory_space<semaphore_mem>>
          %dma_wait3A_268 = tpu.memref_squeeze %dma_wait3A_267 : memref<1x!tpu.dma_semaphore, #tpu.memory_space<semaphore_mem>> -> memref<!tpu.dma_semaphore, #tpu.memory_space<semaphore_mem>>
          %dma_wait3A_269 = arith.constant 0 : i32
          %dma_wait3A_270 = tpu.memref_slice %arg4[%mul3A_260, %dma_wait3A_269] : memref<163840x128xf32, #tpu.memory_space<hbm>> -> memref<128x128xf32, #tpu.memory_space<hbm>>
          %dma_wait3A_271 = arith.constant 0 : i32
          %dma_wait3A_272 = arith.constant 0 : i32
          %dma_wait3A_273 = tpu.memref_slice %run_scoped3A_2[%rem3A_258, %dma_wait3A_271, %dma_wait3A_272] : memref<2x128x128xf32, #tpu.memory_space<vmem>> -> memref<1x128x128xf32, #tpu.memory_space<vmem>>
          %dma_wait3A_274 = tpu.memref_squeeze %dma_wait3A_273 : memref<1x128x128xf32, #tpu.memory_space<vmem>> -> memref<128x128xf32, #tpu.memory_space<vmem>>
          tpu.wait_dma2 semaphore(%dma_wait3A_268 : memref<!tpu.dma_semaphore, #tpu.memory_space<semaphore_mem>>) src(%dma_wait3A_274 : memref<128x128xf32, #tpu.memory_space<vmem>>) dst(%dma_wait3A_270 : memref<128x128xf32, #tpu.memory_space<hbm>>)
          "tpu.trace_stop"() : () -> ()
        } else {
        }
        %and3A_237 = arith.constant true
        %and3A_238 = arith.andi %and3A_233, %and3A_237 : i1
        %add3A_239 = arith.constant 1 : i32
        %add3A_240 = arith.addi %scan3A_118, %add3A_239 : i32
        %select_n3A_241 = arith.select %and3A_238, %add3A_240, %scan3A_118 : i32
        %ne3A_242 = arith.cmpi ne, %add3A_124, %add3A_142 : i32
        %or3A_243 = arith.constant false
        %or3A_244 = arith.ori %or3A_243, %ne3A_242 : i1
        %or3A_245 = arith.ori %or3A_244, %eq3A_123 : i1
        %add3A_246 = arith.constant 1 : i32
        %add3A_247 = arith.addi %scan3A_116, %add3A_246 : i32
        %select_n3A_248 = arith.select %or3A_245, %add3A_247, %scan3A_116 : i32
        %add3A_249 = arith.constant 1 : i32
        %add3A_250 = arith.addi %scan3A_119, %add3A_249 : i32
        %select_n3A_251 = arith.constant true
        %select_n3A_252 = arith.select %select_n3A_251, %add3A_250, %scan3A_119 : i32
        %eq3A_253 = arith.constant 80 : i32
        %eq3A_254 = arith.cmpi eq, %select_n3A_252, %eq3A_253 : i32
        %select_n3A_255 = arith.constant 0 : i32
        %select_n3A_256 = arith.select %eq3A_254, %select_n3A_255, %select_n3A_252 : i32
        scf.yield %select_n3A_160, %select_n3A_248, %select_n3A_214, %select_n3A_241, %select_n3A_256 : i32, i32, i32, i32, i32
      }
      %scan3A_61 = arith.constant 80 : i32
      %sub3A = arith.constant 1 : i32
      %sub3A_62 = arith.subi %scan3A_60#4, %sub3A : i32
      %select_n3A_63 = arith.constant true
      %select_n3A_64 = arith.select %select_n3A_63, %sub3A_62, %scan3A_60#4 : i32
      %eq3A_65 = arith.constant -1 : i32
      %eq3A_66 = arith.cmpi eq, %select_n3A_64, %eq3A_65 : i32
      %select_n3A_67 = arith.constant 79 : i32
      %select_n3A_68 = arith.select %eq3A_66, %select_n3A_67, %select_n3A_64 : i32
      %add3A_69 = arith.addi %select_n3A_68, %mul3A_0 : i32
      %sub3A_70 = arith.constant 1 : i32
      %sub3A_71 = arith.subi %select_n3A_68, %sub3A_70 : i32
      %select_n3A_72 = arith.constant true
      %select_n3A_73 = arith.select %select_n3A_72, %sub3A_71, %select_n3A_68 : i32
      %eq3A_74 = arith.constant -1 : i32
      %eq3A_75 = arith.cmpi eq, %select_n3A_73, %eq3A_74 : i32
      %select_n3A_76 = arith.constant 79 : i32
      %select_n3A_77 = arith.select %eq3A_75, %select_n3A_76, %select_n3A_73 : i32
      %add3A_78 = arith.addi %select_n3A_77, %mul3A_0 : i32
      %add3A_79 = arith.constant 1 : i32
      %add3A_80 = arith.addi %select_n3A_68, %add3A_79 : i32
      %select_n3A_81 = arith.constant true
      %select_n3A_82 = arith.select %select_n3A_81, %add3A_80, %select_n3A_68 : i32
      %eq3A_83 = arith.constant 80 : i32
      %eq3A_84 = arith.cmpi eq, %select_n3A_82, %eq3A_83 : i32
      %select_n3A_85 = arith.constant 0 : i32
      %select_n3A_86 = arith.select %eq3A_84, %select_n3A_85, %select_n3A_82 : i32
      %add3A_87 = arith.addi %select_n3A_86, %mul3A_0 : i32
      %add3A_88 = arith.constant 1 : i32
      %add3A_89 = arith.addi %select_n3A_86, %add3A_88 : i32
      %select_n3A_90 = arith.constant true
      %select_n3A_91 = arith.select %select_n3A_90, %add3A_89, %select_n3A_86 : i32
      %eq3A_92 = arith.constant 80 : i32
      %eq3A_93 = arith.cmpi eq, %select_n3A_91, %eq3A_92 : i32
      %select_n3A_94 = arith.constant 0 : i32
      %select_n3A_95 = arith.select %eq3A_93, %select_n3A_94, %select_n3A_91 : i32
      %add3A_96 = arith.addi %select_n3A_95, %mul3A_0 : i32
      "tpu.trace_start"() <{level = 10 : i32, message = "ep_finalize"}> : () -> ()
      %rem3A_97 = arith.constant 2 : i32
      %rem3A_98 = arith.remui %scan3A_60#3, %rem3A_97 : i32
      %mul3A_99 = arith.constant 128 : i32
      %mul3A_100 = arith.muli %mul3A_99, %add3A_69 : i32
      %dma_wait3A = arith.constant 0 : i32
      %dma_wait3A_101 = arith.constant 0 : i32
      %dma_wait3A_102 = tpu.memref_slice %run_scoped3A_2[%rem3A_98, %dma_wait3A, %dma_wait3A_101] : memref<2x128x128xf32, #tpu.memory_space<vmem>> -> memref<1x128x128xf32, #tpu.memory_space<vmem>>
      %dma_wait3A_103 = tpu.memref_squeeze %dma_wait3A_102 : memref<1x128x128xf32, #tpu.memory_space<vmem>> -> memref<128x128xf32, #tpu.memory_space<vmem>>
      %dma_wait3A_104 = arith.constant 0 : i32
      %dma_wait3A_105 = tpu.memref_slice %arg4[%mul3A_100, %dma_wait3A_104] : memref<163840x128xf32, #tpu.memory_space<hbm>> -> memref<128x128xf32, #tpu.memory_space<hbm>>
      %dma_wait3A_106 = tpu.memref_slice %run_scoped3A_3[%rem3A_98] : memref<2x!tpu.dma_semaphore, #tpu.memory_space<semaphore_mem>> -> memref<1x!tpu.dma_semaphore, #tpu.memory_space<semaphore_mem>>
      %dma_wait3A_107 = tpu.memref_squeeze %dma_wait3A_106 : memref<1x!tpu.dma_semaphore, #tpu.memory_space<semaphore_mem>> -> memref<!tpu.dma_semaphore, #tpu.memory_space<semaphore_mem>>
      %dma_wait3A_108 = arith.constant 0 : i32
      %dma_wait3A_109 = tpu.memref_slice %arg4[%mul3A_100, %dma_wait3A_108] : memref<163840x128xf32, #tpu.memory_space<hbm>> -> memref<128x128xf32, #tpu.memory_space<hbm>>
      %dma_wait3A_110 = arith.constant 0 : i32
      %dma_wait3A_111 = arith.constant 0 : i32
      %dma_wait3A_112 = tpu.memref_slice %run_scoped3A_2[%rem3A_98, %dma_wait3A_110, %dma_wait3A_111] : memref<2x128x128xf32, #tpu.memory_space<vmem>> -> memref<1x128x128xf32, #tpu.memory_space<vmem>>
      %dma_wait3A_113 = tpu.memref_squeeze %dma_wait3A_112 : memref<1x128x128xf32, #tpu.memory_space<vmem>> -> memref<128x128xf32, #tpu.memory_space<vmem>>
      tpu.wait_dma2 semaphore(%dma_wait3A_107 : memref<!tpu.dma_semaphore, #tpu.memory_space<semaphore_mem>>) src(%dma_wait3A_113 : memref<128x128xf32, #tpu.memory_space<vmem>>) dst(%dma_wait3A_109 : memref<128x128xf32, #tpu.memory_space<hbm>>)
      "tpu.trace_stop"() : () -> ()
      tpu.yield
    }) : () -> ()
    return
  }
}

module attributes {stable_mosaic.version = 14 : i64} {
  func.func @_knn_body(%arg0: i32, %arg1: memref<3x10240xf32, #tpu.memory_space<vmem>>, %arg2: memref<128x3xf32, #tpu.memory_space<vmem>>, %arg3: memref<16x128xi32, #tpu.memory_space<vmem>>) attributes {dimension_semantics = [#tpu.dimension_semantics<arbitrary>], iteration_bounds = array<i64: 80>, scalar_prefetch = 0 : i64, scratch_operands = 0 : i64, tpu.core_type = #tpu.core_type<tc>, window_params = [{pipeline_mode = #tpu.pipeline_mode<synchronous>, transform_indices = @transform_0, window_bounds = array<i64: 3, 10240>}, {transform_indices = @transform_1, window_bounds = array<i64: 128, 3>}, {transform_indices = @transform_2, window_bounds = array<i64: 16, 128>}]} {
    %get3A = arith.constant 0 : index
    %get3A_0 = arith.constant 0 : index
    %get3A_1 = vector.load %arg2[%get3A, %get3A_0] : memref<128x3xf32, #tpu.memory_space<vmem>>, vector<128x3xf32>
    %get3A_2 = arith.constant 0 : index
    %get3A_3 = arith.constant 0 : index
    %get3A_4 = vector.load %arg1[%get3A_2, %get3A_3] : memref<3x10240xf32, #tpu.memory_space<vmem>>, vector<3x10240xf32>
    %mul3A = arith.mulf %get3A_1, %get3A_1 : vector<128x3xf32>
    %reduce_sum3A = arith.constant dense<0.000000e+00> : vector<128xf32>
    %reduce_sum3A_5 = vector.multi_reduction <add>, %mul3A, %reduce_sum3A [1] : vector<128x3xf32> to vector<128xf32>
    %broadcast_in_dim3A = vector.shape_cast %reduce_sum3A_5 : vector<128xf32> to vector<128x1xf32>
    %mul3A_6 = arith.mulf %get3A_4, %get3A_4 : vector<3x10240xf32>
    %reduce_sum3A_7 = arith.constant dense<0.000000e+00> : vector<10240xf32>
    %reduce_sum3A_8 = vector.multi_reduction <add>, %mul3A_6, %reduce_sum3A_7 [0] : vector<3x10240xf32> to vector<10240xf32>
    %broadcast_in_dim3A_9 = vector.shape_cast %reduce_sum3A_8 : vector<10240xf32> to vector<1x10240xf32>
    %dot_general3A = arith.constant dense<0.000000e+00> : vector<128x10240xf32>
    %dot_general3A_10 = tpu.matmul %get3A_1, %get3A_4, %dot_general3A {dimension_numbers = #tpu.dot_dimension_numbers<[1], [0], [0], [1], [0, 0, 1, 1], [], []>, transpose_lhs_hint = false} : vector<128x3xf32>, vector<3x10240xf32>, vector<128x10240xf32> -> vector<128x10240xf32>
    %add3A = vector.broadcast %broadcast_in_dim3A : vector<128x1xf32> to vector<128x10240xf32>
    %add3A_11 = vector.broadcast %broadcast_in_dim3A_9 : vector<1x10240xf32> to vector<128x10240xf32>
    %add3A_12 = arith.addf %add3A, %add3A_11 : vector<128x10240xf32>
    %mul3A_13 = arith.constant 2.000000e+00 : f32
    %mul3A_14 = vector.broadcast %mul3A_13 : f32 to vector<128x10240xf32>
    %mul3A_15 = arith.mulf %mul3A_14, %dot_general3A_10 : vector<128x10240xf32>
    %sub3A = arith.subf %add3A_12, %mul3A_15 : vector<128x10240xf32>
    %max3A = arith.constant 0.000000e+00 : f32
    %max3A_16 = vector.broadcast %max3A : f32 to vector<128x10240xf32>
    %max3A_17 = arith.maximumf %sub3A, %max3A_16 : vector<128x10240xf32>
    %iota3A = tpu.iota {dimensions = array<i32: 1>} : vector<128x10240xi32>
    %lt3A = arith.constant 10000 : i32
    %lt3A_18 = vector.broadcast %lt3A : i32 to vector<128x10240xi32>
    %lt3A_19 = arith.cmpi slt, %iota3A, %lt3A_18 : vector<128x10240xi32>
    %jit3A = arith.constant 0x7F800000 : f32
    %broadcast_in_dim3A_20 = vector.broadcast %jit3A : f32 to vector<128x10240xf32>
    %select_n3A = arith.select %lt3A_19, %max3A_17, %broadcast_in_dim3A_20 : vector<128x10240xi1>, vector<128x10240xf32>
    %scan3A = arith.constant 0 : i32
    %scan3A_21 = arith.constant 16 : i32
    %scan3A_22 = arith.addi %scan3A, %scan3A_21 : i32
    %scan3A_23 = arith.constant 1 : i32
    %scan3A_24 = scf.for %scan3A_26 = %scan3A to %scan3A_22 step %scan3A_23 iter_args(%scan3A_27 = %select_n3A) -> (vector<128x10240xf32>)  : i32 {
      %reduce_min3A = arith.constant dense<0x7F800000> : vector<128xf32>
      %reduce_min3A_28 = vector.multi_reduction <minimumf>, %scan3A_27, %reduce_min3A [1] : vector<128x10240xf32> to vector<128xf32>
      %broadcast_in_dim3A_29 = vector.shape_cast %reduce_min3A_28 : vector<128xf32> to vector<128x1xf32>
      %eq3A = vector.broadcast %broadcast_in_dim3A_29 : vector<128x1xf32> to vector<128x10240xf32>
      %eq3A_30 = arith.cmpf oeq, %scan3A_27, %eq3A : vector<128x10240xf32>
      %jit3A_31 = arith.constant 1073741824 : i32
      %broadcast_in_dim3A_32 = vector.broadcast %jit3A_31 : i32 to vector<128x10240xi32>
      %select_n3A_33 = arith.select %eq3A_30, %iota3A, %broadcast_in_dim3A_32 : vector<128x10240xi1>, vector<128x10240xi32>
      %reduce_min3A_34 = arith.constant dense<2147483647> : vector<128xi32>
      %reduce_min3A_35 = vector.multi_reduction <minsi>, %select_n3A_33, %reduce_min3A_34 [1] : vector<128x10240xi32> to vector<128xi32>
      %broadcast_in_dim3A_36 = vector.shape_cast %reduce_min3A_35 : vector<128xi32> to vector<1x128xi32>
      %swap3A = arith.index_cast %scan3A_26 : i32 to index
      %swap3A_37 = arith.constant 0 : index
      %swap3A_38 = vector.load %arg3[%swap3A, %swap3A_37] : memref<16x128xi32, #tpu.memory_space<vmem>>, vector<1x128xi32>
      tpu.vector_store %arg3[%swap3A, %swap3A_37], %broadcast_in_dim3A_36 {strides = array<i32>} : memref<16x128xi32, #tpu.memory_space<vmem>>, vector<1x128xi32>,
      %broadcast_in_dim3A_39 = vector.shape_cast %reduce_min3A_35 : vector<128xi32> to vector<128x1xi32>
      %eq3A_40 = vector.broadcast %broadcast_in_dim3A_39 : vector<128x1xi32> to vector<128x10240xi32>
      %eq3A_41 = arith.cmpi eq, %iota3A, %eq3A_40 : vector<128x10240xi32>
      %jit3A_42 = arith.constant 0x7F800000 : f32
      %broadcast_in_dim3A_43 = vector.broadcast %jit3A_42 : f32 to vector<128x10240xf32>
      %select_n3A_44 = arith.select %eq3A_41, %broadcast_in_dim3A_43, %scan3A_27 : vector<128x10240xi1>, vector<128x10240xf32>
      scf.yield %select_n3A_44 : vector<128x10240xf32>
    }
    %scan3A_25 = arith.constant 16 : i32
    return
  }
  func.func @transform_0(%arg0: i32) -> (i32, i32) {
    %c0_i32 = arith.constant 0 : i32
    %c0_i32_0 = arith.constant 0 : i32
    %c0_i32_1 = arith.constant 0 : i32
    return %c0_i32, %c0_i32_0 : i32, i32
  }
  func.func @transform_1(%arg0: i32) -> (i32, i32) {
    %c0_i32 = arith.constant 0 : i32
    %c0_i32_0 = arith.constant 0 : i32
    return %arg0, %c0_i32 : i32, i32
  }
  func.func @transform_2(%arg0: i32) -> (i32, i32) {
    %c0_i32 = arith.constant 0 : i32
    %c0_i32_0 = arith.constant 0 : i32
    return %c0_i32, %arg0 : i32, i32
  }
}

module attributes {stable_mosaic.version = 14 : i64} {
  func.func @_fps_body(%arg0: memref<8x1280xf32, #tpu.memory_space<vmem>>, %arg1: memref<8x1280xf32, #tpu.memory_space<vmem>>, %arg2: memref<8x1280xf32, #tpu.memory_space<vmem>>, %arg3: memref<8x640xi32, #tpu.memory_space<vmem>>) attributes {dimension_semantics = [], scalar_prefetch = 0 : i64, scratch_operands = 0 : i64, tpu.core_type = #tpu.core_type<tc>} {
    %get3A = arith.constant 0 : index
    %get3A_0 = arith.constant 0 : index
    %get3A_1 = vector.load %arg0[%get3A, %get3A_0] : memref<8x1280xf32, #tpu.memory_space<vmem>>, vector<8x1280xf32>
    %get3A_2 = arith.constant 0 : index
    %get3A_3 = arith.constant 0 : index
    %get3A_4 = vector.load %arg1[%get3A_2, %get3A_3] : memref<8x1280xf32, #tpu.memory_space<vmem>>, vector<8x1280xf32>
    %get3A_5 = arith.constant 0 : index
    %get3A_6 = arith.constant 0 : index
    %get3A_7 = vector.load %arg2[%get3A_5, %get3A_6] : memref<8x1280xf32, #tpu.memory_space<vmem>>, vector<8x1280xf32>
    %iota3A = tpu.iota {dimensions = array<i32: 0>} : vector<8x1280xi32>
    %iota3A_8 = tpu.iota {dimensions = array<i32: 1>} : vector<8x1280xi32>
    %mul3A = arith.constant 1280 : i32
    %mul3A_9 = vector.broadcast %mul3A : i32 to vector<8x1280xi32>
    %mul3A_10 = arith.muli %iota3A, %mul3A_9 : vector<8x1280xi32>
    %add3A = arith.addi %mul3A_10, %iota3A_8 : vector<8x1280xi32>
    %lt3A = arith.constant 10000 : i32
    %lt3A_11 = vector.broadcast %lt3A : i32 to vector<8x1280xi32>
    %lt3A_12 = arith.cmpi slt, %add3A, %lt3A_11 : vector<8x1280xi32>
    %eq3A = arith.constant 0 : i32
    %eq3A_13 = vector.broadcast %eq3A : i32 to vector<8x1280xi32>
    %eq3A_14 = arith.cmpi eq, %add3A, %eq3A_13 : vector<8x1280xi32>
    %jit3A = arith.constant 0.000000e+00 : f32
    %broadcast_in_dim3A = vector.broadcast %jit3A : f32 to vector<8x1280xf32>
    %select_n3A = arith.select %eq3A_14, %get3A_1, %broadcast_in_dim3A : vector<8x1280xi1>, vector<8x1280xf32>
    %reduce_sum3A = vector.shape_cast %select_n3A : vector<8x1280xf32> to vector<1x8x1280xf32>
    %reduce_sum3A_15 = arith.constant dense<0.000000e+00> : vector<1xf32>
    %reduce_sum3A_16 = vector.multi_reduction <add>, %reduce_sum3A, %reduce_sum3A_15 [1, 2] : vector<1x8x1280xf32> to vector<1xf32>
    %reduce_sum3A_17 = vector.shape_cast %reduce_sum3A_16 : vector<1xf32> to vector<1x1x1xf32>
    %reduce_sum3A_18 = vector.extract %reduce_sum3A_17[0, 0, 0] : f32 from vector<1x1x1xf32>
    %eq3A_19 = arith.constant 0 : i32
    %eq3A_20 = vector.broadcast %eq3A_19 : i32 to vector<8x1280xi32>
    %eq3A_21 = arith.cmpi eq, %add3A, %eq3A_20 : vector<8x1280xi32>
    %jit3A_22 = arith.constant 0.000000e+00 : f32
    %broadcast_in_dim3A_23 = vector.broadcast %jit3A_22 : f32 to vector<8x1280xf32>
    %select_n3A_24 = arith.select %eq3A_21, %get3A_4, %broadcast_in_dim3A_23 : vector<8x1280xi1>, vector<8x1280xf32>
    %reduce_sum3A_25 = vector.shape_cast %select_n3A_24 : vector<8x1280xf32> to vector<1x8x1280xf32>
    %reduce_sum3A_26 = arith.constant dense<0.000000e+00> : vector<1xf32>
    %reduce_sum3A_27 = vector.multi_reduction <add>, %reduce_sum3A_25, %reduce_sum3A_26 [1, 2] : vector<1x8x1280xf32> to vector<1xf32>
    %reduce_sum3A_28 = vector.shape_cast %reduce_sum3A_27 : vector<1xf32> to vector<1x1x1xf32>
    %reduce_sum3A_29 = vector.extract %reduce_sum3A_28[0, 0, 0] : f32 from vector<1x1x1xf32>
    %eq3A_30 = arith.constant 0 : i32
    %eq3A_31 = vector.broadcast %eq3A_30 : i32 to vector<8x1280xi32>
    %eq3A_32 = arith.cmpi eq, %add3A, %eq3A_31 : vector<8x1280xi32>
    %jit3A_33 = arith.constant 0.000000e+00 : f32
    %broadcast_in_dim3A_34 = vector.broadcast %jit3A_33 : f32 to vector<8x1280xf32>
    %select_n3A_35 = arith.select %eq3A_32, %get3A_7, %broadcast_in_dim3A_34 : vector<8x1280xi1>, vector<8x1280xf32>
    %reduce_sum3A_36 = vector.shape_cast %select_n3A_35 : vector<8x1280xf32> to vector<1x8x1280xf32>
    %reduce_sum3A_37 = arith.constant dense<0.000000e+00> : vector<1xf32>
    %reduce_sum3A_38 = vector.multi_reduction <add>, %reduce_sum3A_36, %reduce_sum3A_37 [1, 2] : vector<1x8x1280xf32> to vector<1xf32>
    %reduce_sum3A_39 = vector.shape_cast %reduce_sum3A_38 : vector<1xf32> to vector<1x1x1xf32>
    %reduce_sum3A_40 = vector.extract %reduce_sum3A_39[0, 0, 0] : f32 from vector<1x1x1xf32>
    %sub3A = vector.broadcast %reduce_sum3A_18 : f32 to vector<8x1280xf32>
    %sub3A_41 = arith.subf %get3A_1, %sub3A : vector<8x1280xf32>
    %integer_pow3A = arith.mulf %sub3A_41, %sub3A_41 : vector<8x1280xf32>
    %sub3A_42 = vector.broadcast %reduce_sum3A_29 : f32 to vector<8x1280xf32>
    %sub3A_43 = arith.subf %get3A_4, %sub3A_42 : vector<8x1280xf32>
    %integer_pow3A_44 = arith.mulf %sub3A_43, %sub3A_43 : vector<8x1280xf32>
    %add3A_45 = arith.addf %integer_pow3A, %integer_pow3A_44 : vector<8x1280xf32>
    %sub3A_46 = vector.broadcast %reduce_sum3A_40 : f32 to vector<8x1280xf32>
    %sub3A_47 = arith.subf %get3A_7, %sub3A_46 : vector<8x1280xf32>
    %integer_pow3A_48 = arith.mulf %sub3A_47, %sub3A_47 : vector<8x1280xf32>
    %add3A_49 = arith.addf %add3A_45, %integer_pow3A_48 : vector<8x1280xf32>
    %jit3A_50 = arith.constant 0xFF800000 : f32
    %broadcast_in_dim3A_51 = vector.broadcast %jit3A_50 : f32 to vector<8x1280xf32>
    %select_n3A_52 = arith.select %lt3A_12, %add3A_49, %broadcast_in_dim3A_51 : vector<8x1280xi1>, vector<8x1280xf32>
    %iota3A_53 = tpu.iota {dimensions = array<i32: 0>} : vector<8x640xi32>
    %iota3A_54 = tpu.iota {dimensions = array<i32: 1>} : vector<8x640xi32>
    %mul3A_55 = arith.constant 640 : i32
    %mul3A_56 = vector.broadcast %mul3A_55 : i32 to vector<8x640xi32>
    %mul3A_57 = arith.muli %iota3A_53, %mul3A_56 : vector<8x640xi32>
    %add3A_58 = arith.addi %mul3A_57, %iota3A_54 : vector<8x640xi32>
    %broadcast_in_dim3A_59 = arith.constant 0 : i32
    %broadcast_in_dim3A_60 = vector.broadcast %broadcast_in_dim3A_59 : i32 to vector<8x640xi32>
    %scan3A = arith.constant 1 : i32
    %scan3A_61 = arith.constant 4999 : i32
    %scan3A_62 = arith.addi %scan3A, %scan3A_61 : i32
    %scan3A_63 = arith.constant 1 : i32
    %scan3A_64:2 = scf.for %scan3A_68 = %scan3A to %scan3A_62 step %scan3A_63 iter_args(%scan3A_69 = %select_n3A_52, %scan3A_70 = %broadcast_in_dim3A_60) -> (vector<8x1280xf32>, vector<8x640xi32>)  : i32 {
      %reduce_max3A = vector.shape_cast %scan3A_69 : vector<8x1280xf32> to vector<1x8x1280xf32>
      %reduce_max3A_71 = arith.constant dense<0xFF800000> : vector<1xf32>
      %reduce_max3A_72 = vector.multi_reduction <maximumf>, %reduce_max3A, %reduce_max3A_71 [1, 2] : vector<1x8x1280xf32> to vector<1xf32>
      %reduce_max3A_73 = vector.shape_cast %reduce_max3A_72 : vector<1xf32> to vector<1x1x1xf32>
      %reduce_max3A_74 = vector.extract %reduce_max3A_73[0, 0, 0] : f32 from vector<1x1x1xf32>
      %eq3A_75 = vector.broadcast %reduce_max3A_74 : f32 to vector<8x1280xf32>
      %eq3A_76 = arith.cmpf oeq, %scan3A_69, %eq3A_75 : vector<8x1280xf32>
      %jit3A_77 = arith.constant 1073741824 : i32
      %broadcast_in_dim3A_78 = vector.broadcast %jit3A_77 : i32 to vector<8x1280xi32>
      %select_n3A_79 = arith.select %eq3A_76, %add3A, %broadcast_in_dim3A_78 : vector<8x1280xi1>, vector<8x1280xi32>
      %reduce_min3A = vector.shape_cast %select_n3A_79 : vector<8x1280xi32> to vector<1x8x1280xi32>
      %reduce_min3A_80 = arith.constant dense<2147483647> : vector<1xi32>
      %reduce_min3A_81 = vector.multi_reduction <minsi>, %reduce_min3A, %reduce_min3A_80 [1, 2] : vector<1x8x1280xi32> to vector<1xi32>
      %reduce_min3A_82 = vector.shape_cast %reduce_min3A_81 : vector<1xi32> to vector<1x1x1xi32>
      %reduce_min3A_83 = vector.extract %reduce_min3A_82[0, 0, 0] : i32 from vector<1x1x1xi32>
      %eq3A_84 = vector.broadcast %scan3A_68 : i32 to vector<8x640xi32>
      %eq3A_85 = arith.cmpi eq, %add3A_58, %eq3A_84 : vector<8x640xi32>
      %broadcast_in_dim3A_86 = vector.broadcast %reduce_min3A_83 : i32 to vector<8x640xi32>
      %select_n3A_87 = arith.select %eq3A_85, %broadcast_in_dim3A_86, %scan3A_70 : vector<8x640xi1>, vector<8x640xi32>
      %eq3A_88 = vector.broadcast %reduce_min3A_83 : i32 to vector<8x1280xi32>
      %eq3A_89 = arith.cmpi eq, %add3A, %eq3A_88 : vector<8x1280xi32>
      %jit3A_90 = arith.constant 0.000000e+00 : f32
      %broadcast_in_dim3A_91 = vector.broadcast %jit3A_90 : f32 to vector<8x1280xf32>
      %select_n3A_92 = arith.select %eq3A_89, %get3A_1, %broadcast_in_dim3A_91 : vector<8x1280xi1>, vector<8x1280xf32>
      %reduce_sum3A_93 = vector.shape_cast %select_n3A_92 : vector<8x1280xf32> to vector<1x8x1280xf32>
      %reduce_sum3A_94 = arith.constant dense<0.000000e+00> : vector<1xf32>
      %reduce_sum3A_95 = vector.multi_reduction <add>, %reduce_sum3A_93, %reduce_sum3A_94 [1, 2] : vector<1x8x1280xf32> to vector<1xf32>
      %reduce_sum3A_96 = vector.shape_cast %reduce_sum3A_95 : vector<1xf32> to vector<1x1x1xf32>
      %reduce_sum3A_97 = vector.extract %reduce_sum3A_96[0, 0, 0] : f32 from vector<1x1x1xf32>
      %eq3A_98 = vector.broadcast %reduce_min3A_83 : i32 to vector<8x1280xi32>
      %eq3A_99 = arith.cmpi eq, %add3A, %eq3A_98 : vector<8x1280xi32>
      %jit3A_100 = arith.constant 0.000000e+00 : f32
      %broadcast_in_dim3A_101 = vector.broadcast %jit3A_100 : f32 to vector<8x1280xf32>
      %select_n3A_102 = arith.select %eq3A_99, %get3A_4, %broadcast_in_dim3A_101 : vector<8x1280xi1>, vector<8x1280xf32>
      %reduce_sum3A_103 = vector.shape_cast %select_n3A_102 : vector<8x1280xf32> to vector<1x8x1280xf32>
      %reduce_sum3A_104 = arith.constant dense<0.000000e+00> : vector<1xf32>
      %reduce_sum3A_105 = vector.multi_reduction <add>, %reduce_sum3A_103, %reduce_sum3A_104 [1, 2] : vector<1x8x1280xf32> to vector<1xf32>
      %reduce_sum3A_106 = vector.shape_cast %reduce_sum3A_105 : vector<1xf32> to vector<1x1x1xf32>
      %reduce_sum3A_107 = vector.extract %reduce_sum3A_106[0, 0, 0] : f32 from vector<1x1x1xf32>
      %eq3A_108 = vector.broadcast %reduce_min3A_83 : i32 to vector<8x1280xi32>
      %eq3A_109 = arith.cmpi eq, %add3A, %eq3A_108 : vector<8x1280xi32>
      %jit3A_110 = arith.constant 0.000000e+00 : f32
      %broadcast_in_dim3A_111 = vector.broadcast %jit3A_110 : f32 to vector<8x1280xf32>
      %select_n3A_112 = arith.select %eq3A_109, %get3A_7, %broadcast_in_dim3A_111 : vector<8x1280xi1>, vector<8x1280xf32>
      %reduce_sum3A_113 = vector.shape_cast %select_n3A_112 : vector<8x1280xf32> to vector<1x8x1280xf32>
      %reduce_sum3A_114 = arith.constant dense<0.000000e+00> : vector<1xf32>
      %reduce_sum3A_115 = vector.multi_reduction <add>, %reduce_sum3A_113, %reduce_sum3A_114 [1, 2] : vector<1x8x1280xf32> to vector<1xf32>
      %reduce_sum3A_116 = vector.shape_cast %reduce_sum3A_115 : vector<1xf32> to vector<1x1x1xf32>
      %reduce_sum3A_117 = vector.extract %reduce_sum3A_116[0, 0, 0] : f32 from vector<1x1x1xf32>
      %sub3A_118 = vector.broadcast %reduce_sum3A_97 : f32 to vector<8x1280xf32>
      %sub3A_119 = arith.subf %get3A_1, %sub3A_118 : vector<8x1280xf32>
      %integer_pow3A_120 = arith.mulf %sub3A_119, %sub3A_119 : vector<8x1280xf32>
      %sub3A_121 = vector.broadcast %reduce_sum3A_107 : f32 to vector<8x1280xf32>
      %sub3A_122 = arith.subf %get3A_4, %sub3A_121 : vector<8x1280xf32>
      %integer_pow3A_123 = arith.mulf %sub3A_122, %sub3A_122 : vector<8x1280xf32>
      %add3A_124 = arith.addf %integer_pow3A_120, %integer_pow3A_123 : vector<8x1280xf32>
      %sub3A_125 = vector.broadcast %reduce_sum3A_117 : f32 to vector<8x1280xf32>
      %sub3A_126 = arith.subf %get3A_7, %sub3A_125 : vector<8x1280xf32>
      %integer_pow3A_127 = arith.mulf %sub3A_126, %sub3A_126 : vector<8x1280xf32>
      %add3A_128 = arith.addf %add3A_124, %integer_pow3A_127 : vector<8x1280xf32>
      %min3A = arith.minimumf %scan3A_69, %add3A_128 : vector<8x1280xf32>
      scf.yield %min3A, %select_n3A_87 : vector<8x1280xf32>, vector<8x640xi32>
    }
    %scan3A_65 = arith.constant 4999 : i32
    %swap3A = arith.constant 0 : index
    %swap3A_66 = arith.constant 0 : index
    %swap3A_67 = vector.load %arg3[%swap3A, %swap3A_66] : memref<8x640xi32, #tpu.memory_space<vmem>>, vector<8x640xi32>
    tpu.vector_store %arg3[%swap3A, %swap3A_66], %scan3A_64#1 {strides = array<i32>} : memref<8x640xi32, #tpu.memory_space<vmem>>, vector<8x640xi32>,
    return
  }
}

module attributes {stable_mosaic.version = 14 : i64} {
  func.func @_c1_stats_body(%arg0: i32, %arg1: memref<8192x128xf32, #tpu.memory_space<vmem>>, %arg2: memref<512x3xf32, #tpu.memory_space<vmem>>, %arg3: memref<3x64xf32, #tpu.memory_space<vmem>>, %arg4: memref<3x64xf32, #tpu.memory_space<vmem>>, %arg5: memref<1x64xf32, #tpu.memory_space<vmem>>, %arg6: memref<1x64xf32, #tpu.memory_space<vmem>>, %arg7: memref<1x64xf32, #tpu.memory_space<vmem>>) attributes {dimension_semantics = [#tpu.dimension_semantics<arbitrary>], iteration_bounds = array<i64: 20>, scalar_prefetch = 0 : i64, scratch_operands = 0 : i64, tpu.core_type = #tpu.core_type<tc>, window_params = [{transform_indices = @transform_0, window_bounds = array<i64: 8192, 128>}, {transform_indices = @transform_1, window_bounds = array<i64: 512, 3>}, {pipeline_mode = #tpu.pipeline_mode<synchronous>, transform_indices = @transform_2, window_bounds = array<i64: 3, 64>}, {pipeline_mode = #tpu.pipeline_mode<synchronous>, transform_indices = @transform_3, window_bounds = array<i64: 3, 64>}, {pipeline_mode = #tpu.pipeline_mode<synchronous>, transform_indices = @transform_4, window_bounds = array<i64: 1, 64>}, {pipeline_mode = #tpu.pipeline_mode<synchronous>, transform_indices = @transform_5, window_bounds = array<i64: 1, 64>}, {pipeline_mode = #tpu.pipeline_mode<synchronous>, transform_indices = @transform_6, window_bounds = array<i64: 1, 64>}]} {
    %get3A = arith.constant 0 : index
    %get3A_0 = arith.constant 0 : index
    %get3A_1 = vector.load %arg1[%get3A, %get3A_0] : memref<8192x128xf32, #tpu.memory_space<vmem>>, vector<8192x128xf32>
    %slice3A = vector.extract_strided_slice %get3A_1 {offsets = [0, 0], sizes = [8192, 3], strides = [1, 1]} : vector<8192x128xf32> to vector<8192x3xf32>
    %get3A_2 = arith.constant 0 : index
    %get3A_3 = arith.constant 0 : index
    %get3A_4 = vector.load %arg2[%get3A_2, %get3A_3] : memref<512x3xf32, #tpu.memory_space<vmem>>, vector<512x3xf32>
    %broadcast_in_dim3A = vector.shape_cast %get3A_4 : vector<512x3xf32> to vector<512x1x3xf32>
    %broadcast_in_dim3A_5 = vector.shape_cast %broadcast_in_dim3A : vector<512x1x3xf32> to vector<512x1x3xf32>
    %broadcast_in_dim3A_6 = vector.broadcast %broadcast_in_dim3A_5 : vector<512x1x3xf32> to vector<512x16x3xf32>
    %reshape3A = vector.shape_cast %broadcast_in_dim3A_6 : vector<512x16x3xf32> to vector<8192x3xf32>
    %sub3A = arith.subf %slice3A, %reshape3A : vector<8192x3xf32>
    %get3A_7 = arith.constant 0 : index
    %get3A_8 = arith.constant 0 : index
    %get3A_9 = vector.load %arg3[%get3A_7, %get3A_8] : memref<3x64xf32, #tpu.memory_space<vmem>>, vector<3x64xf32>
    %dot_general3A = arith.constant dense<0.000000e+00> : vector<8192x64xf32>
    %dot_general3A_10 = tpu.matmul %slice3A, %get3A_9, %dot_general3A {dimension_numbers = #tpu.dot_dimension_numbers<[1], [0], [0], [1], [0, 0, 1, 1], [], []>, transpose_lhs_hint = false} : vector<8192x3xf32>, vector<3x64xf32>, vector<8192x64xf32> -> vector<8192x64xf32>
    %get3A_11 = arith.constant 0 : index
    %get3A_12 = arith.constant 0 : index
    %get3A_13 = vector.load %arg4[%get3A_11, %get3A_12] : memref<3x64xf32, #tpu.memory_space<vmem>>, vector<3x64xf32>
    %dot_general3A_14 = arith.constant dense<0.000000e+00> : vector<8192x64xf32>
    %dot_general3A_15 = tpu.matmul %sub3A, %get3A_13, %dot_general3A_14 {dimension_numbers = #tpu.dot_dimension_numbers<[1], [0], [0], [1], [0, 0, 1, 1], [], []>, transpose_lhs_hint = false} : vector<8192x3xf32>, vector<3x64xf32>, vector<8192x64xf32> -> vector<8192x64xf32>
    %add3A = arith.addf %dot_general3A_10, %dot_general3A_15 : vector<8192x64xf32>
    %get3A_16 = arith.constant 0 : index
    %get3A_17 = arith.constant 0 : index
    %get3A_18 = vector.load %arg5[%get3A_16, %get3A_17] : memref<1x64xf32, #tpu.memory_space<vmem>>, vector<1x64xf32>
    %add3A_19 = vector.broadcast %get3A_18 : vector<1x64xf32> to vector<8192x64xf32>
    %add3A_20 = arith.addf %add3A, %add3A_19 : vector<8192x64xf32>
    %mul3A = arith.constant 512 : i32
    %mul3A_21 = arith.muli %arg0, %mul3A : i32
    %iota3A = tpu.iota {dimensions = array<i32: 0>} : vector<8192x1xi32>
    %jit3A = arith.constant 16 : i32
    %div3A = vector.broadcast %jit3A : i32 to vector<8192x1xi32>
    %div3A_22 = arith.divsi %iota3A, %div3A : vector<8192x1xi32>
    %sign3A = arith.constant 0 : i32
    %sign3A_23 = vector.broadcast %sign3A : i32 to vector<8192x1xi32>
    %sign3A_24 = arith.cmpi sgt, %iota3A, %sign3A_23 : vector<8192x1xi32>
    %sign3A_25 = arith.extui %sign3A_24 : vector<8192x1xi1> to vector<8192x1xi32>
    %sign3A_26 = arith.constant 0 : i32
    %sign3A_27 = vector.broadcast %sign3A_26 : i32 to vector<8192x1xi32>
    %sign3A_28 = arith.cmpi slt, %iota3A, %sign3A_27 : vector<8192x1xi32>
    %sign3A_29 = arith.extui %sign3A_28 : vector<8192x1xi1> to vector<8192x1xi32>
    %sign3A_30 = arith.subi %sign3A_25, %sign3A_29 : vector<8192x1xi32>
    %sign3A_31 = arith.constant 0 : i32
    %sign3A_32 = arith.cmpi sgt, %jit3A, %sign3A_31 : i32
    %sign3A_33 = arith.extui %sign3A_32 : i1 to i32
    %sign3A_34 = arith.constant 0 : i32
    %sign3A_35 = arith.cmpi slt, %jit3A, %sign3A_34 : i32
    %sign3A_36 = arith.extui %sign3A_35 : i1 to i32
    %sign3A_37 = arith.subi %sign3A_33, %sign3A_36 : i32
    %ne3A = vector.broadcast %sign3A_37 : i32 to vector<8192x1xi32>
    %ne3A_38 = arith.cmpi ne, %sign3A_30, %ne3A : vector<8192x1xi32>
    %rem3A = vector.broadcast %jit3A : i32 to vector<8192x1xi32>
    %rem3A_39 = arith.remsi %iota3A, %rem3A : vector<8192x1xi32>
    %ne3A_40 = arith.constant 0 : i32
    %ne3A_41 = vector.broadcast %ne3A_40 : i32 to vector<8192x1xi32>
    %ne3A_42 = arith.cmpi ne, %rem3A_39, %ne3A_41 : vector<8192x1xi32>
    %and3A = arith.andi %ne3A_38, %ne3A_42 : vector<8192x1xi1>
    %sub3A_43 = arith.constant 1 : i32
    %sub3A_44 = vector.broadcast %sub3A_43 : i32 to vector<8192x1xi32>
    %sub3A_45 = arith.subi %div3A_22, %sub3A_44 : vector<8192x1xi32>
    %select_n3A = arith.select %and3A, %sub3A_45, %div3A_22 : vector<8192x1xi1>, vector<8192x1xi32>
    %add3A_46 = vector.broadcast %mul3A_21 : i32 to vector<8192x1xi32>
    %add3A_47 = arith.addi %add3A_46, %select_n3A : vector<8192x1xi32>
    %lt3A = arith.constant 10000 : i32
    %lt3A_48 = vector.broadcast %lt3A : i32 to vector<8192x1xi32>
    %lt3A_49 = arith.cmpi slt, %add3A_47, %lt3A_48 : vector<8192x1xi32>
    %jit3A_50 = arith.constant 0.000000e+00 : f32
    %broadcast_in_dim3A_51 = vector.shape_cast %lt3A_49 : vector<8192x1xi1> to vector<8192x1xi1>
    %broadcast_in_dim3A_52 = vector.broadcast %broadcast_in_dim3A_51 : vector<8192x1xi1> to vector<8192x64xi1>
    %broadcast_in_dim3A_53 = vector.broadcast %jit3A_50 : f32 to vector<8192x64xf32>
    %select_n3A_54 = arith.select %broadcast_in_dim3A_52, %add3A_20, %broadcast_in_dim3A_53 : vector<8192x64xi1>, vector<8192x64xf32>
    %eq3A = arith.constant 0 : i32
    %eq3A_55 = arith.cmpi eq, %arg0, %eq3A : i32
    %convert_element_type3A = arith.extui %eq3A_55 : i1 to i32
    %cond3A = arith.constant 0 : i32
    %cond3A_56 = arith.cmpi ne, %convert_element_type3A, %cond3A : i32
    scf.if %cond3A_56 {
      %broadcast_in_dim3A_76 = arith.constant 0.000000e+00 : f32
      %broadcast_in_dim3A_77 = vector.broadcast %broadcast_in_dim3A_76 : f32 to vector<1x64xf32>
      %swap3A_78 = arith.constant 0 : index
      %swap3A_79 = arith.constant 0 : index
      %swap3A_80 = vector.load %arg6[%swap3A_78, %swap3A_79] : memref<1x64xf32, #tpu.memory_space<vmem>>, vector<1x64xf32>
      tpu.vector_store %arg6[%swap3A_78, %swap3A_79], %broadcast_in_dim3A_77 {strides = array<i32>} : memref<1x64xf32, #tpu.memory_space<vmem>>, vector<1x64xf32>,
      %broadcast_in_dim3A_81 = arith.constant 0.000000e+00 : f32
      %broadcast_in_dim3A_82 = vector.broadcast %broadcast_in_dim3A_81 : f32 to vector<1x64xf32>
      %swap3A_83 = arith.constant 0 : index
      %swap3A_84 = arith.constant 0 : index
      %swap3A_85 = vector.load %arg7[%swap3A_83, %swap3A_84] : memref<1x64xf32, #tpu.memory_space<vmem>>, vector<1x64xf32>
      tpu.vector_store %arg7[%swap3A_83, %swap3A_84], %broadcast_in_dim3A_82 {strides = array<i32>} : memref<1x64xf32, #tpu.memory_space<vmem>>, vector<1x64xf32>,
    } else {
    }
    %get3A_57 = arith.constant 0 : index
    %get3A_58 = arith.constant 0 : index
    %get3A_59 = vector.load %arg6[%get3A_57, %get3A_58] : memref<1x64xf32, #tpu.memory_space<vmem>>, vector<1x64xf32>
    %reduce_sum3A = arith.constant dense<0.000000e+00> : vector<64xf32>
    %reduce_sum3A_60 = vector.multi_reduction <add>, %select_n3A_54, %reduce_sum3A [0] : vector<8192x64xf32> to vector<64xf32>
    %broadcast_in_dim3A_61 = vector.shape_cast %reduce_sum3A_60 : vector<64xf32> to vector<1x64xf32>
    %add3A_62 = arith.addf %get3A_59, %broadcast_in_dim3A_61 : vector<1x64xf32>
    %swap3A = arith.constant 0 : index
    %swap3A_63 = arith.constant 0 : index
    %swap3A_64 = vector.load %arg6[%swap3A, %swap3A_63] : memref<1x64xf32, #tpu.memory_space<vmem>>, vector<1x64xf32>
    tpu.vector_store %arg6[%swap3A, %swap3A_63], %add3A_62 {strides = array<i32>} : memref<1x64xf32, #tpu.memory_space<vmem>>, vector<1x64xf32>,
    %get3A_65 = arith.constant 0 : index
    %get3A_66 = arith.constant 0 : index
    %get3A_67 = vector.load %arg7[%get3A_65, %get3A_66] : memref<1x64xf32, #tpu.memory_space<vmem>>, vector<1x64xf32>
    %mul3A_68 = arith.mulf %select_n3A_54, %select_n3A_54 : vector<8192x64xf32>
    %reduce_sum3A_69 = arith.constant dense<0.000000e+00> : vector<64xf32>
    %reduce_sum3A_70 = vector.multi_reduction <add>, %mul3A_68, %reduce_sum3A_69 [0] : vector<8192x64xf32> to vector<64xf32>
    %broadcast_in_dim3A_71 = vector.shape_cast %reduce_sum3A_70 : vector<64xf32> to vector<1x64xf32>
    %add3A_72 = arith.addf %get3A_67, %broadcast_in_dim3A_71 : vector<1x64xf32>
    %swap3A_73 = arith.constant 0 : index
    %swap3A_74 = arith.constant 0 : index
    %swap3A_75 = vector.load %arg7[%swap3A_73, %swap3A_74] : memref<1x64xf32, #tpu.memory_space<vmem>>, vector<1x64xf32>
    tpu.vector_store %arg7[%swap3A_73, %swap3A_74], %add3A_72 {strides = array<i32>} : memref<1x64xf32, #tpu.memory_space<vmem>>, vector<1x64xf32>,
    return
  }
  func.func @transform_0(%arg0: i32) -> (i32, i32) {
    %c0_i32 = arith.constant 0 : i32
    %c0_i32_0 = arith.constant 0 : i32
    return %arg0, %c0_i32 : i32, i32
  }
  func.func @transform_1(%arg0: i32) -> (i32, i32) {
    %c0_i32 = arith.constant 0 : i32
    %c0_i32_0 = arith.constant 0 : i32
    return %arg0, %c0_i32 : i32, i32
  }
  func.func @transform_2(%arg0: i32) -> (i32, i32) {
    %c0_i32 = arith.constant 0 : i32
    %c0_i32_0 = arith.constant 0 : i32
    %c0_i32_1 = arith.constant 0 : i32
    return %c0_i32, %c0_i32_0 : i32, i32
  }
  func.func @transform_3(%arg0: i32) -> (i32, i32) {
    %c0_i32 = arith.constant 0 : i32
    %c0_i32_0 = arith.constant 0 : i32
    %c0_i32_1 = arith.constant 0 : i32
    return %c0_i32, %c0_i32_0 : i32, i32
  }
  func.func @transform_4(%arg0: i32) -> (i32, i32) {
    %c0_i32 = arith.constant 0 : i32
    %c0_i32_0 = arith.constant 0 : i32
    %c0_i32_1 = arith.constant 0 : i32
    return %c0_i32, %c0_i32_0 : i32, i32
  }
  func.func @transform_5(%arg0: i32) -> (i32, i32) {
    %c0_i32 = arith.constant 0 : i32
    %c0_i32_0 = arith.constant 0 : i32
    %c0_i32_1 = arith.constant 0 : i32
    return %c0_i32, %c0_i32_0 : i32, i32
  }
  func.func @transform_6(%arg0: i32) -> (i32, i32) {
    %c0_i32 = arith.constant 0 : i32
    %c0_i32_0 = arith.constant 0 : i32
    %c0_i32_1 = arith.constant 0 : i32
    return %c0_i32, %c0_i32_0 : i32, i32
  }
}

module attributes {stable_mosaic.version = 14 : i64} {
  func.func @_c1_apply_body(%arg0: i32, %arg1: memref<8192x128xf32, #tpu.memory_space<vmem>>, %arg2: memref<512x3xf32, #tpu.memory_space<vmem>>, %arg3: memref<3x64xf32, #tpu.memory_space<vmem>>, %arg4: memref<3x64xf32, #tpu.memory_space<vmem>>, %arg5: memref<1x64xf32, #tpu.memory_space<vmem>>, %arg6: memref<1x64xf32, #tpu.memory_space<vmem>>, %arg7: memref<1x64xf32, #tpu.memory_space<vmem>>, %arg8: memref<512x64xf32, #tpu.memory_space<vmem>>) attributes {dimension_semantics = [#tpu.dimension_semantics<arbitrary>], iteration_bounds = array<i64: 20>, scalar_prefetch = 0 : i64, scratch_operands = 0 : i64, tpu.core_type = #tpu.core_type<tc>, window_params = [{transform_indices = @transform_0, window_bounds = array<i64: 8192, 128>}, {transform_indices = @transform_1, window_bounds = array<i64: 512, 3>}, {pipeline_mode = #tpu.pipeline_mode<synchronous>, transform_indices = @transform_2, window_bounds = array<i64: 3, 64>}, {pipeline_mode = #tpu.pipeline_mode<synchronous>, transform_indices = @transform_3, window_bounds = array<i64: 3, 64>}, {pipeline_mode = #tpu.pipeline_mode<synchronous>, transform_indices = @transform_4, window_bounds = array<i64: 1, 64>}, {pipeline_mode = #tpu.pipeline_mode<synchronous>, transform_indices = @transform_5, window_bounds = array<i64: 1, 64>}, {pipeline_mode = #tpu.pipeline_mode<synchronous>, transform_indices = @transform_6, window_bounds = array<i64: 1, 64>}, {transform_indices = @transform_7, window_bounds = array<i64: 512, 64>}]} {
    %get3A = arith.constant 0 : index
    %get3A_0 = arith.constant 0 : index
    %get3A_1 = vector.load %arg1[%get3A, %get3A_0] : memref<8192x128xf32, #tpu.memory_space<vmem>>, vector<8192x128xf32>
    %slice3A = vector.extract_strided_slice %get3A_1 {offsets = [0, 0], sizes = [8192, 3], strides = [1, 1]} : vector<8192x128xf32> to vector<8192x3xf32>
    %get3A_2 = arith.constant 0 : index
    %get3A_3 = arith.constant 0 : index
    %get3A_4 = vector.load %arg2[%get3A_2, %get3A_3] : memref<512x3xf32, #tpu.memory_space<vmem>>, vector<512x3xf32>
    %broadcast_in_dim3A = vector.shape_cast %get3A_4 : vector<512x3xf32> to vector<512x1x3xf32>
    %broadcast_in_dim3A_5 = vector.shape_cast %broadcast_in_dim3A : vector<512x1x3xf32> to vector<512x1x3xf32>
    %broadcast_in_dim3A_6 = vector.broadcast %broadcast_in_dim3A_5 : vector<512x1x3xf32> to vector<512x16x3xf32>
    %reshape3A = vector.shape_cast %broadcast_in_dim3A_6 : vector<512x16x3xf32> to vector<8192x3xf32>
    %sub3A = arith.subf %slice3A, %reshape3A : vector<8192x3xf32>
    %get3A_7 = arith.constant 0 : index
    %get3A_8 = arith.constant 0 : index
    %get3A_9 = vector.load %arg3[%get3A_7, %get3A_8] : memref<3x64xf32, #tpu.memory_space<vmem>>, vector<3x64xf32>
    %dot_general3A = arith.constant dense<0.000000e+00> : vector<8192x64xf32>
    %dot_general3A_10 = tpu.matmul %slice3A, %get3A_9, %dot_general3A {dimension_numbers = #tpu.dot_dimension_numbers<[1], [0], [0], [1], [0, 0, 1, 1], [], []>, transpose_lhs_hint = false} : vector<8192x3xf32>, vector<3x64xf32>, vector<8192x64xf32> -> vector<8192x64xf32>
    %get3A_11 = arith.constant 0 : index
    %get3A_12 = arith.constant 0 : index
    %get3A_13 = vector.load %arg4[%get3A_11, %get3A_12] : memref<3x64xf32, #tpu.memory_space<vmem>>, vector<3x64xf32>
    %dot_general3A_14 = arith.constant dense<0.000000e+00> : vector<8192x64xf32>
    %dot_general3A_15 = tpu.matmul %sub3A, %get3A_13, %dot_general3A_14 {dimension_numbers = #tpu.dot_dimension_numbers<[1], [0], [0], [1], [0, 0, 1, 1], [], []>, transpose_lhs_hint = false} : vector<8192x3xf32>, vector<3x64xf32>, vector<8192x64xf32> -> vector<8192x64xf32>
    %add3A = arith.addf %dot_general3A_10, %dot_general3A_15 : vector<8192x64xf32>
    %get3A_16 = arith.constant 0 : index
    %get3A_17 = arith.constant 0 : index
    %get3A_18 = vector.load %arg5[%get3A_16, %get3A_17] : memref<1x64xf32, #tpu.memory_space<vmem>>, vector<1x64xf32>
    %add3A_19 = vector.broadcast %get3A_18 : vector<1x64xf32> to vector<8192x64xf32>
    %add3A_20 = arith.addf %add3A, %add3A_19 : vector<8192x64xf32>
    %get3A_21 = arith.constant 0 : index
    %get3A_22 = arith.constant 0 : index
    %get3A_23 = vector.load %arg6[%get3A_21, %get3A_22] : memref<1x64xf32, #tpu.memory_space<vmem>>, vector<1x64xf32>
    %mul3A = vector.broadcast %get3A_23 : vector<1x64xf32> to vector<8192x64xf32>
    %mul3A_24 = arith.mulf %add3A_20, %mul3A : vector<8192x64xf32>
    %get3A_25 = arith.constant 0 : index
    %get3A_26 = arith.constant 0 : index
    %get3A_27 = vector.load %arg7[%get3A_25, %get3A_26] : memref<1x64xf32, #tpu.memory_space<vmem>>, vector<1x64xf32>
    %add3A_28 = vector.broadcast %get3A_27 : vector<1x64xf32> to vector<8192x64xf32>
    %add3A_29 = arith.addf %mul3A_24, %add3A_28 : vector<8192x64xf32>
    %logistic3A = arith.negf %add3A_29 : vector<8192x64xf32>
    %logistic3A_30 = math.exp %logistic3A : vector<8192x64xf32>
    %logistic3A_31 = arith.constant 1.000000e+00 : f32
    %logistic3A_32 = vector.broadcast %logistic3A_31 : f32 to vector<8192x64xf32>
    %logistic3A_33 = arith.addf %logistic3A_32, %logistic3A_30 : vector<8192x64xf32>
    %logistic3A_34 = arith.divf %logistic3A_32, %logistic3A_33 : vector<8192x64xf32>
    %mul3A_35 = arith.mulf %add3A_29, %logistic3A_34 : vector<8192x64xf32>
    %reshape3A_36 = vector.shape_cast %mul3A_35 : vector<8192x64xf32> to vector<512x16x64xf32>
    %reduce_max3A = arith.constant dense<0xFF800000> : vector<512x64xf32>
    %reduce_max3A_37 = vector.multi_reduction <maximumf>, %reshape3A_36, %reduce_max3A [1] : vector<512x16x64xf32> to vector<512x64xf32>
    %swap3A = arith.constant 0 : index
    %swap3A_38 = arith.constant 0 : index
    %swap3A_39 = vector.load %arg8[%swap3A, %swap3A_38] : memref<512x64xf32, #tpu.memory_space<vmem>>, vector<512x64xf32>
    tpu.vector_store %arg8[%swap3A, %swap3A_38], %reduce_max3A_37 {strides = array<i32>} : memref<512x64xf32, #tpu.memory_space<vmem>>, vector<512x64xf32>,
    return
  }
  func.func @transform_0(%arg0: i32) -> (i32, i32) {
    %c0_i32 = arith.constant 0 : i32
    %c0_i32_0 = arith.constant 0 : i32
    return %arg0, %c0_i32 : i32, i32
  }
  func.func @transform_1(%arg0: i32) -> (i32, i32) {
    %c0_i32 = arith.constant 0 : i32
    %c0_i32_0 = arith.constant 0 : i32
    return %arg0, %c0_i32 : i32, i32
  }
  func.func @transform_2(%arg0: i32) -> (i32, i32) {
    %c0_i32 = arith.constant 0 : i32
    %c0_i32_0 = arith.constant 0 : i32
    %c0_i32_1 = arith.constant 0 : i32
    return %c0_i32, %c0_i32_0 : i32, i32
  }
  func.func @transform_3(%arg0: i32) -> (i32, i32) {
    %c0_i32 = arith.constant 0 : i32
    %c0_i32_0 = arith.constant 0 : i32
    %c0_i32_1 = arith.constant 0 : i32
    return %c0_i32, %c0_i32_0 : i32, i32
  }
  func.func @transform_4(%arg0: i32) -> (i32, i32) {
    %c0_i32 = arith.constant 0 : i32
    %c0_i32_0 = arith.constant 0 : i32
    %c0_i32_1 = arith.constant 0 : i32
    return %c0_i32, %c0_i32_0 : i32, i32
  }
  func.func @transform_5(%arg0: i32) -> (i32, i32) {
    %c0_i32 = arith.constant 0 : i32
    %c0_i32_0 = arith.constant 0 : i32
    %c0_i32_1 = arith.constant 0 : i32
    return %c0_i32, %c0_i32_0 : i32, i32
  }
  func.func @transform_6(%arg0: i32) -> (i32, i32) {
    %c0_i32 = arith.constant 0 : i32
    %c0_i32_0 = arith.constant 0 : i32
    %c0_i32_1 = arith.constant 0 : i32
    return %c0_i32, %c0_i32_0 : i32, i32
  }
  func.func @transform_7(%arg0: i32) -> (i32, i32) {
    %c0_i32 = arith.constant 0 : i32
    %c0_i32_0 = arith.constant 0 : i32
    return %arg0, %c0_i32 : i32, i32
  }
}

module attributes {stable_mosaic.version = 14 : i64} {
  func.func @_knn_body(%arg0: i32, %arg1: memref<3x5120xf32, #tpu.memory_space<vmem>>, %arg2: memref<128x3xf32, #tpu.memory_space<vmem>>, %arg3: memref<16x128xi32, #tpu.memory_space<vmem>>) attributes {dimension_semantics = [#tpu.dimension_semantics<arbitrary>], iteration_bounds = array<i64: 40>, scalar_prefetch = 0 : i64, scratch_operands = 0 : i64, tpu.core_type = #tpu.core_type<tc>, window_params = [{pipeline_mode = #tpu.pipeline_mode<synchronous>, transform_indices = @transform_0, window_bounds = array<i64: 3, 5120>}, {transform_indices = @transform_1, window_bounds = array<i64: 128, 3>}, {transform_indices = @transform_2, window_bounds = array<i64: 16, 128>}]} {
    %get3A = arith.constant 0 : index
    %get3A_0 = arith.constant 0 : index
    %get3A_1 = vector.load %arg2[%get3A, %get3A_0] : memref<128x3xf32, #tpu.memory_space<vmem>>, vector<128x3xf32>
    %get3A_2 = arith.constant 0 : index
    %get3A_3 = arith.constant 0 : index
    %get3A_4 = vector.load %arg1[%get3A_2, %get3A_3] : memref<3x5120xf32, #tpu.memory_space<vmem>>, vector<3x5120xf32>
    %mul3A = arith.mulf %get3A_1, %get3A_1 : vector<128x3xf32>
    %reduce_sum3A = arith.constant dense<0.000000e+00> : vector<128xf32>
    %reduce_sum3A_5 = vector.multi_reduction <add>, %mul3A, %reduce_sum3A [1] : vector<128x3xf32> to vector<128xf32>
    %broadcast_in_dim3A = vector.shape_cast %reduce_sum3A_5 : vector<128xf32> to vector<128x1xf32>
    %mul3A_6 = arith.mulf %get3A_4, %get3A_4 : vector<3x5120xf32>
    %reduce_sum3A_7 = arith.constant dense<0.000000e+00> : vector<5120xf32>
    %reduce_sum3A_8 = vector.multi_reduction <add>, %mul3A_6, %reduce_sum3A_7 [0] : vector<3x5120xf32> to vector<5120xf32>
    %broadcast_in_dim3A_9 = vector.shape_cast %reduce_sum3A_8 : vector<5120xf32> to vector<1x5120xf32>
    %dot_general3A = arith.constant dense<0.000000e+00> : vector<128x5120xf32>
    %dot_general3A_10 = tpu.matmul %get3A_1, %get3A_4, %dot_general3A {dimension_numbers = #tpu.dot_dimension_numbers<[1], [0], [0], [1], [0, 0, 1, 1], [], []>, transpose_lhs_hint = false} : vector<128x3xf32>, vector<3x5120xf32>, vector<128x5120xf32> -> vector<128x5120xf32>
    %add3A = vector.broadcast %broadcast_in_dim3A : vector<128x1xf32> to vector<128x5120xf32>
    %add3A_11 = vector.broadcast %broadcast_in_dim3A_9 : vector<1x5120xf32> to vector<128x5120xf32>
    %add3A_12 = arith.addf %add3A, %add3A_11 : vector<128x5120xf32>
    %mul3A_13 = arith.constant 2.000000e+00 : f32
    %mul3A_14 = vector.broadcast %mul3A_13 : f32 to vector<128x5120xf32>
    %mul3A_15 = arith.mulf %mul3A_14, %dot_general3A_10 : vector<128x5120xf32>
    %sub3A = arith.subf %add3A_12, %mul3A_15 : vector<128x5120xf32>
    %max3A = arith.constant 0.000000e+00 : f32
    %max3A_16 = vector.broadcast %max3A : f32 to vector<128x5120xf32>
    %max3A_17 = arith.maximumf %sub3A, %max3A_16 : vector<128x5120xf32>
    %iota3A = tpu.iota {dimensions = array<i32: 1>} : vector<128x5120xi32>
    %lt3A = arith.constant 5000 : i32
    %lt3A_18 = vector.broadcast %lt3A : i32 to vector<128x5120xi32>
    %lt3A_19 = arith.cmpi slt, %iota3A, %lt3A_18 : vector<128x5120xi32>
    %jit3A = arith.constant 0x7F800000 : f32
    %broadcast_in_dim3A_20 = vector.broadcast %jit3A : f32 to vector<128x5120xf32>
    %select_n3A = arith.select %lt3A_19, %max3A_17, %broadcast_in_dim3A_20 : vector<128x5120xi1>, vector<128x5120xf32>
    %scan3A = arith.constant 0 : i32
    %scan3A_21 = arith.constant 16 : i32
    %scan3A_22 = arith.addi %scan3A, %scan3A_21 : i32
    %scan3A_23 = arith.constant 1 : i32
    %scan3A_24 = scf.for %scan3A_26 = %scan3A to %scan3A_22 step %scan3A_23 iter_args(%scan3A_27 = %select_n3A) -> (vector<128x5120xf32>)  : i32 {
      %reduce_min3A = arith.constant dense<0x7F800000> : vector<128xf32>
      %reduce_min3A_28 = vector.multi_reduction <minimumf>, %scan3A_27, %reduce_min3A [1] : vector<128x5120xf32> to vector<128xf32>
      %broadcast_in_dim3A_29 = vector.shape_cast %reduce_min3A_28 : vector<128xf32> to vector<128x1xf32>
      %eq3A = vector.broadcast %broadcast_in_dim3A_29 : vector<128x1xf32> to vector<128x5120xf32>
      %eq3A_30 = arith.cmpf oeq, %scan3A_27, %eq3A : vector<128x5120xf32>
      %jit3A_31 = arith.constant 1073741824 : i32
      %broadcast_in_dim3A_32 = vector.broadcast %jit3A_31 : i32 to vector<128x5120xi32>
      %select_n3A_33 = arith.select %eq3A_30, %iota3A, %broadcast_in_dim3A_32 : vector<128x5120xi1>, vector<128x5120xi32>
      %reduce_min3A_34 = arith.constant dense<2147483647> : vector<128xi32>
      %reduce_min3A_35 = vector.multi_reduction <minsi>, %select_n3A_33, %reduce_min3A_34 [1] : vector<128x5120xi32> to vector<128xi32>
      %broadcast_in_dim3A_36 = vector.shape_cast %reduce_min3A_35 : vector<128xi32> to vector<1x128xi32>
      %swap3A = arith.index_cast %scan3A_26 : i32 to index
      %swap3A_37 = arith.constant 0 : index
      %swap3A_38 = vector.load %arg3[%swap3A, %swap3A_37] : memref<16x128xi32, #tpu.memory_space<vmem>>, vector<1x128xi32>
      tpu.vector_store %arg3[%swap3A, %swap3A_37], %broadcast_in_dim3A_36 {strides = array<i32>} : memref<16x128xi32, #tpu.memory_space<vmem>>, vector<1x128xi32>,
      %broadcast_in_dim3A_39 = vector.shape_cast %reduce_min3A_35 : vector<128xi32> to vector<128x1xi32>
      %eq3A_40 = vector.broadcast %broadcast_in_dim3A_39 : vector<128x1xi32> to vector<128x5120xi32>
      %eq3A_41 = arith.cmpi eq, %iota3A, %eq3A_40 : vector<128x5120xi32>
      %jit3A_42 = arith.constant 0x7F800000 : f32
      %broadcast_in_dim3A_43 = vector.broadcast %jit3A_42 : f32 to vector<128x5120xf32>
      %select_n3A_44 = arith.select %eq3A_41, %broadcast_in_dim3A_43, %scan3A_27 : vector<128x5120xi1>, vector<128x5120xf32>
      scf.yield %select_n3A_44 : vector<128x5120xf32>
    }
    %scan3A_25 = arith.constant 16 : i32
    return
  }
  func.func @transform_0(%arg0: i32) -> (i32, i32) {
    %c0_i32 = arith.constant 0 : i32
    %c0_i32_0 = arith.constant 0 : i32
    %c0_i32_1 = arith.constant 0 : i32
    return %c0_i32, %c0_i32_0 : i32, i32
  }
  func.func @transform_1(%arg0: i32) -> (i32, i32) {
    %c0_i32 = arith.constant 0 : i32
    %c0_i32_0 = arith.constant 0 : i32
    return %arg0, %c0_i32 : i32, i32
  }
  func.func @transform_2(%arg0: i32) -> (i32, i32) {
    %c0_i32 = arith.constant 0 : i32
    %c0_i32_0 = arith.constant 0 : i32
    return %c0_i32, %arg0 : i32, i32
  }
}

module attributes {stable_mosaic.version = 14 : i64} {
  func.func @_c2_stats_a_body(%arg0: i32, %arg1: memref<4096x128xf32, #tpu.memory_space<vmem>>, %arg2: memref<256x3xf32, #tpu.memory_space<vmem>>, %arg3: memref<64x128xf32, #tpu.memory_space<vmem>>, %arg4: memref<3x128xf32, #tpu.memory_space<vmem>>, %arg5: memref<1x128xf32, #tpu.memory_space<vmem>>, %arg6: memref<1x128xf32, #tpu.memory_space<vmem>>, %arg7: memref<1x128xf32, #tpu.memory_space<vmem>>) attributes {dimension_semantics = [#tpu.dimension_semantics<arbitrary>], iteration_bounds = array<i64: 20>, scalar_prefetch = 0 : i64, scratch_operands = 0 : i64, tpu.core_type = #tpu.core_type<tc>, window_params = [{transform_indices = @transform_0, window_bounds = array<i64: 4096, 128>}, {transform_indices = @transform_1, window_bounds = array<i64: 256, 3>}, {pipeline_mode = #tpu.pipeline_mode<synchronous>, transform_indices = @transform_2, window_bounds = array<i64: 64, 128>}, {pipeline_mode = #tpu.pipeline_mode<synchronous>, transform_indices = @transform_3, window_bounds = array<i64: 3, 128>}, {pipeline_mode = #tpu.pipeline_mode<synchronous>, transform_indices = @transform_4, window_bounds = array<i64: 1, 128>}, {pipeline_mode = #tpu.pipeline_mode<synchronous>, transform_indices = @transform_5, window_bounds = array<i64: 1, 128>}, {pipeline_mode = #tpu.pipeline_mode<synchronous>, transform_indices = @transform_6, window_bounds = array<i64: 1, 128>}]} {
    %get3A = arith.constant 0 : index
    %get3A_0 = arith.constant 0 : index
    %get3A_1 = vector.load %arg1[%get3A, %get3A_0] : memref<4096x128xf32, #tpu.memory_space<vmem>>, vector<4096x128xf32>
    %slice3A = vector.extract_strided_slice %get3A_1 {offsets = [0, 0], sizes = [4096, 64], strides = [1, 1]} : vector<4096x128xf32> to vector<4096x64xf32>
    %slice3A_2 = vector.extract_strided_slice %get3A_1 {offsets = [0, 64], sizes = [4096, 3], strides = [1, 1]} : vector<4096x128xf32> to vector<4096x3xf32>
    %get3A_3 = arith.constant 0 : index
    %get3A_4 = arith.constant 0 : index
    %get3A_5 = vector.load %arg2[%get3A_3, %get3A_4] : memref<256x3xf32, #tpu.memory_space<vmem>>, vector<256x3xf32>
    %broadcast_in_dim3A = vector.shape_cast %get3A_5 : vector<256x3xf32> to vector<256x1x3xf32>
    %broadcast_in_dim3A_6 = vector.shape_cast %broadcast_in_dim3A : vector<256x1x3xf32> to vector<256x1x3xf32>
    %broadcast_in_dim3A_7 = vector.broadcast %broadcast_in_dim3A_6 : vector<256x1x3xf32> to vector<256x16x3xf32>
    %reshape3A = vector.shape_cast %broadcast_in_dim3A_7 : vector<256x16x3xf32> to vector<4096x3xf32>
    %sub3A = arith.subf %slice3A_2, %reshape3A : vector<4096x3xf32>
    %get3A_8 = arith.constant 0 : index
    %get3A_9 = arith.constant 0 : index
    %get3A_10 = vector.load %arg3[%get3A_8, %get3A_9] : memref<64x128xf32, #tpu.memory_space<vmem>>, vector<64x128xf32>
    %dot_general3A = arith.constant dense<0.000000e+00> : vector<4096x128xf32>
    %dot_general3A_11 = tpu.matmul %slice3A, %get3A_10, %dot_general3A {dimension_numbers = #tpu.dot_dimension_numbers<[1], [0], [0], [1], [0, 0, 1, 1], [], []>, transpose_lhs_hint = false} : vector<4096x64xf32>, vector<64x128xf32>, vector<4096x128xf32> -> vector<4096x128xf32>
    %get3A_12 = arith.constant 0 : index
    %get3A_13 = arith.constant 0 : index
    %get3A_14 = vector.load %arg4[%get3A_12, %get3A_13] : memref<3x128xf32, #tpu.memory_space<vmem>>, vector<3x128xf32>
    %dot_general3A_15 = arith.constant dense<0.000000e+00> : vector<4096x128xf32>
    %dot_general3A_16 = tpu.matmul %sub3A, %get3A_14, %dot_general3A_15 {dimension_numbers = #tpu.dot_dimension_numbers<[1], [0], [0], [1], [0, 0, 1, 1], [], []>, transpose_lhs_hint = false} : vector<4096x3xf32>, vector<3x128xf32>, vector<4096x128xf32> -> vector<4096x128xf32>
    %add3A = arith.addf %dot_general3A_11, %dot_general3A_16 : vector<4096x128xf32>
    %get3A_17 = arith.constant 0 : index
    %get3A_18 = arith.constant 0 : index
    %get3A_19 = vector.load %arg5[%get3A_17, %get3A_18] : memref<1x128xf32, #tpu.memory_space<vmem>>, vector<1x128xf32>
    %add3A_20 = vector.broadcast %get3A_19 : vector<1x128xf32> to vector<4096x128xf32>
    %add3A_21 = arith.addf %add3A, %add3A_20 : vector<4096x128xf32>
    %mul3A = arith.constant 256 : i32
    %mul3A_22 = arith.muli %arg0, %mul3A : i32
    %iota3A = tpu.iota {dimensions = array<i32: 0>} : vector<4096x1xi32>
    %jit3A = arith.constant 16 : i32
    %div3A = vector.broadcast %jit3A : i32 to vector<4096x1xi32>
    %div3A_23 = arith.divsi %iota3A, %div3A : vector<4096x1xi32>
    %sign3A = arith.constant 0 : i32
    %sign3A_24 = vector.broadcast %sign3A : i32 to vector<4096x1xi32>
    %sign3A_25 = arith.cmpi sgt, %iota3A, %sign3A_24 : vector<4096x1xi32>
    %sign3A_26 = arith.extui %sign3A_25 : vector<4096x1xi1> to vector<4096x1xi32>
    %sign3A_27 = arith.constant 0 : i32
    %sign3A_28 = vector.broadcast %sign3A_27 : i32 to vector<4096x1xi32>
    %sign3A_29 = arith.cmpi slt, %iota3A, %sign3A_28 : vector<4096x1xi32>
    %sign3A_30 = arith.extui %sign3A_29 : vector<4096x1xi1> to vector<4096x1xi32>
    %sign3A_31 = arith.subi %sign3A_26, %sign3A_30 : vector<4096x1xi32>
    %sign3A_32 = arith.constant 0 : i32
    %sign3A_33 = arith.cmpi sgt, %jit3A, %sign3A_32 : i32
    %sign3A_34 = arith.extui %sign3A_33 : i1 to i32
    %sign3A_35 = arith.constant 0 : i32
    %sign3A_36 = arith.cmpi slt, %jit3A, %sign3A_35 : i32
    %sign3A_37 = arith.extui %sign3A_36 : i1 to i32
    %sign3A_38 = arith.subi %sign3A_34, %sign3A_37 : i32
    %ne3A = vector.broadcast %sign3A_38 : i32 to vector<4096x1xi32>
    %ne3A_39 = arith.cmpi ne, %sign3A_31, %ne3A : vector<4096x1xi32>
    %rem3A = vector.broadcast %jit3A : i32 to vector<4096x1xi32>
    %rem3A_40 = arith.remsi %iota3A, %rem3A : vector<4096x1xi32>
    %ne3A_41 = arith.constant 0 : i32
    %ne3A_42 = vector.broadcast %ne3A_41 : i32 to vector<4096x1xi32>
    %ne3A_43 = arith.cmpi ne, %rem3A_40, %ne3A_42 : vector<4096x1xi32>
    %and3A = arith.andi %ne3A_39, %ne3A_43 : vector<4096x1xi1>
    %sub3A_44 = arith.constant 1 : i32
    %sub3A_45 = vector.broadcast %sub3A_44 : i32 to vector<4096x1xi32>
    %sub3A_46 = arith.subi %div3A_23, %sub3A_45 : vector<4096x1xi32>
    %select_n3A = arith.select %and3A, %sub3A_46, %div3A_23 : vector<4096x1xi1>, vector<4096x1xi32>
    %add3A_47 = vector.broadcast %mul3A_22 : i32 to vector<4096x1xi32>
    %add3A_48 = arith.addi %add3A_47, %select_n3A : vector<4096x1xi32>
    %lt3A = arith.constant 5000 : i32
    %lt3A_49 = vector.broadcast %lt3A : i32 to vector<4096x1xi32>
    %lt3A_50 = arith.cmpi slt, %add3A_48, %lt3A_49 : vector<4096x1xi32>
    %jit3A_51 = arith.constant 0.000000e+00 : f32
    %broadcast_in_dim3A_52 = vector.shape_cast %lt3A_50 : vector<4096x1xi1> to vector<4096x1xi1>
    %broadcast_in_dim3A_53 = vector.broadcast %broadcast_in_dim3A_52 : vector<4096x1xi1> to vector<4096x128xi1>
    %broadcast_in_dim3A_54 = vector.broadcast %jit3A_51 : f32 to vector<4096x128xf32>
    %select_n3A_55 = arith.select %broadcast_in_dim3A_53, %add3A_21, %broadcast_in_dim3A_54 : vector<4096x128xi1>, vector<4096x128xf32>
    %eq3A = arith.constant 0 : i32
    %eq3A_56 = arith.cmpi eq, %arg0, %eq3A : i32
    %convert_element_type3A = arith.extui %eq3A_56 : i1 to i32
    %cond3A = arith.constant 0 : i32
    %cond3A_57 = arith.cmpi ne, %convert_element_type3A, %cond3A : i32
    scf.if %cond3A_57 {
      %broadcast_in_dim3A_77 = arith.constant 0.000000e+00 : f32
      %broadcast_in_dim3A_78 = vector.broadcast %broadcast_in_dim3A_77 : f32 to vector<1x128xf32>
      %swap3A_79 = arith.constant 0 : index
      %swap3A_80 = arith.constant 0 : index
      %swap3A_81 = vector.load %arg6[%swap3A_79, %swap3A_80] : memref<1x128xf32, #tpu.memory_space<vmem>>, vector<1x128xf32>
      tpu.vector_store %arg6[%swap3A_79, %swap3A_80], %broadcast_in_dim3A_78 {strides = array<i32>} : memref<1x128xf32, #tpu.memory_space<vmem>>, vector<1x128xf32>,
      %broadcast_in_dim3A_82 = arith.constant 0.000000e+00 : f32
      %broadcast_in_dim3A_83 = vector.broadcast %broadcast_in_dim3A_82 : f32 to vector<1x128xf32>
      %swap3A_84 = arith.constant 0 : index
      %swap3A_85 = arith.constant 0 : index
      %swap3A_86 = vector.load %arg7[%swap3A_84, %swap3A_85] : memref<1x128xf32, #tpu.memory_space<vmem>>, vector<1x128xf32>
      tpu.vector_store %arg7[%swap3A_84, %swap3A_85], %broadcast_in_dim3A_83 {strides = array<i32>} : memref<1x128xf32, #tpu.memory_space<vmem>>, vector<1x128xf32>,
    } else {
    }
    %get3A_58 = arith.constant 0 : index
    %get3A_59 = arith.constant 0 : index
    %get3A_60 = vector.load %arg6[%get3A_58, %get3A_59] : memref<1x128xf32, #tpu.memory_space<vmem>>, vector<1x128xf32>
    %reduce_sum3A = arith.constant dense<0.000000e+00> : vector<128xf32>
    %reduce_sum3A_61 = vector.multi_reduction <add>, %select_n3A_55, %reduce_sum3A [0] : vector<4096x128xf32> to vector<128xf32>
    %broadcast_in_dim3A_62 = vector.shape_cast %reduce_sum3A_61 : vector<128xf32> to vector<1x128xf32>
    %add3A_63 = arith.addf %get3A_60, %broadcast_in_dim3A_62 : vector<1x128xf32>
    %swap3A = arith.constant 0 : index
    %swap3A_64 = arith.constant 0 : index
    %swap3A_65 = vector.load %arg6[%swap3A, %swap3A_64] : memref<1x128xf32, #tpu.memory_space<vmem>>, vector<1x128xf32>
    tpu.vector_store %arg6[%swap3A, %swap3A_64], %add3A_63 {strides = array<i32>} : memref<1x128xf32, #tpu.memory_space<vmem>>, vector<1x128xf32>,
    %get3A_66 = arith.constant 0 : index
    %get3A_67 = arith.constant 0 : index
    %get3A_68 = vector.load %arg7[%get3A_66, %get3A_67] : memref<1x128xf32, #tpu.memory_space<vmem>>, vector<1x128xf32>
    %mul3A_69 = arith.mulf %select_n3A_55, %select_n3A_55 : vector<4096x128xf32>
    %reduce_sum3A_70 = arith.constant dense<0.000000e+00> : vector<128xf32>
    %reduce_sum3A_71 = vector.multi_reduction <add>, %mul3A_69, %reduce_sum3A_70 [0] : vector<4096x128xf32> to vector<128xf32>
    %broadcast_in_dim3A_72 = vector.shape_cast %reduce_sum3A_71 : vector<128xf32> to vector<1x128xf32>
    %add3A_73 = arith.addf %get3A_68, %broadcast_in_dim3A_72 : vector<1x128xf32>
    %swap3A_74 = arith.constant 0 : index
    %swap3A_75 = arith.constant 0 : index
    %swap3A_76 = vector.load %arg7[%swap3A_74, %swap3A_75] : memref<1x128xf32, #tpu.memory_space<vmem>>, vector<1x128xf32>
    tpu.vector_store %arg7[%swap3A_74, %swap3A_75], %add3A_73 {strides = array<i32>} : memref<1x128xf32, #tpu.memory_space<vmem>>, vector<1x128xf32>,
    return
  }
  func.func @transform_0(%arg0: i32) -> (i32, i32) {
    %c0_i32 = arith.constant 0 : i32
    %c0_i32_0 = arith.constant 0 : i32
    return %arg0, %c0_i32 : i32, i32
  }
  func.func @transform_1(%arg0: i32) -> (i32, i32) {
    %c0_i32 = arith.constant 0 : i32
    %c0_i32_0 = arith.constant 0 : i32
    return %arg0, %c0_i32 : i32, i32
  }
  func.func @transform_2(%arg0: i32) -> (i32, i32) {
    %c0_i32 = arith.constant 0 : i32
    %c0_i32_0 = arith.constant 0 : i32
    %c0_i32_1 = arith.constant 0 : i32
    return %c0_i32, %c0_i32_0 : i32, i32
  }
  func.func @transform_3(%arg0: i32) -> (i32, i32) {
    %c0_i32 = arith.constant 0 : i32
    %c0_i32_0 = arith.constant 0 : i32
    %c0_i32_1 = arith.constant 0 : i32
    return %c0_i32, %c0_i32_0 : i32, i32
  }
  func.func @transform_4(%arg0: i32) -> (i32, i32) {
    %c0_i32 = arith.constant 0 : i32
    %c0_i32_0 = arith.constant 0 : i32
    %c0_i32_1 = arith.constant 0 : i32
    return %c0_i32, %c0_i32_0 : i32, i32
  }
  func.func @transform_5(%arg0: i32) -> (i32, i32) {
    %c0_i32 = arith.constant 0 : i32
    %c0_i32_0 = arith.constant 0 : i32
    %c0_i32_1 = arith.constant 0 : i32
    return %c0_i32, %c0_i32_0 : i32, i32
  }
  func.func @transform_6(%arg0: i32) -> (i32, i32) {
    %c0_i32 = arith.constant 0 : i32
    %c0_i32_0 = arith.constant 0 : i32
    %c0_i32_1 = arith.constant 0 : i32
    return %c0_i32, %c0_i32_0 : i32, i32
  }
}

module attributes {stable_mosaic.version = 14 : i64} {
  func.func @_c2_stats_b_body(%arg0: i32, %arg1: memref<4096x128xf32, #tpu.memory_space<vmem>>, %arg2: memref<256x3xf32, #tpu.memory_space<vmem>>, %arg3: memref<64x128xf32, #tpu.memory_space<vmem>>, %arg4: memref<3x128xf32, #tpu.memory_space<vmem>>, %arg5: memref<1x128xf32, #tpu.memory_space<vmem>>, %arg6: memref<1x128xf32, #tpu.memory_space<vmem>>, %arg7: memref<1x128xf32, #tpu.memory_space<vmem>>, %arg8: memref<128x256xf32, #tpu.memory_space<vmem>>, %arg9: memref<1x256xf32, #tpu.memory_space<vmem>>, %arg10: memref<1x256xf32, #tpu.memory_space<vmem>>, %arg11: memref<1x256xf32, #tpu.memory_space<vmem>>) attributes {dimension_semantics = [#tpu.dimension_semantics<arbitrary>], iteration_bounds = array<i64: 20>, scalar_prefetch = 0 : i64, scratch_operands = 0 : i64, tpu.core_type = #tpu.core_type<tc>, window_params = [{transform_indices = @transform_0, window_bounds = array<i64: 4096, 128>}, {transform_indices = @transform_1, window_bounds = array<i64: 256, 3>}, {pipeline_mode = #tpu.pipeline_mode<synchronous>, transform_indices = @transform_2, window_bounds = array<i64: 64, 128>}, {pipeline_mode = #tpu.pipeline_mode<synchronous>, transform_indices = @transform_3, window_bounds = array<i64: 3, 128>}, {pipeline_mode = #tpu.pipeline_mode<synchronous>, transform_indices = @transform_4, window_bounds = array<i64: 1, 128>}, {pipeline_mode = #tpu.pipeline_mode<synchronous>, transform_indices = @transform_5, window_bounds = array<i64: 1, 128>}, {pipeline_mode = #tpu.pipeline_mode<synchronous>, transform_indices = @transform_6, window_bounds = array<i64: 1, 128>}, {pipeline_mode = #tpu.pipeline_mode<synchronous>, transform_indices = @transform_7, window_bounds = array<i64: 128, 256>}, {pipeline_mode = #tpu.pipeline_mode<synchronous>, transform_indices = @transform_8, window_bounds = array<i64: 1, 256>}, {pipeline_mode = #tpu.pipeline_mode<synchronous>, transform_indices = @transform_9, window_bounds = array<i64: 1, 256>}, {pipeline_mode = #tpu.pipeline_mode<synchronous>, transform_indices = @transform_10, window_bounds = array<i64: 1, 256>}]} {
    %get3A = arith.constant 0 : index
    %get3A_0 = arith.constant 0 : index
    %get3A_1 = vector.load %arg1[%get3A, %get3A_0] : memref<4096x128xf32, #tpu.memory_space<vmem>>, vector<4096x128xf32>
    %slice3A = vector.extract_strided_slice %get3A_1 {offsets = [0, 0], sizes = [4096, 64], strides = [1, 1]} : vector<4096x128xf32> to vector<4096x64xf32>
    %slice3A_2 = vector.extract_strided_slice %get3A_1 {offsets = [0, 64], sizes = [4096, 3], strides = [1, 1]} : vector<4096x128xf32> to vector<4096x3xf32>
    %get3A_3 = arith.constant 0 : index
    %get3A_4 = arith.constant 0 : index
    %get3A_5 = vector.load %arg2[%get3A_3, %get3A_4] : memref<256x3xf32, #tpu.memory_space<vmem>>, vector<256x3xf32>
    %broadcast_in_dim3A = vector.shape_cast %get3A_5 : vector<256x3xf32> to vector<256x1x3xf32>
    %broadcast_in_dim3A_6 = vector.shape_cast %broadcast_in_dim3A : vector<256x1x3xf32> to vector<256x1x3xf32>
    %broadcast_in_dim3A_7 = vector.broadcast %broadcast_in_dim3A_6 : vector<256x1x3xf32> to vector<256x16x3xf32>
    %reshape3A = vector.shape_cast %broadcast_in_dim3A_7 : vector<256x16x3xf32> to vector<4096x3xf32>
    %sub3A = arith.subf %slice3A_2, %reshape3A : vector<4096x3xf32>
    %get3A_8 = arith.constant 0 : index
    %get3A_9 = arith.constant 0 : index
    %get3A_10 = vector.load %arg3[%get3A_8, %get3A_9] : memref<64x128xf32, #tpu.memory_space<vmem>>, vector<64x128xf32>
    %dot_general3A = arith.constant dense<0.000000e+00> : vector<4096x128xf32>
    %dot_general3A_11 = tpu.matmul %slice3A, %get3A_10, %dot_general3A {dimension_numbers = #tpu.dot_dimension_numbers<[1], [0], [0], [1], [0, 0, 1, 1], [], []>, transpose_lhs_hint = false} : vector<4096x64xf32>, vector<64x128xf32>, vector<4096x128xf32> -> vector<4096x128xf32>
    %get3A_12 = arith.constant 0 : index
    %get3A_13 = arith.constant 0 : index
    %get3A_14 = vector.load %arg4[%get3A_12, %get3A_13] : memref<3x128xf32, #tpu.memory_space<vmem>>, vector<3x128xf32>
    %dot_general3A_15 = arith.constant dense<0.000000e+00> : vector<4096x128xf32>
    %dot_general3A_16 = tpu.matmul %sub3A, %get3A_14, %dot_general3A_15 {dimension_numbers = #tpu.dot_dimension_numbers<[1], [0], [0], [1], [0, 0, 1, 1], [], []>, transpose_lhs_hint = false} : vector<4096x3xf32>, vector<3x128xf32>, vector<4096x128xf32> -> vector<4096x128xf32>
    %add3A = arith.addf %dot_general3A_11, %dot_general3A_16 : vector<4096x128xf32>
    %get3A_17 = arith.constant 0 : index
    %get3A_18 = arith.constant 0 : index
    %get3A_19 = vector.load %arg5[%get3A_17, %get3A_18] : memref<1x128xf32, #tpu.memory_space<vmem>>, vector<1x128xf32>
    %add3A_20 = vector.broadcast %get3A_19 : vector<1x128xf32> to vector<4096x128xf32>
    %add3A_21 = arith.addf %add3A, %add3A_20 : vector<4096x128xf32>
    %get3A_22 = arith.constant 0 : index
    %get3A_23 = arith.constant 0 : index
    %get3A_24 = vector.load %arg6[%get3A_22, %get3A_23] : memref<1x128xf32, #tpu.memory_space<vmem>>, vector<1x128xf32>
    %mul3A = vector.broadcast %get3A_24 : vector<1x128xf32> to vector<4096x128xf32>
    %mul3A_25 = arith.mulf %add3A_21, %mul3A : vector<4096x128xf32>
    %get3A_26 = arith.constant 0 : index
    %get3A_27 = arith.constant 0 : index
    %get3A_28 = vector.load %arg7[%get3A_26, %get3A_27] : memref<1x128xf32, #tpu.memory_space<vmem>>, vector<1x128xf32>
    %add3A_29 = vector.broadcast %get3A_28 : vector<1x128xf32> to vector<4096x128xf32>
    %add3A_30 = arith.addf %mul3A_25, %add3A_29 : vector<4096x128xf32>
    %logistic3A = arith.negf %add3A_30 : vector<4096x128xf32>
    %logistic3A_31 = math.exp %logistic3A : vector<4096x128xf32>
    %logistic3A_32 = arith.constant 1.000000e+00 : f32
    %logistic3A_33 = vector.broadcast %logistic3A_32 : f32 to vector<4096x128xf32>
    %logistic3A_34 = arith.addf %logistic3A_33, %logistic3A_31 : vector<4096x128xf32>
    %logistic3A_35 = arith.divf %logistic3A_33, %logistic3A_34 : vector<4096x128xf32>
    %mul3A_36 = arith.mulf %add3A_30, %logistic3A_35 : vector<4096x128xf32>
    %get3A_37 = arith.constant 0 : index
    %get3A_38 = arith.constant 0 : index
    %get3A_39 = vector.load %arg8[%get3A_37, %get3A_38] : memref<128x256xf32, #tpu.memory_space<vmem>>, vector<128x256xf32>
    %dot_general3A_40 = arith.constant dense<0.000000e+00> : vector<4096x256xf32>
    %dot_general3A_41 = tpu.matmul %mul3A_36, %get3A_39, %dot_general3A_40 {dimension_numbers = #tpu.dot_dimension_numbers<[1], [0], [0], [1], [0, 0, 1, 1], [], []>, transpose_lhs_hint = false} : vector<4096x128xf32>, vector<128x256xf32>, vector<4096x256xf32> -> vector<4096x256xf32>
    %get3A_42 = arith.constant 0 : index
    %get3A_43 = arith.constant 0 : index
    %get3A_44 = vector.load %arg9[%get3A_42, %get3A_43] : memref<1x256xf32, #tpu.memory_space<vmem>>, vector<1x256xf32>
    %add3A_45 = vector.broadcast %get3A_44 : vector<1x256xf32> to vector<4096x256xf32>
    %add3A_46 = arith.addf %dot_general3A_41, %add3A_45 : vector<4096x256xf32>
    %mul3A_47 = arith.constant 256 : i32
    %mul3A_48 = arith.muli %arg0, %mul3A_47 : i32
    %iota3A = tpu.iota {dimensions = array<i32: 0>} : vector<4096x1xi32>
    %jit3A = arith.constant 16 : i32
    %div3A = vector.broadcast %jit3A : i32 to vector<4096x1xi32>
    %div3A_49 = arith.divsi %iota3A, %div3A : vector<4096x1xi32>
    %sign3A = arith.constant 0 : i32
    %sign3A_50 = vector.broadcast %sign3A : i32 to vector<4096x1xi32>
    %sign3A_51 = arith.cmpi sgt, %iota3A, %sign3A_50 : vector<4096x1xi32>
    %sign3A_52 = arith.extui %sign3A_51 : vector<4096x1xi1> to vector<4096x1xi32>
    %sign3A_53 = arith.constant 0 : i32
    %sign3A_54 = vector.broadcast %sign3A_53 : i32 to vector<4096x1xi32>
    %sign3A_55 = arith.cmpi slt, %iota3A, %sign3A_54 : vector<4096x1xi32>
    %sign3A_56 = arith.extui %sign3A_55 : vector<4096x1xi1> to vector<4096x1xi32>
    %sign3A_57 = arith.subi %sign3A_52, %sign3A_56 : vector<4096x1xi32>
    %sign3A_58 = arith.constant 0 : i32
    %sign3A_59 = arith.cmpi sgt, %jit3A, %sign3A_58 : i32
    %sign3A_60 = arith.extui %sign3A_59 : i1 to i32
    %sign3A_61 = arith.constant 0 : i32
    %sign3A_62 = arith.cmpi slt, %jit3A, %sign3A_61 : i32
    %sign3A_63 = arith.extui %sign3A_62 : i1 to i32
    %sign3A_64 = arith.subi %sign3A_60, %sign3A_63 : i32
    %ne3A = vector.broadcast %sign3A_64 : i32 to vector<4096x1xi32>
    %ne3A_65 = arith.cmpi ne, %sign3A_57, %ne3A : vector<4096x1xi32>
    %rem3A = vector.broadcast %jit3A : i32 to vector<4096x1xi32>
    %rem3A_66 = arith.remsi %iota3A, %rem3A : vector<4096x1xi32>
    %ne3A_67 = arith.constant 0 : i32
    %ne3A_68 = vector.broadcast %ne3A_67 : i32 to vector<4096x1xi32>
    %ne3A_69 = arith.cmpi ne, %rem3A_66, %ne3A_68 : vector<4096x1xi32>
    %and3A = arith.andi %ne3A_65, %ne3A_69 : vector<4096x1xi1>
    %sub3A_70 = arith.constant 1 : i32
    %sub3A_71 = vector.broadcast %sub3A_70 : i32 to vector<4096x1xi32>
    %sub3A_72 = arith.subi %div3A_49, %sub3A_71 : vector<4096x1xi32>
    %select_n3A = arith.select %and3A, %sub3A_72, %div3A_49 : vector<4096x1xi1>, vector<4096x1xi32>
    %add3A_73 = vector.broadcast %mul3A_48 : i32 to vector<4096x1xi32>
    %add3A_74 = arith.addi %add3A_73, %select_n3A : vector<4096x1xi32>
    %lt3A = arith.constant 5000 : i32
    %lt3A_75 = vector.broadcast %lt3A : i32 to vector<4096x1xi32>
    %lt3A_76 = arith.cmpi slt, %add3A_74, %lt3A_75 : vector<4096x1xi32>
    %jit3A_77 = arith.constant 0.000000e+00 : f32
    %broadcast_in_dim3A_78 = vector.shape_cast %lt3A_76 : vector<4096x1xi1> to vector<4096x1xi1>
    %broadcast_in_dim3A_79 = vector.broadcast %broadcast_in_dim3A_78 : vector<4096x1xi1> to vector<4096x256xi1>
    %broadcast_in_dim3A_80 = vector.broadcast %jit3A_77 : f32 to vector<4096x256xf32>
    %select_n3A_81 = arith.select %broadcast_in_dim3A_79, %add3A_46, %broadcast_in_dim3A_80 : vector<4096x256xi1>, vector<4096x256xf32>
    %eq3A = arith.constant 0 : i32
    %eq3A_82 = arith.cmpi eq, %arg0, %eq3A : i32
    %convert_element_type3A = arith.extui %eq3A_82 : i1 to i32
    %cond3A = arith.constant 0 : i32
    %cond3A_83 = arith.cmpi ne, %convert_element_type3A, %cond3A : i32
    scf.if %cond3A_83 {
      %broadcast_in_dim3A_103 = arith.constant 0.000000e+00 : f32
      %broadcast_in_dim3A_104 = vector.broadcast %broadcast_in_dim3A_103 : f32 to vector<1x256xf32>
      %swap3A_105 = arith.constant 0 : index
      %swap3A_106 = arith.constant 0 : index
      %swap3A_107 = vector.load %arg10[%swap3A_105, %swap3A_106] : memref<1x256xf32, #tpu.memory_space<vmem>>, vector<1x256xf32>
      tpu.vector_store %arg10[%swap3A_105, %swap3A_106], %broadcast_in_dim3A_104 {strides = array<i32>} : memref<1x256xf32, #tpu.memory_space<vmem>>, vector<1x256xf32>,
      %broadcast_in_dim3A_108 = arith.constant 0.000000e+00 : f32
      %broadcast_in_dim3A_109 = vector.broadcast %broadcast_in_dim3A_108 : f32 to vector<1x256xf32>
      %swap3A_110 = arith.constant 0 : index
      %swap3A_111 = arith.constant 0 : index
      %swap3A_112 = vector.load %arg11[%swap3A_110, %swap3A_111] : memref<1x256xf32, #tpu.memory_space<vmem>>, vector<1x256xf32>
      tpu.vector_store %arg11[%swap3A_110, %swap3A_111], %broadcast_in_dim3A_109 {strides = array<i32>} : memref<1x256xf32, #tpu.memory_space<vmem>>, vector<1x256xf32>,
    } else {
    }
    %get3A_84 = arith.constant 0 : index
    %get3A_85 = arith.constant 0 : index
    %get3A_86 = vector.load %arg10[%get3A_84, %get3A_85] : memref<1x256xf32, #tpu.memory_space<vmem>>, vector<1x256xf32>
    %reduce_sum3A = arith.constant dense<0.000000e+00> : vector<256xf32>
    %reduce_sum3A_87 = vector.multi_reduction <add>, %select_n3A_81, %reduce_sum3A [0] : vector<4096x256xf32> to vector<256xf32>
    %broadcast_in_dim3A_88 = vector.shape_cast %reduce_sum3A_87 : vector<256xf32> to vector<1x256xf32>
    %add3A_89 = arith.addf %get3A_86, %broadcast_in_dim3A_88 : vector<1x256xf32>
    %swap3A = arith.constant 0 : index
    %swap3A_90 = arith.constant 0 : index
    %swap3A_91 = vector.load %arg10[%swap3A, %swap3A_90] : memref<1x256xf32, #tpu.memory_space<vmem>>, vector<1x256xf32>
    tpu.vector_store %arg10[%swap3A, %swap3A_90], %add3A_89 {strides = array<i32>} : memref<1x256xf32, #tpu.memory_space<vmem>>, vector<1x256xf32>,
    %get3A_92 = arith.constant 0 : index
    %get3A_93 = arith.constant 0 : index
    %get3A_94 = vector.load %arg11[%get3A_92, %get3A_93] : memref<1x256xf32, #tpu.memory_space<vmem>>, vector<1x256xf32>
    %mul3A_95 = arith.mulf %select_n3A_81, %select_n3A_81 : vector<4096x256xf32>
    %reduce_sum3A_96 = arith.constant dense<0.000000e+00> : vector<256xf32>
    %reduce_sum3A_97 = vector.multi_reduction <add>, %mul3A_95, %reduce_sum3A_96 [0] : vector<4096x256xf32> to vector<256xf32>
    %broadcast_in_dim3A_98 = vector.shape_cast %reduce_sum3A_97 : vector<256xf32> to vector<1x256xf32>
    %add3A_99 = arith.addf %get3A_94, %broadcast_in_dim3A_98 : vector<1x256xf32>
    %swap3A_100 = arith.constant 0 : index
    %swap3A_101 = arith.constant 0 : index
    %swap3A_102 = vector.load %arg11[%swap3A_100, %swap3A_101] : memref<1x256xf32, #tpu.memory_space<vmem>>, vector<1x256xf32>
    tpu.vector_store %arg11[%swap3A_100, %swap3A_101], %add3A_99 {strides = array<i32>} : memref<1x256xf32, #tpu.memory_space<vmem>>, vector<1x256xf32>,
    return
  }
  func.func @transform_0(%arg0: i32) -> (i32, i32) {
    %c0_i32 = arith.constant 0 : i32
    %c0_i32_0 = arith.constant 0 : i32
    return %arg0, %c0_i32 : i32, i32
  }
  func.func @transform_1(%arg0: i32) -> (i32, i32) {
    %c0_i32 = arith.constant 0 : i32
    %c0_i32_0 = arith.constant 0 : i32
    return %arg0, %c0_i32 : i32, i32
  }
  func.func @transform_2(%arg0: i32) -> (i32, i32) {
    %c0_i32 = arith.constant 0 : i32
    %c0_i32_0 = arith.constant 0 : i32
    %c0_i32_1 = arith.constant 0 : i32
    return %c0_i32, %c0_i32_0 : i32, i32
  }
  func.func @transform_3(%arg0: i32) -> (i32, i32) {
    %c0_i32 = arith.constant 0 : i32
    %c0_i32_0 = arith.constant 0 : i32
    %c0_i32_1 = arith.constant 0 : i32
    return %c0_i32, %c0_i32_0 : i32, i32
  }
  func.func @transform_4(%arg0: i32) -> (i32, i32) {
    %c0_i32 = arith.constant 0 : i32
    %c0_i32_0 = arith.constant 0 : i32
    %c0_i32_1 = arith.constant 0 : i32
    return %c0_i32, %c0_i32_0 : i32, i32
  }
  func.func @transform_5(%arg0: i32) -> (i32, i32) {
    %c0_i32 = arith.constant 0 : i32
    %c0_i32_0 = arith.constant 0 : i32
    %c0_i32_1 = arith.constant 0 : i32
    return %c0_i32, %c0_i32_0 : i32, i32
  }
  func.func @transform_6(%arg0: i32) -> (i32, i32) {
    %c0_i32 = arith.constant 0 : i32
    %c0_i32_0 = arith.constant 0 : i32
    %c0_i32_1 = arith.constant 0 : i32
    return %c0_i32, %c0_i32_0 : i32, i32
  }
  func.func @transform_7(%arg0: i32) -> (i32, i32) {
    %c0_i32 = arith.constant 0 : i32
    %c0_i32_0 = arith.constant 0 : i32
    %c0_i32_1 = arith.constant 0 : i32
    return %c0_i32, %c0_i32_0 : i32, i32
  }
  func.func @transform_8(%arg0: i32) -> (i32, i32) {
    %c0_i32 = arith.constant 0 : i32
    %c0_i32_0 = arith.constant 0 : i32
    %c0_i32_1 = arith.constant 0 : i32
    return %c0_i32, %c0_i32_0 : i32, i32
  }
  func.func @transform_9(%arg0: i32) -> (i32, i32) {
    %c0_i32 = arith.constant 0 : i32
    %c0_i32_0 = arith.constant 0 : i32
    %c0_i32_1 = arith.constant 0 : i32
    return %c0_i32, %c0_i32_0 : i32, i32
  }
  func.func @transform_10(%arg0: i32) -> (i32, i32) {
    %c0_i32 = arith.constant 0 : i32
    %c0_i32_0 = arith.constant 0 : i32
    %c0_i32_1 = arith.constant 0 : i32
    return %c0_i32, %c0_i32_0 : i32, i32
  }
}

module attributes {stable_mosaic.version = 14 : i64} {
  func.func @_c2_final_body(%arg0: i32, %arg1: memref<4096x128xf32, #tpu.memory_space<vmem>>, %arg2: memref<256x3xf32, #tpu.memory_space<vmem>>, %arg3: memref<64x128xf32, #tpu.memory_space<vmem>>, %arg4: memref<3x128xf32, #tpu.memory_space<vmem>>, %arg5: memref<1x128xf32, #tpu.memory_space<vmem>>, %arg6: memref<1x128xf32, #tpu.memory_space<vmem>>, %arg7: memref<1x128xf32, #tpu.memory_space<vmem>>, %arg8: memref<128x256xf32, #tpu.memory_space<vmem>>, %arg9: memref<1x256xf32, #tpu.memory_space<vmem>>, %arg10: memref<1x256xf32, #tpu.memory_space<vmem>>, %arg11: memref<1x256xf32, #tpu.memory_space<vmem>>, %arg12: memref<1x256xf32, #tpu.memory_space<vmem>>) attributes {dimension_semantics = [#tpu.dimension_semantics<arbitrary>], iteration_bounds = array<i64: 20>, scalar_prefetch = 0 : i64, scratch_operands = 0 : i64, tpu.core_type = #tpu.core_type<tc>, window_params = [{transform_indices = @transform_0, window_bounds = array<i64: 4096, 128>}, {transform_indices = @transform_1, window_bounds = array<i64: 256, 3>}, {pipeline_mode = #tpu.pipeline_mode<synchronous>, transform_indices = @transform_2, window_bounds = array<i64: 64, 128>}, {pipeline_mode = #tpu.pipeline_mode<synchronous>, transform_indices = @transform_3, window_bounds = array<i64: 3, 128>}, {pipeline_mode = #tpu.pipeline_mode<synchronous>, transform_indices = @transform_4, window_bounds = array<i64: 1, 128>}, {pipeline_mode = #tpu.pipeline_mode<synchronous>, transform_indices = @transform_5, window_bounds = array<i64: 1, 128>}, {pipeline_mode = #tpu.pipeline_mode<synchronous>, transform_indices = @transform_6, window_bounds = array<i64: 1, 128>}, {pipeline_mode = #tpu.pipeline_mode<synchronous>, transform_indices = @transform_7, window_bounds = array<i64: 128, 256>}, {pipeline_mode = #tpu.pipeline_mode<synchronous>, transform_indices = @transform_8, window_bounds = array<i64: 1, 256>}, {pipeline_mode = #tpu.pipeline_mode<synchronous>, transform_indices = @transform_9, window_bounds = array<i64: 1, 256>}, {pipeline_mode = #tpu.pipeline_mode<synchronous>, transform_indices = @transform_10, window_bounds = array<i64: 1, 256>}, {pipeline_mode = #tpu.pipeline_mode<synchronous>, transform_indices = @transform_11, window_bounds = array<i64: 1, 256>}]} {
    %get3A = arith.constant 0 : index
    %get3A_0 = arith.constant 0 : index
    %get3A_1 = vector.load %arg1[%get3A, %get3A_0] : memref<4096x128xf32, #tpu.memory_space<vmem>>, vector<4096x128xf32>
    %slice3A = vector.extract_strided_slice %get3A_1 {offsets = [0, 0], sizes = [4096, 64], strides = [1, 1]} : vector<4096x128xf32> to vector<4096x64xf32>
    %slice3A_2 = vector.extract_strided_slice %get3A_1 {offsets = [0, 64], sizes = [4096, 3], strides = [1, 1]} : vector<4096x128xf32> to vector<4096x3xf32>
    %get3A_3 = arith.constant 0 : index
    %get3A_4 = arith.constant 0 : index
    %get3A_5 = vector.load %arg2[%get3A_3, %get3A_4] : memref<256x3xf32, #tpu.memory_space<vmem>>, vector<256x3xf32>
    %broadcast_in_dim3A = vector.shape_cast %get3A_5 : vector<256x3xf32> to vector<256x1x3xf32>
    %broadcast_in_dim3A_6 = vector.shape_cast %broadcast_in_dim3A : vector<256x1x3xf32> to vector<256x1x3xf32>
    %broadcast_in_dim3A_7 = vector.broadcast %broadcast_in_dim3A_6 : vector<256x1x3xf32> to vector<256x16x3xf32>
    %reshape3A = vector.shape_cast %broadcast_in_dim3A_7 : vector<256x16x3xf32> to vector<4096x3xf32>
    %sub3A = arith.subf %slice3A_2, %reshape3A : vector<4096x3xf32>
    %get3A_8 = arith.constant 0 : index
    %get3A_9 = arith.constant 0 : index
    %get3A_10 = vector.load %arg3[%get3A_8, %get3A_9] : memref<64x128xf32, #tpu.memory_space<vmem>>, vector<64x128xf32>
    %dot_general3A = arith.constant dense<0.000000e+00> : vector<4096x128xf32>
    %dot_general3A_11 = tpu.matmul %slice3A, %get3A_10, %dot_general3A {dimension_numbers = #tpu.dot_dimension_numbers<[1], [0], [0], [1], [0, 0, 1, 1], [], []>, transpose_lhs_hint = false} : vector<4096x64xf32>, vector<64x128xf32>, vector<4096x128xf32> -> vector<4096x128xf32>
    %get3A_12 = arith.constant 0 : index
    %get3A_13 = arith.constant 0 : index
    %get3A_14 = vector.load %arg4[%get3A_12, %get3A_13] : memref<3x128xf32, #tpu.memory_space<vmem>>, vector<3x128xf32>
    %dot_general3A_15 = arith.constant dense<0.000000e+00> : vector<4096x128xf32>
    %dot_general3A_16 = tpu.matmul %sub3A, %get3A_14, %dot_general3A_15 {dimension_numbers = #tpu.dot_dimension_numbers<[1], [0], [0], [1], [0, 0, 1, 1], [], []>, transpose_lhs_hint = false} : vector<4096x3xf32>, vector<3x128xf32>, vector<4096x128xf32> -> vector<4096x128xf32>
    %add3A = arith.addf %dot_general3A_11, %dot_general3A_16 : vector<4096x128xf32>
    %get3A_17 = arith.constant 0 : index
    %get3A_18 = arith.constant 0 : index
    %get3A_19 = vector.load %arg5[%get3A_17, %get3A_18] : memref<1x128xf32, #tpu.memory_space<vmem>>, vector<1x128xf32>
    %add3A_20 = vector.broadcast %get3A_19 : vector<1x128xf32> to vector<4096x128xf32>
    %add3A_21 = arith.addf %add3A, %add3A_20 : vector<4096x128xf32>
    %get3A_22 = arith.constant 0 : index
    %get3A_23 = arith.constant 0 : index
    %get3A_24 = vector.load %arg6[%get3A_22, %get3A_23] : memref<1x128xf32, #tpu.memory_space<vmem>>, vector<1x128xf32>
    %mul3A = vector.broadcast %get3A_24 : vector<1x128xf32> to vector<4096x128xf32>
    %mul3A_25 = arith.mulf %add3A_21, %mul3A : vector<4096x128xf32>
    %get3A_26 = arith.constant 0 : index
    %get3A_27 = arith.constant 0 : index
    %get3A_28 = vector.load %arg7[%get3A_26, %get3A_27] : memref<1x128xf32, #tpu.memory_space<vmem>>, vector<1x128xf32>
    %add3A_29 = vector.broadcast %get3A_28 : vector<1x128xf32> to vector<4096x128xf32>
    %add3A_30 = arith.addf %mul3A_25, %add3A_29 : vector<4096x128xf32>
    %logistic3A = arith.negf %add3A_30 : vector<4096x128xf32>
    %logistic3A_31 = math.exp %logistic3A : vector<4096x128xf32>
    %logistic3A_32 = arith.constant 1.000000e+00 : f32
    %logistic3A_33 = vector.broadcast %logistic3A_32 : f32 to vector<4096x128xf32>
    %logistic3A_34 = arith.addf %logistic3A_33, %logistic3A_31 : vector<4096x128xf32>
    %logistic3A_35 = arith.divf %logistic3A_33, %logistic3A_34 : vector<4096x128xf32>
    %mul3A_36 = arith.mulf %add3A_30, %logistic3A_35 : vector<4096x128xf32>
    %get3A_37 = arith.constant 0 : index
    %get3A_38 = arith.constant 0 : index
    %get3A_39 = vector.load %arg8[%get3A_37, %get3A_38] : memref<128x256xf32, #tpu.memory_space<vmem>>, vector<128x256xf32>
    %dot_general3A_40 = arith.constant dense<0.000000e+00> : vector<4096x256xf32>
    %dot_general3A_41 = tpu.matmul %mul3A_36, %get3A_39, %dot_general3A_40 {dimension_numbers = #tpu.dot_dimension_numbers<[1], [0], [0], [1], [0, 0, 1, 1], [], []>, transpose_lhs_hint = false} : vector<4096x128xf32>, vector<128x256xf32>, vector<4096x256xf32> -> vector<4096x256xf32>
    %get3A_42 = arith.constant 0 : index
    %get3A_43 = arith.constant 0 : index
    %get3A_44 = vector.load %arg9[%get3A_42, %get3A_43] : memref<1x256xf32, #tpu.memory_space<vmem>>, vector<1x256xf32>
    %add3A_45 = vector.broadcast %get3A_44 : vector<1x256xf32> to vector<4096x256xf32>
    %add3A_46 = arith.addf %dot_general3A_41, %add3A_45 : vector<4096x256xf32>
    %get3A_47 = arith.constant 0 : index
    %get3A_48 = arith.constant 0 : index
    %get3A_49 = vector.load %arg10[%get3A_47, %get3A_48] : memref<1x256xf32, #tpu.memory_space<vmem>>, vector<1x256xf32>
    %mul3A_50 = vector.broadcast %get3A_49 : vector<1x256xf32> to vector<4096x256xf32>
    %mul3A_51 = arith.mulf %add3A_46, %mul3A_50 : vector<4096x256xf32>
    %get3A_52 = arith.constant 0 : index
    %get3A_53 = arith.constant 0 : index
    %get3A_54 = vector.load %arg11[%get3A_52, %get3A_53] : memref<1x256xf32, #tpu.memory_space<vmem>>, vector<1x256xf32>
    %add3A_55 = vector.broadcast %get3A_54 : vector<1x256xf32> to vector<4096x256xf32>
    %add3A_56 = arith.addf %mul3A_51, %add3A_55 : vector<4096x256xf32>
    %logistic3A_57 = arith.negf %add3A_56 : vector<4096x256xf32>
    %logistic3A_58 = math.exp %logistic3A_57 : vector<4096x256xf32>
    %logistic3A_59 = arith.constant 1.000000e+00 : f32
    %logistic3A_60 = vector.broadcast %logistic3A_59 : f32 to vector<4096x256xf32>
    %logistic3A_61 = arith.addf %logistic3A_60, %logistic3A_58 : vector<4096x256xf32>
    %logistic3A_62 = arith.divf %logistic3A_60, %logistic3A_61 : vector<4096x256xf32>
    %mul3A_63 = arith.mulf %add3A_56, %logistic3A_62 : vector<4096x256xf32>
    %mul3A_64 = arith.constant 256 : i32
    %mul3A_65 = arith.muli %arg0, %mul3A_64 : i32
    %iota3A = tpu.iota {dimensions = array<i32: 0>} : vector<4096x1xi32>
    %jit3A = arith.constant 16 : i32
    %div3A = vector.broadcast %jit3A : i32 to vector<4096x1xi32>
    %div3A_66 = arith.divsi %iota3A, %div3A : vector<4096x1xi32>
    %sign3A = arith.constant 0 : i32
    %sign3A_67 = vector.broadcast %sign3A : i32 to vector<4096x1xi32>
    %sign3A_68 = arith.cmpi sgt, %iota3A, %sign3A_67 : vector<4096x1xi32>
    %sign3A_69 = arith.extui %sign3A_68 : vector<4096x1xi1> to vector<4096x1xi32>
    %sign3A_70 = arith.constant 0 : i32
    %sign3A_71 = vector.broadcast %sign3A_70 : i32 to vector<4096x1xi32>
    %sign3A_72 = arith.cmpi slt, %iota3A, %sign3A_71 : vector<4096x1xi32>
    %sign3A_73 = arith.extui %sign3A_72 : vector<4096x1xi1> to vector<4096x1xi32>
    %sign3A_74 = arith.subi %sign3A_69, %sign3A_73 : vector<4096x1xi32>
    %sign3A_75 = arith.constant 0 : i32
    %sign3A_76 = arith.cmpi sgt, %jit3A, %sign3A_75 : i32
    %sign3A_77 = arith.extui %sign3A_76 : i1 to i32
    %sign3A_78 = arith.constant 0 : i32
    %sign3A_79 = arith.cmpi slt, %jit3A, %sign3A_78 : i32
    %sign3A_80 = arith.extui %sign3A_79 : i1 to i32
    %sign3A_81 = arith.subi %sign3A_77, %sign3A_80 : i32
    %ne3A = vector.broadcast %sign3A_81 : i32 to vector<4096x1xi32>
    %ne3A_82 = arith.cmpi ne, %sign3A_74, %ne3A : vector<4096x1xi32>
    %rem3A = vector.broadcast %jit3A : i32 to vector<4096x1xi32>
    %rem3A_83 = arith.remsi %iota3A, %rem3A : vector<4096x1xi32>
    %ne3A_84 = arith.constant 0 : i32
    %ne3A_85 = vector.broadcast %ne3A_84 : i32 to vector<4096x1xi32>
    %ne3A_86 = arith.cmpi ne, %rem3A_83, %ne3A_85 : vector<4096x1xi32>
    %and3A = arith.andi %ne3A_82, %ne3A_86 : vector<4096x1xi1>
    %sub3A_87 = arith.constant 1 : i32
    %sub3A_88 = vector.broadcast %sub3A_87 : i32 to vector<4096x1xi32>
    %sub3A_89 = arith.subi %div3A_66, %sub3A_88 : vector<4096x1xi32>
    %select_n3A = arith.select %and3A, %sub3A_89, %div3A_66 : vector<4096x1xi1>, vector<4096x1xi32>
    %add3A_90 = vector.broadcast %mul3A_65 : i32 to vector<4096x1xi32>
    %add3A_91 = arith.addi %add3A_90, %select_n3A : vector<4096x1xi32>
    %lt3A = arith.constant 5000 : i32
    %lt3A_92 = vector.broadcast %lt3A : i32 to vector<4096x1xi32>
    %lt3A_93 = arith.cmpi slt, %add3A_91, %lt3A_92 : vector<4096x1xi32>
    %jit3A_94 = arith.constant 0xFF800000 : f32
    %broadcast_in_dim3A_95 = vector.shape_cast %lt3A_93 : vector<4096x1xi1> to vector<4096x1xi1>
    %broadcast_in_dim3A_96 = vector.broadcast %broadcast_in_dim3A_95 : vector<4096x1xi1> to vector<4096x256xi1>
    %broadcast_in_dim3A_97 = vector.broadcast %jit3A_94 : f32 to vector<4096x256xf32>
    %select_n3A_98 = arith.select %broadcast_in_dim3A_96, %mul3A_63, %broadcast_in_dim3A_97 : vector<4096x256xi1>, vector<4096x256xf32>
    %reduce_max3A = arith.constant dense<0xFF800000> : vector<256xf32>
    %reduce_max3A_99 = vector.multi_reduction <maximumf>, %select_n3A_98, %reduce_max3A [0] : vector<4096x256xf32> to vector<256xf32>
    %broadcast_in_dim3A_100 = vector.shape_cast %reduce_max3A_99 : vector<256xf32> to vector<1x256xf32>
    %eq3A = arith.constant 0 : i32
    %eq3A_101 = arith.cmpi eq, %arg0, %eq3A : i32
    %convert_element_type3A = arith.extui %eq3A_101 : i1 to i32
    %cond3A = arith.constant 0 : i32
    %cond3A_102 = arith.cmpi ne, %convert_element_type3A, %cond3A : i32
    scf.if %cond3A_102 {
      %broadcast_in_dim3A_108 = arith.constant 0xFF800000 : f32
      %broadcast_in_dim3A_109 = vector.broadcast %broadcast_in_dim3A_108 : f32 to vector<1x256xf32>
      %swap3A_110 = arith.constant 0 : index
      %swap3A_111 = arith.constant 0 : index
      %swap3A_112 = vector.load %arg12[%swap3A_110, %swap3A_111] : memref<1x256xf32, #tpu.memory_space<vmem>>, vector<1x256xf32>
      tpu.vector_store %arg12[%swap3A_110, %swap3A_111], %broadcast_in_dim3A_109 {strides = array<i32>} : memref<1x256xf32, #tpu.memory_space<vmem>>, vector<1x256xf32>,
    } else {
    }
    %get3A_103 = arith.constant 0 : index
    %get3A_104 = arith.constant 0 : index
    %get3A_105 = vector.load %arg12[%get3A_103, %get3A_104] : memref<1x256xf32, #tpu.memory_space<vmem>>, vector<1x256xf32>
    %max3A = arith.maximumf %get3A_105, %broadcast_in_dim3A_100 : vector<1x256xf32>
    %swap3A = arith.constant 0 : index
    %swap3A_106 = arith.constant 0 : index
    %swap3A_107 = vector.load %arg12[%swap3A, %swap3A_106] : memref<1x256xf32, #tpu.memory_space<vmem>>, vector<1x256xf32>
    tpu.vector_store %arg12[%swap3A, %swap3A_106], %max3A {strides = array<i32>} : memref<1x256xf32, #tpu.memory_space<vmem>>, vector<1x256xf32>,
    return
  }
  func.func @transform_0(%arg0: i32) -> (i32, i32) {
    %c0_i32 = arith.constant 0 : i32
    %c0_i32_0 = arith.constant 0 : i32
    return %arg0, %c0_i32 : i32, i32
  }
  func.func @transform_1(%arg0: i32) -> (i32, i32) {
    %c0_i32 = arith.constant 0 : i32
    %c0_i32_0 = arith.constant 0 : i32
    return %arg0, %c0_i32 : i32, i32
  }
  func.func @transform_2(%arg0: i32) -> (i32, i32) {
    %c0_i32 = arith.constant 0 : i32
    %c0_i32_0 = arith.constant 0 : i32
    %c0_i32_1 = arith.constant 0 : i32
    return %c0_i32, %c0_i32_0 : i32, i32
  }
  func.func @transform_3(%arg0: i32) -> (i32, i32) {
    %c0_i32 = arith.constant 0 : i32
    %c0_i32_0 = arith.constant 0 : i32
    %c0_i32_1 = arith.constant 0 : i32
    return %c0_i32, %c0_i32_0 : i32, i32
  }
  func.func @transform_4(%arg0: i32) -> (i32, i32) {
    %c0_i32 = arith.constant 0 : i32
    %c0_i32_0 = arith.constant 0 : i32
    %c0_i32_1 = arith.constant 0 : i32
    return %c0_i32, %c0_i32_0 : i32, i32
  }
  func.func @transform_5(%arg0: i32) -> (i32, i32) {
    %c0_i32 = arith.constant 0 : i32
    %c0_i32_0 = arith.constant 0 : i32
    %c0_i32_1 = arith.constant 0 : i32
    return %c0_i32, %c0_i32_0 : i32, i32
  }
  func.func @transform_6(%arg0: i32) -> (i32, i32) {
    %c0_i32 = arith.constant 0 : i32
    %c0_i32_0 = arith.constant 0 : i32
    %c0_i32_1 = arith.constant 0 : i32
    return %c0_i32, %c0_i32_0 : i32, i32
  }
  func.func @transform_7(%arg0: i32) -> (i32, i32) {
    %c0_i32 = arith.constant 0 : i32
    %c0_i32_0 = arith.constant 0 : i32
    %c0_i32_1 = arith.constant 0 : i32
    return %c0_i32, %c0_i32_0 : i32, i32
  }
  func.func @transform_8(%arg0: i32) -> (i32, i32) {
    %c0_i32 = arith.constant 0 : i32
    %c0_i32_0 = arith.constant 0 : i32
    %c0_i32_1 = arith.constant 0 : i32
    return %c0_i32, %c0_i32_0 : i32, i32
  }
  func.func @transform_9(%arg0: i32) -> (i32, i32) {
    %c0_i32 = arith.constant 0 : i32
    %c0_i32_0 = arith.constant 0 : i32
    %c0_i32_1 = arith.constant 0 : i32
    return %c0_i32, %c0_i32_0 : i32, i32
  }
  func.func @transform_10(%arg0: i32) -> (i32, i32) {
    %c0_i32 = arith.constant 0 : i32
    %c0_i32_0 = arith.constant 0 : i32
    %c0_i32_1 = arith.constant 0 : i32
    return %c0_i32, %c0_i32_0 : i32, i32
  }
  func.func @transform_11(%arg0: i32) -> (i32, i32) {
    %c0_i32 = arith.constant 0 : i32
    %c0_i32_0 = arith.constant 0 : i32
    %c0_i32_1 = arith.constant 0 : i32
    return %c0_i32, %c0_i32_0 : i32, i32
  }
}

</mosaic_0001>

<sc_bundles>
// kernel: kernel.13.cloned.1.call-start
scs
__scs_entry_jumppad:
0x0: {  	(pc) =	sbr.rel $0x88, $3  }
0x1: {  	(tag) =	ssettag $0x0;
	lr =	simm.s32 $0x1  }
0x2: {  	[smem:$0x3F94] =	sst lr;
	_ =	strace $0xD0000000  }
0x3: {  	_ = 	snop  }
0x4: {  	_ = 	snop  }
0x5: {  	_ = 	snop  }
0x6: {  	_ = 	snop  }
0x7: {  	_ = 	snop  }
__scs_overlays_trampoline_lowered:
0x8: {  	[smem:$0x3FA3] =	sst s0  }
0x9: {  	[smem:$0x3FA4] =	sst s1  }
0xa: {  	[smem:$0x3FA5] =	sst s2  }
0xb: {  	[smem:$0x3FA6] =	sst s3  }
0xc: {  	[smem:$0x3FA7] =	sst s4  }
0xd: {  	[smem:$0x3FA8] =	sst s5  }
0xe: {  	[smem:$0x3FA9] =	sst s6  }
0xf: {  	[smem:$0x3FAA] =	sst s7  }
0x10: {  	[smem:$0x3FAB] =	sst s8  }
0x11: {  	[smem:$0x3FAC] =	sst s9;
	s0 =	simm.s32 @!p0 $0x0  }
0x12: {  	s1 =	sld [smem:$0x3F92];
	s0 =	simm.s32 @p0 $0x1  }
0x13: {  	[smem:$0x3FAD] =	sst s0;
	s0 =	simm.s32 @!p1 $0x0  }
0x14: {  	s2 =	sld [smem:$0x3F91];
	s0 =	simm.s32 @p1 $0x1  }
0x15: {  	[smem:$0x3FAE] =	sst s0;
	s0 =	simm.s32 @!p2 $0x0  }
0x16: {  	s3 =	sld [smem:$0x3FDB];
	s0 =	simm.s32 @p2 $0x1  }
0x17: {  	s4 =	simm.s32 $0x1BF5;
	[smem:$0x3FB0] =	sst s0  }
0x18: {  	s0 =	sld [smem:$0x3F93];
	_ =	swait.ge [sflag:s4], $0x0  }
0x19: {  	s7 =	sld [smem:$0x3F94]  }
0x1a: {  	s8 =	sadd.s32 $0xFFFFE003, lr  }
0x1b: {  	s9 =	sadd.s32 $0xFFFFFEF7, lr;
	s5 =	simm.s32 $0xFFFFFFFF;
	p2 =	slt.u32 s8, $0xFFFFF086  }
0x1c: {  	p1 =	slt.u32 s9, $0xF7A;
	s5 =	simm.s32 @!p2 $0x0  }
0x1d: {  	s5 =	simm.s32 @p1 $0x1;
	p0 =	seq.s32 s7, s2  }
0x1e: {  	s7 =	smul.u32 @!p0 $0xF7A, s2;
	p2 =	seq.s32 @!p0 s5, $0x0  }
0x1f: {  	s9 =	smul.u32 $0xF7A, s1;
	s8 =	simm.s32 @!p0 $0x1BF5;
	p2 =	por !p2, p0  }
0x20: {  	[sflag:s8] =	ssyncset.s32 @!p0 $0xFFFFF086;
	s6 =	sadd.s32 @!p0 s3, s7;
	s7 =	simm.s32 @!p0 $0x108  }
0x21: {  	s3 =	sadd.s32 s3, s9;
	s6 =	sadd.s32 @!p0 $0x88, s6;
	s7 =	simm.s32 @p2 $0x1082  }
0x22: {  	[simem:s7], [sflag:s8] =	dma.local @!p0 [hbm:s6], $0xF7A  }
0x23: {  	s9 =	sor.u32 $0xD0000000, s2;
	s6 =	simm.s32 $0x108;
	_ =	swait.ge @!p0 [sflag:s8], $0x0  }
0x24: {  	s3 =	sadd.s32 $0x88, s3;
	s6 =	simm.s32 @!p1 $0x1082;
	[sflag:s4] =	ssyncset.s32 $0xFFFFF086  }
0x25: {  	[simem:s6], [sflag:s4] =	dma.local [hbm:s3], $0xF7A  }
0x26: {  	[smem:$0x3F94] =	sst s1;
	(tag) =	ssettag s2;
	_ =	strace s9  }
0x27: {  	s1 =	sld [smem:$0x3FA4]  }
0x28: {  	s2 =	sld [smem:$0x3FA5]  }
0x29: {  	s4 =	sld [smem:$0x3FA7]  }
0x2a: {  	p0 =	seq.s32 s5, $0x0;
	s5 =	sld [smem:$0x3FA8]  }
0x2b: {  	s6 =	sld [smem:$0x3FA9]  }
0x2c: {  	s7 =	sld [smem:$0x3FAA]  }
0x2d: {  	s3 =	simm.s32 $0x108;
	s8 =	sld [smem:$0x3FAB]  }
0x2e: {  	s3 =	simm.s32 @!p0 $0x1082;
	s9 =	sld [smem:$0x3FAC]  }
0x2f: {  	lr =	sadd.s32 s0, s3;
	s0 =	sld [smem:$0x3FA3]  }
0x30: {  	s3 =	sld [smem:$0x3FA6]  }
0x31: {  	[smem:$0x3FAF] =	sst s10  }
0x32: {  	s10 =	sld [smem:$0x3FAD];
	_ =	sdelay $0x3  }
0x33: {  	p0 =	seq.s32 s10, $0x1;
	s10 =	sld [smem:$0x3FAF];
	_ =	sdelay $0x3  }
0x34: {  	[smem:$0x3FAF] =	sst s10  }
0x35: {  	s10 =	sld [smem:$0x3FAE];
	_ =	sdelay $0x3  }
0x36: {  	p1 =	seq.s32 s10, $0x1;
	s10 =	sld [smem:$0x3FAF];
	_ =	sdelay $0x3  }
0x37: {  	[smem:$0x3FAF] =	sst s10  }
0x38: {  	s10 =	sld [smem:$0x3FB0]  }
0x39: {  	_ = 	snop;
	(pc) =	sbr.ind lr, $3  }
0x3a: {  	_ = 	snop  }
0x3b: {  	_ = 	snop  }
0x3c: {  	p2 =	seq.s32 s10, $0x1;
	s10 =	sld [smem:$0x3FAF]  }
0x3d: {  	_ =	shalt  }
0x3e: {  	_ =	shalt  }
0x3f: {  	_ =	shalt  }
0x40: {  	_ =	shalt  }
0x41: {  	_ =	shalt  }
0x42: {  	_ =	shalt  }
0x43: {  	_ =	shalt  }
0x44: {  	_ =	shalt  }
0x45: {  	_ =	shalt  }
0x46: {  	_ =	shalt  }
0x47: {  	_ =	shalt  }
0x48: {  	_ =	shalt  }
0x49: {  	_ =	shalt  }
0x4a: {  	_ =	shalt  }
0x4b: {  	_ =	shalt  }
0x4c: {  	_ =	shalt  }
0x4d: {  	_ =	shalt  }
0x4e: {  	_ =	shalt  }
0x4f: {  	_ =	shalt  }
0x50: {  	_ =	shalt  }
0x51: {  	_ =	shalt  }
0x52: {  	_ =	shalt  }
0x53: {  	_ =	shalt  }
0x54: {  	_ =	shalt  }
0x55: {  	_ =	shalt  }
0x56: {  	_ =	shalt  }
0x57: {  	_ =	shalt  }
0x58: {  	_ =	shalt  }
0x59: {  	_ =	shalt  }
0x5a: {  	_ =	shalt  }
0x5b: {  	_ =	shalt  }
0x5c: {  	_ =	shalt  }
0x5d: {  	_ =	shalt  }
0x5e: {  	_ =	shalt  }
0x5f: {  	_ =	shalt  }
0x60: {  	_ =	shalt  }
0x61: {  	_ =	shalt  }
0x62: {  	_ =	shalt  }
0x63: {  	_ =	shalt  }
0x64: {  	_ =	shalt  }
0x65: {  	_ =	shalt  }
0x66: {  	_ =	shalt  }
0x67: {  	_ =	shalt  }
0x68: {  	_ =	shalt  }
0x69: {  	_ =	shalt  }
0x6a: {  	_ =	shalt  }
0x6b: {  	_ =	shalt  }
0x6c: {  	_ =	shalt  }
0x6d: {  	_ =	shalt  }
0x6e: {  	_ =	shalt  }
0x6f: {  	_ =	shalt  }
0x70: {  	_ =	shalt  }
0x71: {  	_ =	shalt  }
0x72: {  	_ =	shalt  }
0x73: {  	_ =	shalt  }
0x74: {  	_ =	shalt  }
0x75: {  	_ =	shalt  }
0x76: {  	_ =	shalt  }
0x77: {  	_ =	shalt  }
0x78: {  	_ =	shalt  }
0x79: {  	_ =	shalt  }
0x7a: {  	_ =	shalt  }
0x7b: {  	_ =	shalt  }
0x7c: {  	_ =	shalt  }
0x7d: {  	_ =	shalt  }
0x7e: {  	_ =	shalt  }
0x7f: {  	_ =	shalt  }
0x80: {  	_ =	shalt  }
0x81: {  	_ =	shalt  }
0x82: {  	_ =	shalt  }
0x83: {  	_ =	shalt  }
0x84: {  	_ =	shalt  }
0x85: {  	_ =	shalt  }
0x86: {  	_ =	shalt  }
0x87: {  	_ =	shalt  }
.Lfunc_end0:
.L_simem_size_0:
called_computation_lowered:
.L_overlay_start_0:
0x88: {  	s2 =	sld [smem:$0x3FD9]  }
0x89: {  	s3 =	sld [smem:$0x3FFE];
	_ =	sdelay $0x1  }
0x8a: {  	s1 =	srdreg.scid  }
0x8b: {  	s0 =	sand.u32 $0x1, s1  }
0x8c: {  	s16 =	sshll.u32 s0, $0xA;
	s2 =	sadd.s32 s3, s2  }
0x8d: {  	s2 =	sadd.s32 s2, s16  }
0x8e: {  	[smem:$0x3FBB] =	sst s2  }
0x8f: {  	_ = 	snop  }
0x90: {  	(tm) =	ssettm $0x1  }
0x91: {  	s17 =	sld [smem:$0x3FFB];
	_ =	sdelay $0x3  }
0x92: {  	_ =	strace s17  }
0x93: {  	s2 =	sld [smem:$0x3FFC];
	_ =	sdelay $0x3  }
0x94: {  	_ =	strace s2  }
0x95: {  	s2 =	sld [smem:$0x3FFD];
	_ =	sdelay $0x3  }
0x96: {  	_ =	strace s2  }
0x97: {  	_ =	strace $0x8FFFFFFF  }
0x98: {  	s18 =	sld [smem:$0x3FDB];
	_ =	sdelay $0x1  }
0x99: {  	s19 =	simm.s32 $_scs_section_size  }
0x9a: {  	s4 =	simm.s32 $_size__tile_overlayer_lowered;
	s5 =	simm.s32 $_tile_overlayer_lowered  }
0x9b: {  	s22 =	simm.s32 $0x1BFF;
	s21 =	sshll.u32 s5, $0x1;
	s2 =	sadd.s32 s19, s18  }
0x9c: {  	s6 =	simm.s32 $0x0;
	s20 =	sshll.u32 s4, $0x1;
	s4 =	sadd.s32 s21, s2  }
0x9d: {  	[timem:s6], [sflag:s22] =	dma.local [hbm:s4], s20  }
0x9e: {  	_ =	swait.ge [sflag:s22], s20  }
0x9f: {  	s3 =	ssub.s32 $0x0, s20;
	[sflag:s22] =	ssyncset.done $0x0  }
0xa0: {  	[sflag:s22] =	ssyncadd.s32 s3;
	_ =	sdelay $0x1  }
0xa1: {  	s23 =	simm.s32 $0x1B8B  }
0xa2: {  	_ =	swait.ge [sflag:s23], $0x1  }
0xa3: {  	[sflag:s23] =	ssyncset.done $0x0  }
0xa4: {  	s25 =	simm.s32 $0x1B8E;
	s24 =	sld [smem:$0x3FFE];
	[sflag:s23] =	ssyncadd.s32 $0xFFFFFFFF  }
0xa5: {  	s26 =	simm.s32 $execute0_lowered;
	[smem:$0x3FD2] =	sst s25  }
0xa6: {  	s4 =	sshll.u32 s26, $0x1;
	_ =	strace $0x80000046;
	[dreg:$0x1] =	wrdreg $0xFFFFFFFF  }
0xa7: {  	s28 =	simm.s32 $_size_execute0_lowered;
	s2 =	sadd.s32 s2, s4;
	[dreg:$0x0] =	wrdreg $0x0  }
0xa8: {  	s4 =	sshll.u32 s28, $0x1;
	[dreg:$0x2] =	wrdreg s2  }
0xa9: {  	[dreg:$0x3] =	wrdreg s4  }
0xaa: {  	[dreg:$0x4] =	wrdreg $0xC0  }
0xab: {  	_ =	task [dreg:s6], $0x5FFFF  }
0xac: {  	[dreg:$0x1] =	wrdreg $0xFFFFFFFF  }
0xad: {  	[dreg:$0x0] =	wrdreg $0x60  }
0xae: {  	[dreg:$0x2] =	wrdreg s24  }
0xaf: {  	[dreg:$0x3] =	wrdreg $0x9  }
0xb0: {  	_ =	task.clear_ibuf [dreg:s6], $0x4FFFF;
	_ =	strace $0x90000046  }
0xb1: {  	s29 =	simm.s32 $0x9;
	_ =	strace $0x8000004F  }
0xb2: {  	_ =	swait.ge [sflag:s29], $0x1  }
0xb3: {  	[sflag:s29] =	ssyncadd.s32 $0xFFFFFFFF  }
0xb4: {  	_ =	strace $0x9000004F  }
0xb5: {  	_ =	sfence  }
0xb6: {  	s30 =	sld [smem:$0x0];
	_ =	sdelay $0x2  }
0xb7: {  	s31 =	sshll.u32 s1, $0xD;
	s1 =	sshrl.u32 s1, $0x2  }
0xb8: {  	s3 =	sand.u32 $0x4000, s31;
	s1 =	sadd.s32 s1, s30  }
0xb9: {  	s0 =	sor.u32 s3, s0;
	s1 =	sshll.u32 s1, $0x11  }
0xba: {  	s0 =	sor.u32 s1, s0  }
0xbb: {  	s0 =	sadd.s32 $0x8F2B, s0  }
0xbc: {  	[sflag:s0] =	ssyncadd.remote.s32 $0x1  }
0xbd: {  	_ =	sfence.sel $0xFFFF  }
0xbe: {  	[dreg:$0x0] =	wrdreg $0xFFFFFFFF;
	(pc) =	sbr.abs _section_cstart, $3  }
0xbf: {  	[dreg:$0x1] =	wrdreg $0xFFFFFFFF  }
0xc0: {  	_ =	task.clear_ibuf [dreg:s6], $0x2FFFF;
	_ =	strace $0x9FFFFFFF  }
0xc1: {  	(tm) =	ssettm $0x7FFFFFFF  }
tec
execute0_lowered:
.L_overlay_start_1:
0x0: {  	(tag) =	ssettag $0x1  }
0x1: {  	s3 =	rddreg [dreg:$0x0]  }
0x2: {  	s0 =	rddreg [dreg:$0x1]  }
0x3: {  	s1 =	simm.s32 $0x0;
	s2 =	srdreg.scid;
	s8 =	simm.s32 $0x80  }
0x4: {  	s9 =	simm.s32 $0x4;
	s10 =	simm.s32 $0x0;
	[smem:$0x7FF] =	sst s1  }
0x5: {  	s4 =	sadd.s32 $0x7800, s3;
	s5 =	sand.u32 $0x1, s2;
	s2 =	stileid.u32  }
0x6: {  	s31 =	sadd.s32 $0x2F800, s3;
	s3 =	sadd.s32 $0x2800, s3;
	_ =	strace $0x80000047  }
0x7: {  	[dreg:$0x2] =	wrdreg s4;
	s30 =	ssub.s32 $0x2, s5;
	s7 =	smul.u32 $0x500, s2  }
0x8: {  	[dreg:$0x4] =	wrdreg s31;
	s4 =	smul.u32 $0x50, s2;
	s6 =	sshrl.u32 s30, $0x1  }
0x9: {  	[dreg:$0x3] =	wrdreg s8;
	s8 =	simm.s32 $0x5;
	s6 =	ssub.s32 s30, s6  }
0xa: {  	s5 =	sadd.s32 s3, s7;
	s7 =	simm.s32 $0x1;
	s6 =	smax.u32 s6, $0x1  }
.LBB2_1:
0xb: {  	_ =	strace $0x80000048;
	s11 =	simm.s32 $0x1;
	p0 =	por $0x0, $0x0  }
0xc: {  	[tilespmem:s1], [sflag:$0x1] =	stream.linear.gather [hbm4b:s5+s1], $0x80, $0x200038;
	[tilespmem:$0x8100] =	vst v63  }
0xd: {  	s11 =	simm.s32 @p0 $0x0  }
0xe: {  	p4 =	por $0x1, $0x1;
	s20 =	sand.u32 $0x1, s1;
	p1 =	sne.s32 s11, $0x0  }
0xf: {  	p2 =	por $0x1, $0x1;
	s18 =	simm.s32 $0x4E;
	p0 =	por !p4, !p1  }
0x10: {  	s16 =	simm.s32 $0x0;
	p5 =	por $0x0, $0x0;
	p0 =	por !p0, !p0  }
0x11: {  	s23 =	sadd.s32 $0x0, s4;
	s30 =	sadd.s32 $0x1, s20;
	s12 =	sadd.s32 @p0 s4, s11  }
0x12: {  	_ =	strace $0x90000048;
	s13 =	sand.u32 @p0 $0x1, s7;
	s12 =	sshll.u32 @p0 s12, $0x4  }
0x13: {  	_ =	strace @p0 $0x80000049;
	s15 =	simm.s32 @p0 $0x0;
	s12 =	sand.u32 @p0 $0x1FFFFFF0, s12  }
0x14: {  	s14 =	sshll.u32 @p0 s13, $0x7;
	s13 =	sadd.s32 @p0 $0x1, s13;
	s12 =	sadd.s32 @p0 s3, s12  }
0x15: {  	[tilespmem:s14], [sflag:s13] =	stream.linear.gather @p0 [hbm4b:s12+s15], $0x80, $0x200038;
	[tilespmem:$0x8100] =	vst v63  }
0x16: {  	p3 =	por p2, p2;
	s21 =	sshll.u32 s20, $0xE;
	_ =	strace @p0 $0x90000049  }
0x17: {  	s16 =	sand.u32 $0x80, s16;
	p2 =	por p5, p5;
	_ =	strace $0x8000004A  }
0x18: {  	s17 =	sadd.s32 $0x1, s11;
	s22 =	sor.u32 $0x100, s21;
	_ =	swait.ge [sflag:s30], $0x80  }
0x19: {  	s21 =	simm.s32 $0x1;
	p6 =	por p1, p1;
	[sflag:s30] =	ssyncset.done $0x0  }
0x1a: {  	p1 =	por p3, p3;
	p4 =	por $0x1, $0x1;
	[sflag:s30] =	ssyncadd.s32 $0xFFFFFF80  }
0x1b: {  	s12 =	simm.s32 $0x4F;
	s15 =	sand.u32 @!p3 $0x1, s1;
	_ =	strace $0x9000004A  }
0x1c: {  	s13 =	simm.s32 $0x1;
	p3 =	seq.s32 s17, $0x50;
	_ =	strace $0x8000004B  }
0x1d: {  	s13 =	simm.s32 @!p0 $0x0;
	s17 =	simm.s32 @p3 $0x0;
	s19 =	rddreg [dreg:$0x3]  }
0x1e: {  	p0 =	por $0x0, $0x0;
	s14 =	sadd.s32 $0x1, s13;
	s31 =	rddreg [dreg:$0x2]  }
0x1f: {  	[tilespmem:s22], [sflag:$0x5] =	stream.indirect.gather [hbm4b:s31+s19], $0x80, s16, s19, $0x2000b8;
	[tilespmem:$0x8100] =	vst v63  }
0x20: {  	p3 =	sne.s32 s11, s17;
	s21 =	simm.s32 @!p0 $0x0;
	_ =	swait.ge [sflag:s8], $0x4000  }
0x21: {  	p5 =	por !p4, !p3;
	p4 =	por $0x0, $0x0;
	[sflag:s8] =	ssyncset.done $0x0  }
0x22: {  	s13 =	simm.s32 $0x0;
	p6 =	por p4, p6;
	[sflag:s8] =	ssyncadd.s32 $0xFFFFC000  }
0x23: {  	s16 =	simm.s32 $0x0;
	s19 =	simm.s32 $0x0;
	_ =	strace $0x9000004B  }
.LBB2_2:
0x24: {  	_ =	strace @p6 $0x8000004C;
	s13 =	sadd.s32 s21, s13;
	s21 =	smov.u32 s12  }
0x25: {  	s12 =	smov.u32 s18;
	s18 =	sadd.s32 $0xFFFFFFFF, s18;
	p0 =	por p3, p3  }
0x26: {  	s28 =	sshll.u32 @p6 s23, $0xB;
	s20 =	sadd.s32 @p6 $0x3, s20;
	s24 =	simm.s32 @!p0 $0x0  }
0x27: {  	s25 =	rddreg [dreg:$0x4];
	s28 =	sand.u32 @p6 $0x1FFFF800, s28;
	s24 =	simm.s32 @p0 $0x1  }
0x28: {  	s25 =	sadd.s32 @p6 s25, s28;
	s28 =	simm.s32 @p6 $0x0;
	p0 =	sne.s32 s18, $0x0  }
0x29: {  	[hbm4b:s25+s28] =	stream.linear.scatter @p6 [tilespmem:s22], [sflag:s20], $0x4000, $0x200038;
	[tilespmem:$0x8100] =	vst v63  }
0x2a: {  	s20 =	sadd.s32 @!p1 $0x3, s15;
	s15 =	simm.s32 @!p0 $0x0  }
0x2b: {  	s26 =	simm.s32 $0x1;
	[smem:$0x7FC] =	sst s24;
	s15 =	simm.s32 @p0 $0x1  }
0x2c: {  	s26 =	simm.s32 @!p6 $0x0;
	_ =	strace @p6 $0x9000004C;
	[smem:$0x7FD] =	sst s15  }
0x2d: {  	p5 =	por !p5, !p5;
	s19 =	sadd.s32 s26, s19;
	_ =	strace @!p1 $0x8000004D  }
0x2e: {  	s24 =	sand.u32 @!p2 $0x1, s13;
	s22 =	sand.u32 @p5 $0x1, s14;
	_ =	swait.ge @!p1 [sflag:s20], $0x4000  }
0x2f: {  	s15 =	smov.u32 s24;
	s24 =	sadd.s32 @p5 s4, s17;
	[sflag:s20] =	ssyncset.done @!p1 $0x0  }
0x30: {  	s25 =	sshll.u32 @p5 s22, $0x7;
	s24 =	sshll.u32 @p5 s24, $0x4;
	[sflag:s20] =	ssyncadd.s32 @!p1 $0xFFFFC000  }
0x31: {  	s20 =	sadd.s32 @p5 $0x1, s22;
	s22 =	sand.u32 @p5 $0x1FFFFFF0, s24;
	_ =	strace @!p1 $0x9000004D  }
0x32: {  	s24 =	simm.s32 @p5 $0x0;
	s22 =	sadd.s32 @p5 s3, s22;
	_ =	strace @p5 $0x80000049  }
0x33: {  	[tilespmem:s25], [sflag:s20] =	stream.linear.gather @p5 [hbm4b:s22+s24], $0x80, $0x200038;
	[tilespmem:$0x8100] =	vst v63  }
0x34: {  	s16 =	sadd.s32 s26, s16;
	s26 =	sand.u32 $0x1, s19;
	_ =	strace @p5 $0x90000049  }
0x35: {  	s24 =	sadd.s32 $0x1, s26;
	_ =	strace $0x8000004A  }
0x36: {  	_ =	swait.ge [sflag:s24], $0x80  }
0x37: {  	[sflag:s24] =	ssyncset.done $0x0  }
0x38: {  	s20 =	simm.s32 $0x1;
	[sflag:s24] =	ssyncadd.s32 $0xFFFFFF80  }
0x39: {  	s20 =	simm.s32 @!p5 $0x0;
	_ =	strace $0x9000004A  }
0x3a: {  	s14 =	sadd.s32 s20, s14;
	s20 =	sand.u32 $0x1, s16;
	_ =	strace $0x8000004B  }
0x3b: {  	s29 =	sshll.u32 s19, $0x7;
	s25 =	sshll.u32 s20, $0xE;
	s26 =	rddreg [dreg:$0x3]  }
0x3c: {  	s29 =	sand.u32 $0x80, s29;
	s22 =	sor.u32 $0x100, s25;
	s30 =	rddreg [dreg:$0x2]  }
0x3d: {  	[tilespmem:s22], [sflag:$0x5] =	stream.indirect.gather [hbm4b:s30+s26], $0x80, s29, s26, $0x2000b8;
	[tilespmem:$0x8100] =	vst v63  }
0x3e: {  	_ =	swait.ge [sflag:s8], $0x4000  }
0x3f: {  	s31 =	sadd.s32 $0x1, s17;
	[sflag:s8] =	ssyncset.done $0x0  }
0x40: {  	s23 =	sadd.s32 s4, s11;
	s11 =	smov.u32 s17;
	[sflag:s8] =	ssyncadd.s32 $0xFFFFC000  }
0x41: {  	p3 =	seq.s32 s31, $0x50;
	s17 =	smov.u32 s31;
	_ =	strace $0x9000004B  }
0x42: {  	s17 =	simm.s32 @p3 $0x0;
	s31 =	sld [smem:$0x7FD]  }
0x43: {  	p6 =	sne.s32 s12, $0x1;
	p0 =	sne.s32 s21, $0x50;
	p3 =	sne.s32 s11, s17  }
0x44: {  	p5 =	por !p6, !p3;
	p6 =	seq.s32 s21, $0x1;
	s21 =	simm.s32 $0x1  }
0x45: {  	s21 =	simm.s32 @!p0 $0x0;
	p0 =	seq.s32 s31, $0x1  }
.Ltmp0:
0x46: {  	s30 =	sld [smem:$0x7FC];
	(pc) =	sbr.rel @p0 .LBB2_2-.Ltmp0, $4  }
0x47: {  	_ = 	snop  }
0x48: {  	p4 =	seq.s32 s12, $0x50  }
0x49: {  	p1 =	por p2, p2;
	p2 =	por p4, p4;
	p4 =	seq.s32 s30, $0x1  }
0x4a: {  	p6 =	por p6, p4  }
0x4b: {  	_ =	strace @p6 $0x8000004C;
	s23 =	sshll.u32 @p6 s23, $0xB  }
0x4c: {  	s18 =	rddreg [dreg:$0x4];
	s23 =	sand.u32 @p6 $0x1FFFF800, s23  }
0x4d: {  	s20 =	sadd.s32 @p6 $0x3, s20;
	s18 =	sadd.s32 @p6 s18, s23;
	s23 =	simm.s32 @p6 $0x0  }
0x4e: {  	[hbm4b:s18+s23] =	stream.linear.scatter @p6 [tilespmem:s22], [sflag:s20], $0x4000, $0x200038;
	[tilespmem:$0x8100] =	vst v63  }
0x4f: {  	p0 =	por !p5, !p5;
	_ =	strace @p6 $0x9000004C  }
0x50: {  	s15 =	sadd.s32 @!p1 $0x3, s15;
	s17 =	sadd.s32 @p0 s4, s17;
	_ =	strace @!p1 $0x8000004D  }
0x51: {  	s14 =	sand.u32 @p0 $0x1, s14;
	s17 =	sshll.u32 @p0 s17, $0x4;
	_ =	swait.ge @!p1 [sflag:s15], $0x4000  }
0x52: {  	s18 =	simm.s32 $0x1;
	s20 =	sshll.u32 @p0 s14, $0x7;
	[sflag:s15] =	ssyncset.done @!p1 $0x0  }
0x53: {  	s14 =	sadd.s32 @p0 $0x1, s14;
	s18 =	simm.s32 @!p6 $0x0;
	[sflag:s15] =	ssyncadd.s32 @!p1 $0xFFFFC000  }
0x54: {  	s19 =	sadd.s32 s18, s19;
	s15 =	sand.u32 @p0 $0x1FFFFFF0, s17;
	_ =	strace @!p1 $0x9000004D  }
0x55: {  	s17 =	simm.s32 @p0 $0x0;
	s15 =	sadd.s32 @p0 s3, s15;
	_ =	strace @p0 $0x80000049  }
0x56: {  	[tilespmem:s20], [sflag:s14] =	stream.linear.gather @p0 [hbm4b:s15+s17], $0x80, $0x200038;
	[tilespmem:$0x8100] =	vst v63  }
0x57: {  	s25 =	sand.u32 $0x1, s19;
	_ =	strace @p0 $0x90000049  }
0x58: {  	s14 =	sadd.s32 $0x1, s25;
	_ =	strace $0x8000004A  }
0x59: {  	_ =	swait.ge [sflag:s14], $0x80  }
0x5a: {  	[sflag:s14] =	ssyncset.done $0x0  }
0x5b: {  	[sflag:s14] =	ssyncadd.s32 $0xFFFFFF80  }
0x5c: {  	s26 =	sadd.s32 s18, s16;
	_ =	strace $0x9000004A  }
0x5d: {  	s14 =	sand.u32 $0x1, s26;
	_ =	strace $0x8000004B  }
0x5e: {  	s30 =	sshll.u32 s19, $0x7;
	s31 =	sshll.u32 s14, $0xE;
	s28 =	rddreg [dreg:$0x3]  }
0x5f: {  	s17 =	sand.u32 $0x80, s30;
	s18 =	sor.u32 $0x100, s31;
	s29 =	rddreg [dreg:$0x2]  }
0x60: {  	[tilespmem:s18], [sflag:$0x5] =	stream.indirect.gather [hbm4b:s29+s28], $0x80, s17, s28, $0x2000b8;
	[tilespmem:$0x8100] =	vst v63  }
0x61: {  	_ =	swait.ge [sflag:s8], $0x4000  }
0x62: {  	[sflag:s8] =	ssyncset.done $0x0  }
0x63: {  	p5 =	por p3, p3;
	p6 =	seq.s32 s12, $0x1;
	[sflag:s8] =	ssyncadd.s32 $0xFFFFC000  }
0x64: {  	s11 =	sadd.s32 s4, s11;
	p0 =	por p6, p5;
	_ =	strace $0x9000004B  }
0x65: {  	s11 =	sshll.u32 @p0 s11, $0xB;
	_ =	strace @p0 $0x8000004C  }
0x66: {  	s13 =	sadd.s32 s21, s13;
	s11 =	sand.u32 @p0 $0x1FFFF800, s11;
	s12 =	rddreg [dreg:$0x4]  }
0x67: {  	s14 =	sadd.s32 @p0 $0x3, s14;
	s11 =	sadd.s32 @p0 s12, s11;
	s12 =	simm.s32 @p0 $0x0  }
0x68: {  	[hbm4b:s11+s12] =	stream.linear.scatter @p0 [tilespmem:s18], [sflag:s14], $0x4000, $0x200038;
	[tilespmem:$0x8100] =	vst v63  }
0x69: {  	p1 =	por p2, p2;
	s11 =	sand.u32 @!p2 $0x1, s13;
	_ =	strace @p0 $0x9000004C  }
0x6a: {  	s11 =	sadd.s32 @!p1 $0x3, s11;
	_ =	strace @!p1 $0x8000004D  }
0x6b: {  	_ =	swait.ge @!p1 [sflag:s11], $0x4000  }
0x6c: {  	[sflag:s11] =	ssyncset.done @!p1 $0x0  }
0x6d: {  	s10 =	sadd.s32 $0x1, s10;
	[sflag:s11] =	ssyncadd.s32 @!p1 $0xFFFFC000  }
0x6e: {  	p0 =	sne.s32 s10, s6;
	_ =	strace @!p1 $0x9000004D  }
.Ltmp1:
0x6f: {  	_ =	strace $0x8000004E;
	(pc) =	sbr.rel @p0 .LBB2_1-.Ltmp1, $4  }
0x70: {  	_ =	swait.ge [sflag:s9], $0x4000  }
0x71: {  	[sflag:s9] =	ssyncset.done $0x0  }
0x72: {  	[sflag:s9] =	ssyncadd.s32 $0xFFFFC000  }
0x73: {  	_ =	strace $0x9000004E  }
0x74: {  	_ =	sfence.sel $0x180000  }
0x75: {  	[bflag:$0x0] =	sbarrier.arrive $0xFFFF  }
0x76: {  	p0 =	sne.s32 s2, $0x0;
	_ =	strace $0x90000047  }
0x77: {  	s0 =	sadd.s32 @!p0 $0x100000, s0;
	[bflag:$0x2] =	sbarrier.arrive $0xFFFF  }
0x78: {  	[sflag:s0] =	ssyncadd.tile.s32 @!p0 $0x1;
	_ =	shalt  }
.Lfunc_end2:
_tile_overlayer_lowered:
.L_overlay_start_2:
0x79: {  	(tag) =	ssettag $0x2  }
0x7a: {  	s0 =	rddreg [dreg:$0x0];
	s2 =	stileid.u32  }
0x7b: {  	s1 =	rddreg [dreg:$0x1];
	p0 =	sne.s32 s2, $0x0  }
0x7c: {  	s3 =	rddreg [dreg:$0x2];
	[bflag:$0x3] =	sbarrier.arrive $0xFFFF;
	s2 =	simm.s32 @!p0 $0x1C01  }
0x7d: {  	[timem:s3], [sflag:s2] =	dma.local @!p0 [hbm:s0], s1  }
0x7e: {  	s0 =	simm.s32 @!p0 $0x1  }
0x7f: {  	_ =	swait.ge @!p0 [sflag:s0], s1  }
0x80: {  	s1 =	ssub.s32 @!p0 $0x0, s1;
	[sflag:s0] =	ssyncset.done @!p0 $0x0  }
0x81: {  	[sflag:s0] =	ssyncadd.s32 @!p0 s1  }
0x82: {  	[bflag:$0x3] =	sbarrier.arrive $0xFFFF  }
0x83: {  	_ =	shalt  }

// kernel: kernel.16.cloned.1.call-start
scs
__scs_entry_jumppad:
0x0: {  	(pc) =	sbr.rel $0x88, $3  }
0x1: {  	(tag) =	ssettag $0x0;
	lr =	simm.s32 $0x1  }
0x2: {  	[smem:$0x3F94] =	sst lr;
	_ =	strace $0xD0000000  }
0x3: {  	_ = 	snop  }
0x4: {  	_ = 	snop  }
0x5: {  	_ = 	snop  }
0x6: {  	_ = 	snop  }
0x7: {  	_ = 	snop  }
__scs_overlays_trampoline_lowered:
0x8: {  	[smem:$0x3FA3] =	sst s0  }
0x9: {  	[smem:$0x3FA4] =	sst s1  }
0xa: {  	[smem:$0x3FA5] =	sst s2  }
0xb: {  	[smem:$0x3FA6] =	sst s3  }
0xc: {  	[smem:$0x3FA7] =	sst s4  }
0xd: {  	[smem:$0x3FA8] =	sst s5  }
0xe: {  	[smem:$0x3FA9] =	sst s6  }
0xf: {  	[smem:$0x3FAA] =	sst s7  }
0x10: {  	[smem:$0x3FAB] =	sst s8  }
0x11: {  	[smem:$0x3FAC] =	sst s9;
	s0 =	simm.s32 @!p0 $0x0  }
0x12: {  	s1 =	sld [smem:$0x3F92];
	s0 =	simm.s32 @p0 $0x1  }
0x13: {  	[smem:$0x3FAD] =	sst s0;
	s0 =	simm.s32 @!p1 $0x0  }
0x14: {  	s2 =	sld [smem:$0x3F91];
	s0 =	simm.s32 @p1 $0x1  }
0x15: {  	[smem:$0x3FAE] =	sst s0;
	s0 =	simm.s32 @!p2 $0x0  }
0x16: {  	s3 =	sld [smem:$0x3FDB];
	s0 =	simm.s32 @p2 $0x1  }
0x17: {  	s4 =	simm.s32 $0x1BF5;
	[smem:$0x3FB0] =	sst s0  }
0x18: {  	s0 =	sld [smem:$0x3F93];
	_ =	swait.ge [sflag:s4], $0x0  }
0x19: {  	s7 =	sld [smem:$0x3F94]  }
0x1a: {  	s8 =	sadd.s32 $0xFFFFE003, lr  }
0x1b: {  	s9 =	sadd.s32 $0xFFFFFEF7, lr;
	s5 =	simm.s32 $0xFFFFFFFF;
	p2 =	slt.u32 s8, $0xFFFFF086  }
0x1c: {  	p1 =	slt.u32 s9, $0xF7A;
	s5 =	simm.s32 @!p2 $0x0  }
0x1d: {  	s5 =	simm.s32 @p1 $0x1;
	p0 =	seq.s32 s7, s2  }
0x1e: {  	s7 =	smul.u32 @!p0 $0xF7A, s2;
	p2 =	seq.s32 @!p0 s5, $0x0  }
0x1f: {  	s9 =	smul.u32 $0xF7A, s1;
	s8 =	simm.s32 @!p0 $0x1BF5;
	p2 =	por !p2, p0  }
0x20: {  	[sflag:s8] =	ssyncset.s32 @!p0 $0xFFFFF086;
	s6 =	sadd.s32 @!p0 s3, s7;
	s7 =	simm.s32 @!p0 $0x108  }
0x21: {  	s3 =	sadd.s32 s3, s9;
	s6 =	sadd.s32 @!p0 $0x88, s6;
	s7 =	simm.s32 @p2 $0x1082  }
0x22: {  	[simem:s7], [sflag:s8] =	dma.local @!p0 [hbm:s6], $0xF7A  }
0x23: {  	s9 =	sor.u32 $0xD0000000, s2;
	s6 =	simm.s32 $0x108;
	_ =	swait.ge @!p0 [sflag:s8], $0x0  }
0x24: {  	s3 =	sadd.s32 $0x88, s3;
	s6 =	simm.s32 @!p1 $0x1082;
	[sflag:s4] =	ssyncset.s32 $0xFFFFF086  }
0x25: {  	[simem:s6], [sflag:s4] =	dma.local [hbm:s3], $0xF7A  }
0x26: {  	[smem:$0x3F94] =	sst s1;
	(tag) =	ssettag s2;
	_ =	strace s9  }
0x27: {  	s1 =	sld [smem:$0x3FA4]  }
0x28: {  	s2 =	sld [smem:$0x3FA5]  }
0x29: {  	s4 =	sld [smem:$0x3FA7]  }
0x2a: {  	p0 =	seq.s32 s5, $0x0;
	s5 =	sld [smem:$0x3FA8]  }
0x2b: {  	s6 =	sld [smem:$0x3FA9]  }
0x2c: {  	s7 =	sld [smem:$0x3FAA]  }
0x2d: {  	s3 =	simm.s32 $0x108;
	s8 =	sld [smem:$0x3FAB]  }
0x2e: {  	s3 =	simm.s32 @!p0 $0x1082;
	s9 =	sld [smem:$0x3FAC]  }
0x2f: {  	lr =	sadd.s32 s0, s3;
	s0 =	sld [smem:$0x3FA3]  }
0x30: {  	s3 =	sld [smem:$0x3FA6]  }
0x31: {  	[smem:$0x3FAF] =	sst s10  }
0x32: {  	s10 =	sld [smem:$0x3FAD];
	_ =	sdelay $0x3  }
0x33: {  	p0 =	seq.s32 s10, $0x1;
	s10 =	sld [smem:$0x3FAF];
	_ =	sdelay $0x3  }
0x34: {  	[smem:$0x3FAF] =	sst s10  }
0x35: {  	s10 =	sld [smem:$0x3FAE];
	_ =	sdelay $0x3  }
0x36: {  	p1 =	seq.s32 s10, $0x1;
	s10 =	sld [smem:$0x3FAF];
	_ =	sdelay $0x3  }
0x37: {  	[smem:$0x3FAF] =	sst s10  }
0x38: {  	s10 =	sld [smem:$0x3FB0]  }
0x39: {  	_ = 	snop;
	(pc) =	sbr.ind lr, $3  }
0x3a: {  	_ = 	snop  }
0x3b: {  	_ = 	snop  }
0x3c: {  	p2 =	seq.s32 s10, $0x1;
	s10 =	sld [smem:$0x3FAF]  }
0x3d: {  	_ =	shalt  }
0x3e: {  	_ =	shalt  }
0x3f: {  	_ =	shalt  }
0x40: {  	_ =	shalt  }
0x41: {  	_ =	shalt  }
0x42: {  	_ =	shalt  }
0x43: {  	_ =	shalt  }
0x44: {  	_ =	shalt  }
0x45: {  	_ =	shalt  }
0x46: {  	_ =	shalt  }
0x47: {  	_ =	shalt  }
0x48: {  	_ =	shalt  }
0x49: {  	_ =	shalt  }
0x4a: {  	_ =	shalt  }
0x4b: {  	_ =	shalt  }
0x4c: {  	_ =	shalt  }
0x4d: {  	_ =	shalt  }
0x4e: {  	_ =	shalt  }
0x4f: {  	_ =	shalt  }
0x50: {  	_ =	shalt  }
0x51: {  	_ =	shalt  }
0x52: {  	_ =	shalt  }
0x53: {  	_ =	shalt  }
0x54: {  	_ =	shalt  }
0x55: {  	_ =	shalt  }
0x56: {  	_ =	shalt  }
0x57: {  	_ =	shalt  }
0x58: {  	_ =	shalt  }
0x59: {  	_ =	shalt  }
0x5a: {  	_ =	shalt  }
0x5b: {  	_ =	shalt  }
0x5c: {  	_ =	shalt  }
0x5d: {  	_ =	shalt  }
0x5e: {  	_ =	shalt  }
0x5f: {  	_ =	shalt  }
0x60: {  	_ =	shalt  }
0x61: {  	_ =	shalt  }
0x62: {  	_ =	shalt  }
0x63: {  	_ =	shalt  }
0x64: {  	_ =	shalt  }
0x65: {  	_ =	shalt  }
0x66: {  	_ =	shalt  }
0x67: {  	_ =	shalt  }
0x68: {  	_ =	shalt  }
0x69: {  	_ =	shalt  }
0x6a: {  	_ =	shalt  }
0x6b: {  	_ =	shalt  }
0x6c: {  	_ =	shalt  }
0x6d: {  	_ =	shalt  }
0x6e: {  	_ =	shalt  }
0x6f: {  	_ =	shalt  }
0x70: {  	_ =	shalt  }
0x71: {  	_ =	shalt  }
0x72: {  	_ =	shalt  }
0x73: {  	_ =	shalt  }
0x74: {  	_ =	shalt  }
0x75: {  	_ =	shalt  }
0x76: {  	_ =	shalt  }
0x77: {  	_ =	shalt  }
0x78: {  	_ =	shalt  }
0x79: {  	_ =	shalt  }
0x7a: {  	_ =	shalt  }
0x7b: {  	_ =	shalt  }
0x7c: {  	_ =	shalt  }
0x7d: {  	_ =	shalt  }
0x7e: {  	_ =	shalt  }
0x7f: {  	_ =	shalt  }
0x80: {  	_ =	shalt  }
0x81: {  	_ =	shalt  }
0x82: {  	_ =	shalt  }
0x83: {  	_ =	shalt  }
0x84: {  	_ =	shalt  }
0x85: {  	_ =	shalt  }
0x86: {  	_ =	shalt  }
0x87: {  	_ =	shalt  }
.Lfunc_end0:
.L_simem_size_0:
called_computation.1_lowered:
.L_overlay_start_0:
0x88: {  	s2 =	sld [smem:$0x3FD9]  }
0x89: {  	s3 =	sld [smem:$0x3FFE];
	_ =	sdelay $0x1  }
0x8a: {  	s1 =	srdreg.scid  }
0x8b: {  	s0 =	sand.u32 $0x1, s1  }
0x8c: {  	s16 =	sshll.u32 s0, $0xA;
	s2 =	sadd.s32 s3, s2  }
0x8d: {  	s2 =	sadd.s32 s2, s16  }
0x8e: {  	[smem:$0x3FBB] =	sst s2  }
0x8f: {  	_ = 	snop  }
0x90: {  	(tm) =	ssettm $0x1  }
0x91: {  	s17 =	sld [smem:$0x3FFB];
	_ =	sdelay $0x3  }
0x92: {  	_ =	strace s17  }
0x93: {  	s2 =	sld [smem:$0x3FFC];
	_ =	sdelay $0x3  }
0x94: {  	_ =	strace s2  }
0x95: {  	s2 =	sld [smem:$0x3FFD];
	_ =	sdelay $0x3  }
0x96: {  	_ =	strace s2  }
0x97: {  	_ =	strace $0x8FFFFFFF  }
0x98: {  	s18 =	sld [smem:$0x3FDB];
	_ =	sdelay $0x1  }
0x99: {  	s19 =	simm.s32 $_scs_section_size  }
0x9a: {  	s4 =	simm.s32 $_size__tile_overlayer_lowered;
	s5 =	simm.s32 $_tile_overlayer_lowered  }
0x9b: {  	s22 =	simm.s32 $0x1BFF;
	s21 =	sshll.u32 s5, $0x1;
	s2 =	sadd.s32 s19, s18  }
0x9c: {  	s6 =	simm.s32 $0x0;
	s20 =	sshll.u32 s4, $0x1;
	s4 =	sadd.s32 s21, s2  }
0x9d: {  	[timem:s6], [sflag:s22] =	dma.local [hbm:s4], s20  }
0x9e: {  	_ =	swait.ge [sflag:s22], s20  }
0x9f: {  	s3 =	ssub.s32 $0x0, s20;
	[sflag:s22] =	ssyncset.done $0x0  }
0xa0: {  	[sflag:s22] =	ssyncadd.s32 s3;
	_ =	sdelay $0x1  }
0xa1: {  	s23 =	simm.s32 $0x1B8B  }
0xa2: {  	_ =	swait.ge [sflag:s23], $0x1  }
0xa3: {  	[sflag:s23] =	ssyncset.done $0x0  }
0xa4: {  	s25 =	simm.s32 $0x1B8E;
	s24 =	sld [smem:$0x3FFE];
	[sflag:s23] =	ssyncadd.s32 $0xFFFFFFFF  }
0xa5: {  	s26 =	simm.s32 $execute0_lowered;
	[smem:$0x3FD2] =	sst s25  }
0xa6: {  	s4 =	sshll.u32 s26, $0x1;
	_ =	strace $0x80000050;
	[dreg:$0x1] =	wrdreg $0xFFFFFFFF  }
0xa7: {  	s28 =	simm.s32 $_size_execute0_lowered;
	s2 =	sadd.s32 s2, s4;
	[dreg:$0x0] =	wrdreg $0x0  }
0xa8: {  	s4 =	sshll.u32 s28, $0x1;
	[dreg:$0x2] =	wrdreg s2  }
0xa9: {  	[dreg:$0x3] =	wrdreg s4  }
0xaa: {  	[dreg:$0x4] =	wrdreg $0xC0  }
0xab: {  	_ =	task [dreg:s6], $0x5FFFF  }
0xac: {  	[dreg:$0x1] =	wrdreg $0xFFFFFFFF  }
0xad: {  	[dreg:$0x0] =	wrdreg $0x60  }
0xae: {  	[dreg:$0x2] =	wrdreg s24  }
0xaf: {  	[dreg:$0x3] =	wrdreg $0x9  }
0xb0: {  	_ =	task.clear_ibuf [dreg:s6], $0x4FFFF;
	_ =	strace $0x90000050  }
0xb1: {  	s29 =	simm.s32 $0x9;
	_ =	strace $0x80000059  }
0xb2: {  	_ =	swait.ge [sflag:s29], $0x1  }
0xb3: {  	[sflag:s29] =	ssyncadd.s32 $0xFFFFFFFF  }
0xb4: {  	_ =	strace $0x90000059  }
0xb5: {  	_ =	sfence  }
0xb6: {  	s30 =	sld [smem:$0x0];
	_ =	sdelay $0x2  }
0xb7: {  	s31 =	sshll.u32 s1, $0xD;
	s1 =	sshrl.u32 s1, $0x2  }
0xb8: {  	s3 =	sand.u32 $0x4000, s31;
	s1 =	sadd.s32 s1, s30  }
0xb9: {  	s0 =	sor.u32 s3, s0;
	s1 =	sshll.u32 s1, $0x11  }
0xba: {  	s0 =	sor.u32 s1, s0  }
0xbb: {  	s0 =	sadd.s32 $0x8F2B, s0  }
0xbc: {  	[sflag:s0] =	ssyncadd.remote.s32 $0x1  }
0xbd: {  	_ =	sfence.sel $0xFFFF  }
0xbe: {  	[dreg:$0x0] =	wrdreg $0xFFFFFFFF;
	(pc) =	sbr.abs _section_cstart, $3  }
0xbf: {  	[dreg:$0x1] =	wrdreg $0xFFFFFFFF  }
0xc0: {  	_ =	task.clear_ibuf [dreg:s6], $0x2FFFF;
	_ =	strace $0x9FFFFFFF  }
0xc1: {  	(tm) =	ssettm $0x7FFFFFFF  }
tec
execute0_lowered:
.L_overlay_start_1:
0x0: {  	(tag) =	ssettag $0x1  }
0x1: {  	s2 =	rddreg [dreg:$0x0]  }
0x2: {  	s0 =	rddreg [dreg:$0x1]  }
0x3: {  	s1 =	simm.s32 $0x0;
	s30 =	srdreg.scid;
	s10 =	simm.s32 $0x80  }
0x4: {  	s11 =	simm.s32 $0x0;
	[smem:$0x7FF] =	sst s1;
	s3 =	sadd.s32 $0x2800, s2  }
0x5: {  	s4 =	sadd.s32 $0x2A800, s2;
	_ =	strace $0x80000051;
	[dreg:$0x2] =	wrdreg s3  }
0x6: {  	s7 =	sand.u32 $0x1, s30;
	s3 =	sadd.s32 $0x2AF800, s2;
	[dreg:$0x4] =	wrdreg s4  }
0x7: {  	s2 =	stileid.u32;
	s7 =	ssub.s32 $0x2, s7;
	[dreg:$0x3] =	wrdreg s10  }
0x8: {  	s10 =	simm.s32 $0x5;
	s6 =	smul.u32 $0x3, s2;
	s5 =	sshll.u32 s2, $0x1  }
0x9: {  	p0 =	slt.u32 s2, $0x8;
	s4 =	sadd.s32 $0x8, s5;
	s5 =	simm.s32 $0x3  }
0xa: {  	s31 =	sshrl.u32 s7, $0x1;
	s4 =	smov.u32 @p0 s6;
	s5 =	simm.s32 @!p0 $0x2  }
0xb: {  	s9 =	ssub.s32 s7, s31;
	s8 =	sshll.u32 s4, $0x4;
	s7 =	sadd.s32 $0xFFFFFFFF, s5  }
0xc: {  	s6 =	sadd.s32 s3, s8;
	s8 =	smax.u32 s9, $0x1;
	s9 =	simm.s32 $0x1  }
.LBB2_1:
0xd: {  	_ =	strace $0x80000052;
	p2 =	sne.s32 s5, $0x1  }
.Ltmp0:
0xe: {  	p0 =	seq.s32 s5, $0x1;
	s13 =	simm.s32 $0x1;
	(pc) =	sbr.rel @!p2 .LBB2_2-.Ltmp0, $4  }
0xf: {  	[tilespmem:s1], [sflag:$0x1] =	stream.linear.gather [hbm4b:s6+s1], $0x80, $0x200038;
	[tilespmem:$0x8100] =	vst v63  }
0x10: {  	s12 =	simm.s32 $0x1;
	p1 =	por $0x1, $0x1;
	s13 =	simm.s32 @p0 $0x0  }
0x11: {  	p6 =	sgt.u32 s7, $0x0;
	p4 =	por p1, p1;
	p3 =	sne.s32 s13, $0x0  }
0x12: {  	_ =	strace $0x90000052;
	p5 =	por !p6, !p3;
	p6 =	por $0x0, $0x0  }
0x13: {  	p2 =	por !p5, !p5  }
0x14: {  	s21 =	sand.u32 $0x1, s1;
	s19 =	simm.s32 $0x2;
	s14 =	sadd.s32 @p2 s4, s13  }
0x15: {  	p1 =	por p3, p3;
	s15 =	sand.u32 @p2 $0x1, s9;
	s14 =	sshll.u32 @p2 s14, $0x4  }
0x16: {  	_ =	strace @p2 $0x80000053;
	s17 =	simm.s32 @p2 $0x0;
	s14 =	sand.u32 @p2 $0x1FFFFFF0, s14  }
0x17: {  	s16 =	sshll.u32 @p2 s15, $0x7;
	s15 =	sadd.s32 @p2 $0x1, s15;
	s14 =	sadd.s32 @p2 s3, s14  }
0x18: {  	[tilespmem:s16], [sflag:s15] =	stream.linear.gather @p2 [hbm4b:s14+s17], $0x80, $0x200038;
	[tilespmem:$0x8100] =	vst v63  }
0x19: {  	s30 =	simm.s32 $0x0;
	p6 =	por $0x0, $0x0;
	_ =	strace @p2 $0x90000053  }
0x1a: {  	p0 =	sne.s32 s5, $0x2;
	s29 =	sadd.s32 $0x1, s21;
	_ =	strace $0x80000054  }
0x1b: {  	s24 =	sadd.s32 $0x0, s4;
	p5 =	sgt.u32 s7, $0x1;
	_ =	swait.ge [sflag:s29], $0x80  }
0x1c: {  	s23 =	simm.s32 $0x1;
	s22 =	sshll.u32 s21, $0xE;
	[sflag:s29] =	ssyncset.done $0x0  }
0x1d: {  	s22 =	sor.u32 $0x100, s22;
	s16 =	sand.u32 @!p4 $0x1, s1;
	[sflag:s29] =	ssyncadd.s32 $0xFFFFFF80  }
0x1e: {  	s15 =	simm.s32 $0x1;
	s17 =	sadd.s32 $0x1, s13;
	_ =	strace $0x90000054  }
0x1f: {  	s14 =	sand.u32 $0x80, s30;
	s15 =	simm.s32 @!p2 $0x0;
	_ =	strace $0x80000055  }
0x20: {  	p2 =	por p4, p4;
	p4 =	por p6, p6;
	s20 =	rddreg [dreg:$0x3]  }
0x21: {  	p3 =	seq.s32 s17, s5;
	p6 =	seq.s32 s7, $0x0;
	s31 =	rddreg [dreg:$0x2]  }
0x22: {  	[tilespmem:s22], [sflag:$0x5] =	stream.indirect.gather [hbm4b:s31+s20], $0x80, s14, s20, $0x2000b8;
	[tilespmem:$0x8100] =	vst v63  }
.Ltmp1:
0x23: {  	s18 =	sadd.s32 $0x1, s15;
	s17 =	simm.s32 @p3 $0x0;
	(pc) =	sbr.rel @!p0 .LBB2_4-.Ltmp1, $4  }
0x24: {  	p1 =	por p6, p1;
	p6 =	por $0x0, $0x0;
	_ =	swait.ge [sflag:s10], $0x4000  }
0x25: {  	s15 =	simm.s32 $0x0;
	p3 =	sne.s32 s13, s17;
	[sflag:s10] =	ssyncset.done $0x0  }
0x26: {  	s23 =	simm.s32 @!p6 $0x0;
	p5 =	por !p5, !p3;
	[sflag:s10] =	ssyncadd.s32 $0xFFFFC000  }
0x27: {  	s14 =	simm.s32 $0x0;
	s20 =	simm.s32 $0x0;
	_ =	strace $0x90000055  }
.LBB2_5:
0x28: {  	_ =	strace @p1 $0x80000056;
	s14 =	sadd.s32 s23, s14;
	s23 =	smov.u32 s12  }
0x29: {  	s12 =	smov.u32 s19;
	s19 =	sadd.s32 $0x1, s19;
	p0 =	por p3, p3  }
0x2a: {  	s29 =	sshll.u32 @p1 s24, $0xB;
	s21 =	sadd.s32 @p1 $0x3, s21;
	s25 =	simm.s32 @!p0 $0x0  }
0x2b: {  	s26 =	rddreg [dreg:$0x4];
	s29 =	sand.u32 @p1 $0x1FFFF800, s29;
	s25 =	simm.s32 @p0 $0x1  }
0x2c: {  	s26 =	sadd.s32 @p1 s26, s29;
	s29 =	simm.s32 @p1 $0x0;
	p0 =	sne.s32 s5, s19  }
0x2d: {  	[hbm4b:s26+s29] =	stream.linear.scatter @p1 [tilespmem:s22], [sflag:s21], $0x4000, $0x200038;
	[tilespmem:$0x8100] =	vst v63  }
0x2e: {  	s21 =	sadd.s32 @!p2 $0x3, s16;
	s16 =	simm.s32 @!p0 $0x0  }
0x2f: {  	s28 =	simm.s32 $0x1;
	[smem:$0x7FC] =	sst s25;
	s16 =	simm.s32 @p0 $0x1  }
0x30: {  	s28 =	simm.s32 @!p1 $0x0;
	_ =	strace @p1 $0x90000056;
	[smem:$0x7FD] =	sst s16  }
0x31: {  	s20 =	sadd.s32 s28, s20;
	s25 =	sand.u32 @!p4 $0x1, s14;
	_ =	strace @!p2 $0x80000057  }
0x32: {  	p1 =	por !p5, !p5;
	s16 =	smov.u32 s25;
	_ =	swait.ge @!p2 [sflag:s21], $0x4000  }
0x33: {  	s22 =	sand.u32 @p1 $0x1, s18;
	s25 =	sadd.s32 @p1 s4, s17;
	[sflag:s21] =	ssyncset.done @!p2 $0x0  }
0x34: {  	s26 =	sshll.u32 @p1 s22, $0x7;
	s25 =	sshll.u32 @p1 s25, $0x4;
	[sflag:s21] =	ssyncadd.s32 @!p2 $0xFFFFC000  }
0x35: {  	s21 =	sadd.s32 @p1 $0x1, s22;
	s22 =	sand.u32 @p1 $0x1FFFFFF0, s25;
	_ =	strace @!p2 $0x90000057  }
0x36: {  	s25 =	simm.s32 @p1 $0x0;
	s22 =	sadd.s32 @p1 s3, s22;
	_ =	strace @p1 $0x80000053  }
0x37: {  	[tilespmem:s26], [sflag:s21] =	stream.linear.gather @p1 [hbm4b:s22+s25], $0x80, $0x200038;
	[tilespmem:$0x8100] =	vst v63  }
0x38: {  	s15 =	sadd.s32 s28, s15;
	s28 =	sand.u32 $0x1, s20;
	_ =	strace @p1 $0x90000053  }
0x39: {  	s28 =	sadd.s32 $0x1, s28;
	_ =	strace $0x80000054  }
0x3a: {  	_ =	swait.ge [sflag:s28], $0x80  }
0x3b: {  	[sflag:s28] =	ssyncset.done $0x0  }
0x3c: {  	s21 =	simm.s32 $0x1;
	[sflag:s28] =	ssyncadd.s32 $0xFFFFFF80  }
0x3d: {  	s21 =	simm.s32 @!p1 $0x0;
	_ =	strace $0x90000054  }
0x3e: {  	s18 =	sadd.s32 s21, s18;
	s21 =	sand.u32 $0x1, s15;
	_ =	strace $0x80000055  }
0x3f: {  	s31 =	sshll.u32 s20, $0x7;
	s29 =	sshll.u32 s21, $0xE;
	s25 =	rddreg [dreg:$0x3]  }
0x40: {  	s31 =	sand.u32 $0x80, s31;
	s22 =	sor.u32 $0x100, s29;
	s26 =	rddreg [dreg:$0x2]  }
0x41: {  	[tilespmem:s22], [sflag:$0x5] =	stream.indirect.gather [hbm4b:s26+s25], $0x80, s31, s25, $0x2000b8;
	[tilespmem:$0x8100] =	vst v63  }
0x42: {  	_ =	swait.ge [sflag:s10], $0x4000  }
0x43: {  	[sflag:s10] =	ssyncset.done $0x0  }
0x44: {  	[sflag:s10] =	ssyncadd.s32 $0xFFFFC000  }
0x45: {  	s30 =	sadd.s32 $0x1, s17;
	_ =	strace $0x90000055  }
0x46: {  	s24 =	sadd.s32 s4, s13;
	s13 =	smov.u32 s17;
	s31 =	sld [smem:$0x7FD]  }
0x47: {  	p0 =	sne.s32 s23, $0x0;
	s17 =	smov.u32 s30;
	p1 =	seq.s32 s30, s5  }
0x48: {  	s17 =	simm.s32 @p1 $0x0;
	p1 =	seq.s32 s7, s23;
	s23 =	simm.s32 $0x1  }
0x49: {  	s23 =	simm.s32 @!p0 $0x0;
	p0 =	seq.s32 s31, $0x1  }
.Ltmp2:
0x4a: {  	s30 =	sld [smem:$0x7FC];
	(pc) =	sbr.rel @p0 .LBB2_5-.Ltmp2, $4  }
0x4b: {  	p3 =	seq.s32 s12, $0x0  }
0x4c: {  	p6 =	por p3, p3;
	p5 =	slt.u32 s12, s7  }
0x4d: {  	p2 =	por p4, p4;
	p3 =	sne.s32 s13, s17;
	p4 =	seq.s32 s30, $0x1  }
0x4e: {  	p5 =	por !p5, !p3;
	p1 =	por p1, p4;
	p4 =	por p6, p6  }
0x4f: {  	p6 =	por $0x1, $0x1  }
.LBB2_7:
0x50: {  	p0 =	por !p1, !p6  }
0x51: {  	s25 =	simm.s32 $0x1;
	_ =	strace @!p0 $0x80000056;
	s24 =	sshll.u32 @!p0 s24, $0xB  }
0x52: {  	p2 =	por p2, !p6;
	s19 =	rddreg [dreg:$0x4];
	s24 =	sand.u32 @!p0 $0x1FFFF800, s24  }
0x53: {  	s21 =	sadd.s32 @!p0 $0x3, s21;
	s19 =	sadd.s32 @!p0 s19, s24;
	s24 =	simm.s32 @!p0 $0x0  }
0x54: {  	[hbm4b:s19+s24] =	stream.linear.scatter @!p0 [tilespmem:s22], [sflag:s21], $0x4000, $0x200038;
	[tilespmem:$0x8100] =	vst v63  }
0x55: {  	p1 =	por !p5, !p5;
	s25 =	simm.s32 @p0 $0x0;
	_ =	strace @!p0 $0x90000056  }
0x56: {  	s16 =	sadd.s32 @!p2 $0x3, s16;
	s17 =	sadd.s32 @p1 s4, s17;
	_ =	strace @!p2 $0x80000057  }
0x57: {  	s18 =	sand.u32 @p1 $0x1, s18;
	s17 =	sshll.u32 @p1 s17, $0x4;
	_ =	swait.ge @!p2 [sflag:s16], $0x4000  }
0x58: {  	s17 =	sand.u32 @p1 $0x1FFFFFF0, s17;
	s19 =	sadd.s32 @p6 s25, s20;
	[sflag:s16] =	ssyncset.done @!p2 $0x0  }
0x59: {  	s20 =	simm.s32 $0x0;
	s17 =	sadd.s32 @p1 s3, s17;
	[sflag:s16] =	ssyncadd.s32 @!p2 $0xFFFFC000  }
0x5a: {  	s20 =	smov.u32 @p6 s19;
	s19 =	sshll.u32 @p1 s18, $0x7;
	_ =	strace @!p2 $0x90000057  }
0x5b: {  	s16 =	sadd.s32 @p1 $0x1, s18;
	s18 =	simm.s32 @p1 $0x0;
	_ =	strace @p1 $0x80000053  }
0x5c: {  	[tilespmem:s19], [sflag:s16] =	stream.linear.gather @p1 [hbm4b:s17+s18], $0x80, $0x200038;
	[tilespmem:$0x8100] =	vst v63  }
0x5d: {  	s26 =	sand.u32 $0x1, s20;
	_ =	strace @p1 $0x90000053  }
0x5e: {  	s16 =	sadd.s32 $0x1, s26;
	_ =	strace $0x80000054  }
0x5f: {  	_ =	swait.ge [sflag:s16], $0x80  }
0x60: {  	[sflag:s16] =	ssyncset.done $0x0  }
0x61: {  	s15 =	sadd.s32 @p6 s25, s15;
	[sflag:s16] =	ssyncadd.s32 $0xFFFFFF80;
	s16 =	simm.s32 $0x0  }
0x62: {  	_ =	strace $0x90000054;
	s16 =	smov.u32 @p6 s15  }
0x63: {  	_ =	strace $0x80000055;
	s16 =	sand.u32 $0x1, s16  }
0x64: {  	s30 =	sshll.u32 s20, $0x7;
	s28 =	rddreg [dreg:$0x3];
	s31 =	sshll.u32 s16, $0xE  }
0x65: {  	s18 =	sand.u32 $0x80, s30;
	s29 =	rddreg [dreg:$0x2];
	s19 =	sor.u32 $0x100, s31  }
0x66: {  	[tilespmem:s19], [sflag:$0x5] =	stream.indirect.gather [hbm4b:s29+s28], $0x80, s18, s28, $0x2000b8;
	[tilespmem:$0x8100] =	vst v63  }
0x67: {  	_ =	swait.ge [sflag:s10], $0x4000  }
0x68: {  	p3 =	por p3, p3;
	[sflag:s10] =	ssyncset.done $0x0  }
0x69: {  	p5 =	seq.s32 s7, s12;
	s13 =	sadd.s32 s4, s13;
	[sflag:s10] =	ssyncadd.s32 $0xFFFFC000  }
0x6a: {  	s14 =	sadd.s32 @p6 s23, s14;
	p1 =	por p5, p3;
	_ =	strace $0x90000055  }
0x6b: {  	s17 =	simm.s32 $0x0;
	s13 =	sshll.u32 @p1 s13, $0xB;
	_ =	strace @p1 $0x80000056  }
0x6c: {  	s17 =	smov.u32 @p6 s14;
	s13 =	sand.u32 @p1 $0x1FFFF800, s13;
	s15 =	rddreg [dreg:$0x4]  }
0x6d: {  	s14 =	sadd.s32 @p1 $0x3, s16;
	s13 =	sadd.s32 @p1 s15, s13;
	s15 =	simm.s32 @p1 $0x0  }
0x6e: {  	[hbm4b:s13+s15] =	stream.linear.scatter @p1 [tilespmem:s19], [sflag:s14], $0x4000, $0x200038;
	[tilespmem:$0x8100] =	vst v63  }
0x6f: {  	p0 =	por p4, p4;
	s13 =	sand.u32 @!p4 $0x1, s17;
	_ =	strace @p1 $0x90000056  }
0x70: {  	s13 =	sadd.s32 @!p0 $0x3, s13;
	_ =	strace @!p0 $0x80000057  }
0x71: {  	p1 =	sne.s32 s12, $0x0;
	s12 =	simm.s32 $0x1;
	_ =	swait.ge @!p0 [sflag:s13], $0x4000  }
0x72: {  	s12 =	simm.s32 @!p1 $0x0;
	[sflag:s13] =	ssyncset.done @!p0 $0x0  }
0x73: {  	s11 =	sadd.s32 $0x1, s11;
	s12 =	sadd.s32 s12, s17;
	[sflag:s13] =	ssyncadd.s32 @!p0 $0xFFFFC000  }
0x74: {  	s12 =	sand.u32 $0x1, s12;
	_ =	strace @!p0 $0x90000057;
	p0 =	sne.s32 s11, s8  }
.Ltmp3:
0x75: {  	s12 =	sadd.s32 $0x3, s12;
	_ =	strace $0x80000058;
	(pc) =	sbr.rel @p0 .LBB2_1-.Ltmp3, $4  }
.Ltmp4:
0x76: {  	_ =	swait.ge [sflag:s12], $0x4000;
	(pc) =	sbr.rel @!p0 .LBB2_8-.Ltmp4, $4  }
0x77: {  	[sflag:s12] =	ssyncset.done $0x0  }
0x78: {  	[sflag:s12] =	ssyncadd.s32 $0xFFFFC000  }
0x79: {  	_ =	strace $0x90000058  }
0x7a: {  	_ = 	snop  }
.LBB2_2:
.Ltmp5:
0x7b: {  	(pc) =	sbr.rel .LBB2_7-.Ltmp5, $4  }
0x7c: {  	_ = 	snop  }
0x7d: {  	s14 =	simm.s32 $0x0  }
0x7e: {  	s12 =	simm.s32 $0x0;
	s15 =	simm.s32 $0x0;
	s17 =	smov.u32 s13  }
0x7f: {  	s20 =	simm.s32 $0x0;
	s18 =	simm.s32 $0x1;
	s13 =	simm.s32 $0x0  }
.LBB2_4:
.Ltmp6:
0x80: {  	(pc) =	sbr.rel .LBB2_7-.Ltmp6, $3  }
0x81: {  	_ =	sdelay $0x1  }
0x82: {  	s14 =	simm.s32 $0x0  }
0x83: {  	s15 =	simm.s32 $0x0;
	s20 =	simm.s32 $0x0;
	p6 =	por $0x1, $0x1  }
.LBB2_8:
0x84: {  	_ =	sfence.sel $0x180000  }
0x85: {  	[bflag:$0x0] =	sbarrier.arrive $0xFFFF  }
0x86: {  	p0 =	sne.s32 s2, $0x0;
	_ =	strace $0x90000051  }
0x87: {  	s0 =	sadd.s32 @!p0 $0x100000, s0;
	[bflag:$0x2] =	sbarrier.arrive $0xFFFF  }
0x88: {  	[sflag:s0] =	ssyncadd.tile.s32 @!p0 $0x1;
	_ =	shalt  }
.Lfunc_end2:
_tile_overlayer_lowered:
.L_overlay_start_2:
0x89: {  	(tag) =	ssettag $0x2  }
0x8a: {  	s0 =	rddreg [dreg:$0x0];
	s2 =	stileid.u32  }
0x8b: {  	s1 =	rddreg [dreg:$0x1];
	p0 =	sne.s32 s2, $0x0  }
0x8c: {  	s3 =	rddreg [dreg:$0x2];
	[bflag:$0x3] =	sbarrier.arrive $0xFFFF;
	s2 =	simm.s32 @!p0 $0x1C01  }
0x8d: {  	[timem:s3], [sflag:s2] =	dma.local @!p0 [hbm:s0], s1  }
0x8e: {  	s0 =	simm.s32 @!p0 $0x1  }
0x8f: {  	_ =	swait.ge @!p0 [sflag:s0], s1  }
0x90: {  	s1 =	ssub.s32 @!p0 $0x0, s1;
	[sflag:s0] =	ssyncset.done @!p0 $0x0  }
0x91: {  	[sflag:s0] =	ssyncadd.s32 @!p0 s1  }
0x92: {  	[bflag:$0x3] =	sbarrier.arrive $0xFFFF  }
0x93: {  	_ =	shalt  }

// kernel: kernel.19.cloned.1.call-start
scs
__scs_entry_jumppad:
0x0: {  	(pc) =	sbr.rel $0x88, $3  }
0x1: {  	(tag) =	ssettag $0x0;
	lr =	simm.s32 $0x1  }
0x2: {  	[smem:$0x3F94] =	sst lr;
	_ =	strace $0xD0000000  }
0x3: {  	_ = 	snop  }
0x4: {  	_ = 	snop  }
0x5: {  	_ = 	snop  }
0x6: {  	_ = 	snop  }
0x7: {  	_ = 	snop  }
__scs_overlays_trampoline_lowered:
0x8: {  	[smem:$0x3FA3] =	sst s0  }
0x9: {  	[smem:$0x3FA4] =	sst s1  }
0xa: {  	[smem:$0x3FA5] =	sst s2  }
0xb: {  	[smem:$0x3FA6] =	sst s3  }
0xc: {  	[smem:$0x3FA7] =	sst s4  }
0xd: {  	[smem:$0x3FA8] =	sst s5  }
0xe: {  	[smem:$0x3FA9] =	sst s6  }
0xf: {  	[smem:$0x3FAA] =	sst s7  }
0x10: {  	[smem:$0x3FAB] =	sst s8  }
0x11: {  	[smem:$0x3FAC] =	sst s9;
	s0 =	simm.s32 @!p0 $0x0  }
0x12: {  	s1 =	sld [smem:$0x3F92];
	s0 =	simm.s32 @p0 $0x1  }
0x13: {  	[smem:$0x3FAD] =	sst s0;
	s0 =	simm.s32 @!p1 $0x0  }
0x14: {  	s2 =	sld [smem:$0x3F91];
	s0 =	simm.s32 @p1 $0x1  }
0x15: {  	[smem:$0x3FAE] =	sst s0;
	s0 =	simm.s32 @!p2 $0x0  }
0x16: {  	s3 =	sld [smem:$0x3FDB];
	s0 =	simm.s32 @p2 $0x1  }
0x17: {  	s4 =	simm.s32 $0x1BF5;
	[smem:$0x3FB0] =	sst s0  }
0x18: {  	s0 =	sld [smem:$0x3F93];
	_ =	swait.ge [sflag:s4], $0x0  }
0x19: {  	s7 =	sld [smem:$0x3F94]  }
0x1a: {  	s8 =	sadd.s32 $0xFFFFE003, lr  }
0x1b: {  	s9 =	sadd.s32 $0xFFFFFEF7, lr;
	s5 =	simm.s32 $0xFFFFFFFF;
	p2 =	slt.u32 s8, $0xFFFFF086  }
0x1c: {  	p1 =	slt.u32 s9, $0xF7A;
	s5 =	simm.s32 @!p2 $0x0  }
0x1d: {  	s5 =	simm.s32 @p1 $0x1;
	p0 =	seq.s32 s7, s2  }
0x1e: {  	s7 =	smul.u32 @!p0 $0xF7A, s2;
	p2 =	seq.s32 @!p0 s5, $0x0  }
0x1f: {  	s9 =	smul.u32 $0xF7A, s1;
	s8 =	simm.s32 @!p0 $0x1BF5;
	p2 =	por !p2, p0  }
0x20: {  	[sflag:s8] =	ssyncset.s32 @!p0 $0xFFFFF086;
	s6 =	sadd.s32 @!p0 s3, s7;
	s7 =	simm.s32 @!p0 $0x108  }
0x21: {  	s3 =	sadd.s32 s3, s9;
	s6 =	sadd.s32 @!p0 $0x88, s6;
	s7 =	simm.s32 @p2 $0x1082  }
0x22: {  	[simem:s7], [sflag:s8] =	dma.local @!p0 [hbm:s6], $0xF7A  }
0x23: {  	s9 =	sor.u32 $0xD0000000, s2;
	s6 =	simm.s32 $0x108;
	_ =	swait.ge @!p0 [sflag:s8], $0x0  }
0x24: {  	s3 =	sadd.s32 $0x88, s3;
	s6 =	simm.s32 @!p1 $0x1082;
	[sflag:s4] =	ssyncset.s32 $0xFFFFF086  }
0x25: {  	[simem:s6], [sflag:s4] =	dma.local [hbm:s3], $0xF7A  }
0x26: {  	[smem:$0x3F94] =	sst s1;
	(tag) =	ssettag s2;
	_ =	strace s9  }
0x27: {  	s1 =	sld [smem:$0x3FA4]  }
0x28: {  	s2 =	sld [smem:$0x3FA5]  }
0x29: {  	s4 =	sld [smem:$0x3FA7]  }
0x2a: {  	p0 =	seq.s32 s5, $0x0;
	s5 =	sld [smem:$0x3FA8]  }
0x2b: {  	s6 =	sld [smem:$0x3FA9]  }
0x2c: {  	s7 =	sld [smem:$0x3FAA]  }
0x2d: {  	s3 =	simm.s32 $0x108;
	s8 =	sld [smem:$0x3FAB]  }
0x2e: {  	s3 =	simm.s32 @!p0 $0x1082;
	s9 =	sld [smem:$0x3FAC]  }
0x2f: {  	lr =	sadd.s32 s0, s3;
	s0 =	sld [smem:$0x3FA3]  }
0x30: {  	s3 =	sld [smem:$0x3FA6]  }
0x31: {  	[smem:$0x3FAF] =	sst s10  }
0x32: {  	s10 =	sld [smem:$0x3FAD];
	_ =	sdelay $0x3  }
0x33: {  	p0 =	seq.s32 s10, $0x1;
	s10 =	sld [smem:$0x3FAF];
	_ =	sdelay $0x3  }
0x34: {  	[smem:$0x3FAF] =	sst s10  }
0x35: {  	s10 =	sld [smem:$0x3FAE];
	_ =	sdelay $0x3  }
0x36: {  	p1 =	seq.s32 s10, $0x1;
	s10 =	sld [smem:$0x3FAF];
	_ =	sdelay $0x3  }
0x37: {  	[smem:$0x3FAF] =	sst s10  }
0x38: {  	s10 =	sld [smem:$0x3FB0]  }
0x39: {  	_ = 	snop;
	(pc) =	sbr.ind lr, $3  }
0x3a: {  	_ = 	snop  }
0x3b: {  	_ = 	snop  }
0x3c: {  	p2 =	seq.s32 s10, $0x1;
	s10 =	sld [smem:$0x3FAF]  }
0x3d: {  	_ =	shalt  }
0x3e: {  	_ =	shalt  }
0x3f: {  	_ =	shalt  }
0x40: {  	_ =	shalt  }
0x41: {  	_ =	shalt  }
0x42: {  	_ =	shalt  }
0x43: {  	_ =	shalt  }
0x44: {  	_ =	shalt  }
0x45: {  	_ =	shalt  }
0x46: {  	_ =	shalt  }
0x47: {  	_ =	shalt  }
0x48: {  	_ =	shalt  }
0x49: {  	_ =	shalt  }
0x4a: {  	_ =	shalt  }
0x4b: {  	_ =	shalt  }
0x4c: {  	_ =	shalt  }
0x4d: {  	_ =	shalt  }
0x4e: {  	_ =	shalt  }
0x4f: {  	_ =	shalt  }
0x50: {  	_ =	shalt  }
0x51: {  	_ =	shalt  }
0x52: {  	_ =	shalt  }
0x53: {  	_ =	shalt  }
0x54: {  	_ =	shalt  }
0x55: {  	_ =	shalt  }
0x56: {  	_ =	shalt  }
0x57: {  	_ =	shalt  }
0x58: {  	_ =	shalt  }
0x59: {  	_ =	shalt  }
0x5a: {  	_ =	shalt  }
0x5b: {  	_ =	shalt  }
0x5c: {  	_ =	shalt  }
0x5d: {  	_ =	shalt  }
0x5e: {  	_ =	shalt  }
0x5f: {  	_ =	shalt  }
0x60: {  	_ =	shalt  }
0x61: {  	_ =	shalt  }
0x62: {  	_ =	shalt  }
0x63: {  	_ =	shalt  }
0x64: {  	_ =	shalt  }
0x65: {  	_ =	shalt  }
0x66: {  	_ =	shalt  }
0x67: {  	_ =	shalt  }
0x68: {  	_ =	shalt  }
0x69: {  	_ =	shalt  }
0x6a: {  	_ =	shalt  }
0x6b: {  	_ =	shalt  }
0x6c: {  	_ =	shalt  }
0x6d: {  	_ =	shalt  }
0x6e: {  	_ =	shalt  }
0x6f: {  	_ =	shalt  }
0x70: {  	_ =	shalt  }
0x71: {  	_ =	shalt  }
0x72: {  	_ =	shalt  }
0x73: {  	_ =	shalt  }
0x74: {  	_ =	shalt  }
0x75: {  	_ =	shalt  }
0x76: {  	_ =	shalt  }
0x77: {  	_ =	shalt  }
0x78: {  	_ =	shalt  }
0x79: {  	_ =	shalt  }
0x7a: {  	_ =	shalt  }
0x7b: {  	_ =	shalt  }
0x7c: {  	_ =	shalt  }
0x7d: {  	_ =	shalt  }
0x7e: {  	_ =	shalt  }
0x7f: {  	_ =	shalt  }
0x80: {  	_ =	shalt  }
0x81: {  	_ =	shalt  }
0x82: {  	_ =	shalt  }
0x83: {  	_ =	shalt  }
0x84: {  	_ =	shalt  }
0x85: {  	_ =	shalt  }
0x86: {  	_ =	shalt  }
0x87: {  	_ =	shalt  }
.Lfunc_end0:
.L_simem_size_0:
called_computation.2_lowered:
.L_overlay_start_0:
0x88: {  	s2 =	sld [smem:$0x3FD9]  }
0x89: {  	s3 =	sld [smem:$0x3FFE];
	_ =	sdelay $0x1  }
0x8a: {  	s1 =	srdreg.scid  }
0x8b: {  	s0 =	sand.u32 $0x1, s1  }
0x8c: {  	s16 =	sshll.u32 s0, $0xA;
	s2 =	sadd.s32 s3, s2  }
0x8d: {  	s2 =	sadd.s32 s2, s16  }
0x8e: {  	[smem:$0x3FBB] =	sst s2  }
0x8f: {  	_ = 	snop  }
0x90: {  	(tm) =	ssettm $0x1  }
0x91: {  	s17 =	sld [smem:$0x3FFB];
	_ =	sdelay $0x3  }
0x92: {  	_ =	strace s17  }
0x93: {  	s2 =	sld [smem:$0x3FFC];
	_ =	sdelay $0x3  }
0x94: {  	_ =	strace s2  }
0x95: {  	s2 =	sld [smem:$0x3FFD];
	_ =	sdelay $0x3  }
0x96: {  	_ =	strace s2  }
0x97: {  	_ =	strace $0x8FFFFFFF  }
0x98: {  	s18 =	sld [smem:$0x3FDB];
	_ =	sdelay $0x1  }
0x99: {  	s19 =	simm.s32 $_scs_section_size  }
0x9a: {  	s4 =	simm.s32 $_size__tile_overlayer_lowered;
	s5 =	simm.s32 $_tile_overlayer_lowered  }
0x9b: {  	s22 =	simm.s32 $0x1BFF;
	s21 =	sshll.u32 s5, $0x1;
	s2 =	sadd.s32 s19, s18  }
0x9c: {  	s6 =	simm.s32 $0x0;
	s20 =	sshll.u32 s4, $0x1;
	s4 =	sadd.s32 s21, s2  }
0x9d: {  	[timem:s6], [sflag:s22] =	dma.local [hbm:s4], s20  }
0x9e: {  	_ =	swait.ge [sflag:s22], s20  }
0x9f: {  	s3 =	ssub.s32 $0x0, s20;
	[sflag:s22] =	ssyncset.done $0x0  }
0xa0: {  	[sflag:s22] =	ssyncadd.s32 s3;
	_ =	sdelay $0x1  }
0xa1: {  	s23 =	simm.s32 $0x1B8B  }
0xa2: {  	_ =	swait.ge [sflag:s23], $0x1  }
0xa3: {  	[sflag:s23] =	ssyncset.done $0x0  }
0xa4: {  	s25 =	simm.s32 $0x1B8E;
	s24 =	sld [smem:$0x3FFE];
	[sflag:s23] =	ssyncadd.s32 $0xFFFFFFFF  }
0xa5: {  	s26 =	simm.s32 $execute0_lowered;
	[smem:$0x3FD2] =	sst s25  }
0xa6: {  	s4 =	sshll.u32 s26, $0x1;
	_ =	strace $0x8000005A;
	[dreg:$0x1] =	wrdreg $0xFFFFFFFF  }
0xa7: {  	s28 =	simm.s32 $_size_execute0_lowered;
	s2 =	sadd.s32 s2, s4;
	[dreg:$0x0] =	wrdreg $0x0  }
0xa8: {  	s4 =	sshll.u32 s28, $0x1;
	[dreg:$0x2] =	wrdreg s2  }
0xa9: {  	[dreg:$0x3] =	wrdreg s4  }
0xaa: {  	[dreg:$0x4] =	wrdreg $0xC0  }
0xab: {  	_ =	task [dreg:s6], $0x5FFFF  }
0xac: {  	[dreg:$0x1] =	wrdreg $0xFFFFFFFF  }
0xad: {  	[dreg:$0x0] =	wrdreg $0x60  }
0xae: {  	[dreg:$0x2] =	wrdreg s24  }
0xaf: {  	[dreg:$0x3] =	wrdreg $0x9  }
0xb0: {  	_ =	task.clear_ibuf [dreg:s6], $0x4FFFF;
	_ =	strace $0x9000005A  }
0xb1: {  	s29 =	simm.s32 $0x9;
	_ =	strace $0x80000063  }
0xb2: {  	_ =	swait.ge [sflag:s29], $0x1  }
0xb3: {  	[sflag:s29] =	ssyncadd.s32 $0xFFFFFFFF  }
0xb4: {  	_ =	strace $0x90000063  }
0xb5: {  	_ =	sfence  }
0xb6: {  	s30 =	sld [smem:$0x0];
	_ =	sdelay $0x2  }
0xb7: {  	s31 =	sshll.u32 s1, $0xD;
	s1 =	sshrl.u32 s1, $0x2  }
0xb8: {  	s3 =	sand.u32 $0x4000, s31;
	s1 =	sadd.s32 s1, s30  }
0xb9: {  	s0 =	sor.u32 s3, s0;
	s1 =	sshll.u32 s1, $0x11  }
0xba: {  	s0 =	sor.u32 s1, s0  }
0xbb: {  	s0 =	sadd.s32 $0x8F2B, s0  }
0xbc: {  	[sflag:s0] =	ssyncadd.remote.s32 $0x1  }
0xbd: {  	_ =	sfence.sel $0xFFFF  }
0xbe: {  	[dreg:$0x0] =	wrdreg $0xFFFFFFFF;
	(pc) =	sbr.abs _section_cstart, $3  }
0xbf: {  	[dreg:$0x1] =	wrdreg $0xFFFFFFFF  }
0xc0: {  	_ =	task.clear_ibuf [dreg:s6], $0x2FFFF;
	_ =	strace $0x9FFFFFFF  }
0xc1: {  	(tm) =	ssettm $0x7FFFFFFF  }
tec
execute0_lowered:
.L_overlay_start_1:
0x0: {  	(tag) =	ssettag $0x1  }
0x1: {  	s3 =	rddreg [dreg:$0x0]  }
0x2: {  	s0 =	rddreg [dreg:$0x1]  }
0x3: {  	s1 =	simm.s32 $0x0;
	s2 =	srdreg.scid;
	s8 =	simm.s32 $0x80  }
0x4: {  	s9 =	simm.s32 $0x4;
	s10 =	simm.s32 $0x0;
	[smem:$0x7FF] =	sst s1  }
0x5: {  	s4 =	sadd.s32 $0x2A800, s3;
	s5 =	sand.u32 $0x1, s2;
	s2 =	stileid.u32  }
0x6: {  	s31 =	sadd.s32 $0x3E800, s3;
	s3 =	sadd.s32 $0x2800, s3;
	_ =	strace $0x8000005B  }
0x7: {  	[dreg:$0x2] =	wrdreg s4;
	s30 =	ssub.s32 $0x2, s5;
	s7 =	smul.u32 $0x280, s2  }
0x8: {  	[dreg:$0x4] =	wrdreg s31;
	s4 =	smul.u32 $0x28, s2;
	s6 =	sshrl.u32 s30, $0x1  }
0x9: {  	[dreg:$0x3] =	wrdreg s8;
	s8 =	simm.s32 $0x5;
	s6 =	ssub.s32 s30, s6  }
0xa: {  	s5 =	sadd.s32 s3, s7;
	s7 =	simm.s32 $0x1;
	s6 =	smax.u32 s6, $0x1  }
.LBB2_1:
0xb: {  	_ =	strace $0x8000005C;
	s11 =	simm.s32 $0x1;
	p0 =	por $0x0, $0x0  }
0xc: {  	[tilespmem:s1], [sflag:$0x1] =	stream.linear.gather [hbm4b:s5+s1], $0x80, $0x200038;
	[tilespmem:$0x8100] =	vst v63  }
0xd: {  	s11 =	simm.s32 @p0 $0x0  }
0xe: {  	p4 =	por $0x1, $0x1;
	s20 =	sand.u32 $0x1, s1;
	p1 =	sne.s32 s11, $0x0  }
0xf: {  	p2 =	por $0x1, $0x1;
	s18 =	simm.s32 $0x26;
	p0 =	por !p4, !p1  }
0x10: {  	s16 =	simm.s32 $0x0;
	p5 =	por $0x0, $0x0;
	p0 =	por !p0, !p0  }
0x11: {  	s23 =	sadd.s32 $0x0, s4;
	s30 =	sadd.s32 $0x1, s20;
	s12 =	sadd.s32 @p0 s4, s11  }
0x12: {  	_ =	strace $0x9000005C;
	s13 =	sand.u32 @p0 $0x1, s7;
	s12 =	sshll.u32 @p0 s12, $0x4  }
0x13: {  	_ =	strace @p0 $0x8000005D;
	s15 =	simm.s32 @p0 $0x0;
	s12 =	sand.u32 @p0 $0x1FFFFFF0, s12  }
0x14: {  	s14 =	sshll.u32 @p0 s13, $0x7;
	s13 =	sadd.s32 @p0 $0x1, s13;
	s12 =	sadd.s32 @p0 s3, s12  }
0x15: {  	[tilespmem:s14], [sflag:s13] =	stream.linear.gather @p0 [hbm4b:s12+s15], $0x80, $0x200038;
	[tilespmem:$0x8100] =	vst v63  }
0x16: {  	p3 =	por p2, p2;
	s21 =	sshll.u32 s20, $0xE;
	_ =	strace @p0 $0x9000005D  }
0x17: {  	s16 =	sand.u32 $0x80, s16;
	p2 =	por p5, p5;
	_ =	strace $0x8000005E  }
0x18: {  	s17 =	sadd.s32 $0x1, s11;
	s22 =	sor.u32 $0x100, s21;
	_ =	swait.ge [sflag:s30], $0x80  }
0x19: {  	s21 =	simm.s32 $0x1;
	p6 =	por p1, p1;
	[sflag:s30] =	ssyncset.done $0x0  }
0x1a: {  	p1 =	por p3, p3;
	p4 =	por $0x1, $0x1;
	[sflag:s30] =	ssyncadd.s32 $0xFFFFFF80  }
0x1b: {  	s12 =	simm.s32 $0x27;
	s15 =	sand.u32 @!p3 $0x1, s1;
	_ =	strace $0x9000005E  }
0x1c: {  	s13 =	simm.s32 $0x1;
	p3 =	seq.s32 s17, $0x28;
	_ =	strace $0x8000005F  }
0x1d: {  	s13 =	simm.s32 @!p0 $0x0;
	s17 =	simm.s32 @p3 $0x0;
	s19 =	rddreg [dreg:$0x3]  }
0x1e: {  	p0 =	por $0x0, $0x0;
	s14 =	sadd.s32 $0x1, s13;
	s31 =	rddreg [dreg:$0x2]  }
0x1f: {  	[tilespmem:s22], [sflag:$0x5] =	stream.indirect.gather [hbm4b:s31+s19], $0x80, s16, s19, $0x2000b8;
	[tilespmem:$0x8100] =	vst v63  }
0x20: {  	p3 =	sne.s32 s11, s17;
	s21 =	simm.s32 @!p0 $0x0;
	_ =	swait.ge [sflag:s8], $0x4000  }
0x21: {  	p5 =	por !p4, !p3;
	p4 =	por $0x0, $0x0;
	[sflag:s8] =	ssyncset.done $0x0  }
0x22: {  	s13 =	simm.s32 $0x0;
	p6 =	por p4, p6;
	[sflag:s8] =	ssyncadd.s32 $0xFFFFC000  }
0x23: {  	s16 =	simm.s32 $0x0;
	s19 =	simm.s32 $0x0;
	_ =	strace $0x9000005F  }
.LBB2_2:
0x24: {  	_ =	strace @p6 $0x80000060;
	s13 =	sadd.s32 s21, s13;
	s21 =	smov.u32 s12  }
0x25: {  	s12 =	smov.u32 s18;
	s18 =	sadd.s32 $0xFFFFFFFF, s18;
	p0 =	por p3, p3  }
0x26: {  	s28 =	sshll.u32 @p6 s23, $0xB;
	s20 =	sadd.s32 @p6 $0x3, s20;
	s24 =	simm.s32 @!p0 $0x0  }
0x27: {  	s25 =	rddreg [dreg:$0x4];
	s28 =	sand.u32 @p6 $0x1FFFF800, s28;
	s24 =	simm.s32 @p0 $0x1  }
0x28: {  	s25 =	sadd.s32 @p6 s25, s28;
	s28 =	simm.s32 @p6 $0x0;
	p0 =	sne.s32 s18, $0x0  }
0x29: {  	[hbm4b:s25+s28] =	stream.linear.scatter @p6 [tilespmem:s22], [sflag:s20], $0x4000, $0x200038;
	[tilespmem:$0x8100] =	vst v63  }
0x2a: {  	s20 =	sadd.s32 @!p1 $0x3, s15;
	s15 =	simm.s32 @!p0 $0x0  }
0x2b: {  	s26 =	simm.s32 $0x1;
	[smem:$0x7FC] =	sst s24;
	s15 =	simm.s32 @p0 $0x1  }
0x2c: {  	s26 =	simm.s32 @!p6 $0x0;
	_ =	strace @p6 $0x90000060;
	[smem:$0x7FD] =	sst s15  }
0x2d: {  	p5 =	por !p5, !p5;
	s19 =	sadd.s32 s26, s19;
	_ =	strace @!p1 $0x80000061  }
0x2e: {  	s24 =	sand.u32 @!p2 $0x1, s13;
	s22 =	sand.u32 @p5 $0x1, s14;
	_ =	swait.ge @!p1 [sflag:s20], $0x4000  }
0x2f: {  	s15 =	smov.u32 s24;
	s24 =	sadd.s32 @p5 s4, s17;
	[sflag:s20] =	ssyncset.done @!p1 $0x0  }
0x30: {  	s25 =	sshll.u32 @p5 s22, $0x7;
	s24 =	sshll.u32 @p5 s24, $0x4;
	[sflag:s20] =	ssyncadd.s32 @!p1 $0xFFFFC000  }
0x31: {  	s20 =	sadd.s32 @p5 $0x1, s22;
	s22 =	sand.u32 @p5 $0x1FFFFFF0, s24;
	_ =	strace @!p1 $0x90000061  }
0x32: {  	s24 =	simm.s32 @p5 $0x0;
	s22 =	sadd.s32 @p5 s3, s22;
	_ =	strace @p5 $0x8000005D  }
0x33: {  	[tilespmem:s25], [sflag:s20] =	stream.linear.gather @p5 [hbm4b:s22+s24], $0x80, $0x200038;
	[tilespmem:$0x8100] =	vst v63  }
0x34: {  	s16 =	sadd.s32 s26, s16;
	s26 =	sand.u32 $0x1, s19;
	_ =	strace @p5 $0x9000005D  }
0x35: {  	s24 =	sadd.s32 $0x1, s26;
	_ =	strace $0x8000005E  }
0x36: {  	_ =	swait.ge [sflag:s24], $0x80  }
0x37: {  	[sflag:s24] =	ssyncset.done $0x0  }
0x38: {  	s20 =	simm.s32 $0x1;
	[sflag:s24] =	ssyncadd.s32 $0xFFFFFF80  }
0x39: {  	s20 =	simm.s32 @!p5 $0x0;
	_ =	strace $0x9000005E  }
0x3a: {  	s14 =	sadd.s32 s20, s14;
	s20 =	sand.u32 $0x1, s16;
	_ =	strace $0x8000005F  }
0x3b: {  	s29 =	sshll.u32 s19, $0x7;
	s25 =	sshll.u32 s20, $0xE;
	s26 =	rddreg [dreg:$0x3]  }
0x3c: {  	s29 =	sand.u32 $0x80, s29;
	s22 =	sor.u32 $0x100, s25;
	s30 =	rddreg [dreg:$0x2]  }
0x3d: {  	[tilespmem:s22], [sflag:$0x5] =	stream.indirect.gather [hbm4b:s30+s26], $0x80, s29, s26, $0x2000b8;
	[tilespmem:$0x8100] =	vst v63  }
0x3e: {  	_ =	swait.ge [sflag:s8], $0x4000  }
0x3f: {  	s31 =	sadd.s32 $0x1, s17;
	[sflag:s8] =	ssyncset.done $0x0  }
0x40: {  	s23 =	sadd.s32 s4, s11;
	s11 =	smov.u32 s17;
	[sflag:s8] =	ssyncadd.s32 $0xFFFFC000  }
0x41: {  	p3 =	seq.s32 s31, $0x28;
	s17 =	smov.u32 s31;
	_ =	strace $0x9000005F  }
0x42: {  	s17 =	simm.s32 @p3 $0x0;
	s31 =	sld [smem:$0x7FD]  }
0x43: {  	p6 =	sne.s32 s12, $0x1;
	p0 =	sne.s32 s21, $0x28;
	p3 =	sne.s32 s11, s17  }
0x44: {  	p5 =	por !p6, !p3;
	p6 =	seq.s32 s21, $0x1;
	s21 =	simm.s32 $0x1  }
0x45: {  	s21 =	simm.s32 @!p0 $0x0;
	p0 =	seq.s32 s31, $0x1  }
.Ltmp0:
0x46: {  	s30 =	sld [smem:$0x7FC];
	(pc) =	sbr.rel @p0 .LBB2_2-.Ltmp0, $4  }
0x47: {  	_ = 	snop  }
0x48: {  	p4 =	seq.s32 s12, $0x28  }
0x49: {  	p1 =	por p2, p2;
	p2 =	por p4, p4;
	p4 =	seq.s32 s30, $0x1  }
0x4a: {  	p6 =	por p6, p4  }
0x4b: {  	_ =	strace @p6 $0x80000060;
	s23 =	sshll.u32 @p6 s23, $0xB  }
0x4c: {  	s18 =	rddreg [dreg:$0x4];
	s23 =	sand.u32 @p6 $0x1FFFF800, s23  }
0x4d: {  	s20 =	sadd.s32 @p6 $0x3, s20;
	s18 =	sadd.s32 @p6 s18, s23;
	s23 =	simm.s32 @p6 $0x0  }
0x4e: {  	[hbm4b:s18+s23] =	stream.linear.scatter @p6 [tilespmem:s22], [sflag:s20], $0x4000, $0x200038;
	[tilespmem:$0x8100] =	vst v63  }
0x4f: {  	p0 =	por !p5, !p5;
	_ =	strace @p6 $0x90000060  }
0x50: {  	s15 =	sadd.s32 @!p1 $0x3, s15;
	s17 =	sadd.s32 @p0 s4, s17;
	_ =	strace @!p1 $0x80000061  }
0x51: {  	s14 =	sand.u32 @p0 $0x1, s14;
	s17 =	sshll.u32 @p0 s17, $0x4;
	_ =	swait.ge @!p1 [sflag:s15], $0x4000  }
0x52: {  	s18 =	simm.s32 $0x1;
	s20 =	sshll.u32 @p0 s14, $0x7;
	[sflag:s15] =	ssyncset.done @!p1 $0x0  }
0x53: {  	s14 =	sadd.s32 @p0 $0x1, s14;
	s18 =	simm.s32 @!p6 $0x0;
	[sflag:s15] =	ssyncadd.s32 @!p1 $0xFFFFC000  }
0x54: {  	s19 =	sadd.s32 s18, s19;
	s15 =	sand.u32 @p0 $0x1FFFFFF0, s17;
	_ =	strace @!p1 $0x90000061  }
0x55: {  	s17 =	simm.s32 @p0 $0x0;
	s15 =	sadd.s32 @p0 s3, s15;
	_ =	strace @p0 $0x8000005D  }
0x56: {  	[tilespmem:s20], [sflag:s14] =	stream.linear.gather @p0 [hbm4b:s15+s17], $0x80, $0x200038;
	[tilespmem:$0x8100] =	vst v63  }
0x57: {  	s25 =	sand.u32 $0x1, s19;
	_ =	strace @p0 $0x9000005D  }
0x58: {  	s14 =	sadd.s32 $0x1, s25;
	_ =	strace $0x8000005E  }
0x59: {  	_ =	swait.ge [sflag:s14], $0x80  }
0x5a: {  	[sflag:s14] =	ssyncset.done $0x0  }
0x5b: {  	[sflag:s14] =	ssyncadd.s32 $0xFFFFFF80  }
0x5c: {  	s26 =	sadd.s32 s18, s16;
	_ =	strace $0x9000005E  }
0x5d: {  	s14 =	sand.u32 $0x1, s26;
	_ =	strace $0x8000005F  }
0x5e: {  	s30 =	sshll.u32 s19, $0x7;
	s31 =	sshll.u32 s14, $0xE;
	s28 =	rddreg [dreg:$0x3]  }
0x5f: {  	s17 =	sand.u32 $0x80, s30;
	s18 =	sor.u32 $0x100, s31;
	s29 =	rddreg [dreg:$0x2]  }
0x60: {  	[tilespmem:s18], [sflag:$0x5] =	stream.indirect.gather [hbm4b:s29+s28], $0x80, s17, s28, $0x2000b8;
	[tilespmem:$0x8100] =	vst v63  }
0x61: {  	_ =	swait.ge [sflag:s8], $0x4000  }
0x62: {  	[sflag:s8] =	ssyncset.done $0x0  }
0x63: {  	p5 =	por p3, p3;
	p6 =	seq.s32 s12, $0x1;
	[sflag:s8] =	ssyncadd.s32 $0xFFFFC000  }
0x64: {  	s11 =	sadd.s32 s4, s11;
	p0 =	por p6, p5;
	_ =	strace $0x9000005F  }
0x65: {  	s11 =	sshll.u32 @p0 s11, $0xB;
	_ =	strace @p0 $0x80000060  }
0x66: {  	s13 =	sadd.s32 s21, s13;
	s11 =	sand.u32 @p0 $0x1FFFF800, s11;
	s12 =	rddreg [dreg:$0x4]  }
0x67: {  	s14 =	sadd.s32 @p0 $0x3, s14;
	s11 =	sadd.s32 @p0 s12, s11;
	s12 =	simm.s32 @p0 $0x0  }
0x68: {  	[hbm4b:s11+s12] =	stream.linear.scatter @p0 [tilespmem:s18], [sflag:s14], $0x4000, $0x200038;
	[tilespmem:$0x8100] =	vst v63  }
0x69: {  	p1 =	por p2, p2;
	s11 =	sand.u32 @!p2 $0x1, s13;
	_ =	strace @p0 $0x90000060  }
0x6a: {  	s11 =	sadd.s32 @!p1 $0x3, s11;
	_ =	strace @!p1 $0x80000061  }
0x6b: {  	_ =	swait.ge @!p1 [sflag:s11], $0x4000  }
0x6c: {  	[sflag:s11] =	ssyncset.done @!p1 $0x0  }
0x6d: {  	s10 =	sadd.s32 $0x1, s10;
	[sflag:s11] =	ssyncadd.s32 @!p1 $0xFFFFC000  }
0x6e: {  	p0 =	sne.s32 s10, s6;
	_ =	strace @!p1 $0x90000061  }
.Ltmp1:
0x6f: {  	_ =	strace $0x80000062;
	(pc) =	sbr.rel @p0 .LBB2_1-.Ltmp1, $4  }
0x70: {  	_ =	swait.ge [sflag:s9], $0x4000  }
0x71: {  	[sflag:s9] =	ssyncset.done $0x0  }
0x72: {  	[sflag:s9] =	ssyncadd.s32 $0xFFFFC000  }
0x73: {  	_ =	strace $0x90000062  }
0x74: {  	_ =	sfence.sel $0x180000  }
0x75: {  	[bflag:$0x0] =	sbarrier.arrive $0xFFFF  }
0x76: {  	p0 =	sne.s32 s2, $0x0;
	_ =	strace $0x9000005B  }
0x77: {  	s0 =	sadd.s32 @!p0 $0x100000, s0;
	[bflag:$0x2] =	sbarrier.arrive $0xFFFF  }
0x78: {  	[sflag:s0] =	ssyncadd.tile.s32 @!p0 $0x1;
	_ =	shalt  }
.Lfunc_end2:
_tile_overlayer_lowered:
.L_overlay_start_2:
0x79: {  	(tag) =	ssettag $0x2  }
0x7a: {  	s0 =	rddreg [dreg:$0x0];
	s2 =	stileid.u32  }
0x7b: {  	s1 =	rddreg [dreg:$0x1];
	p0 =	sne.s32 s2, $0x0  }
0x7c: {  	s3 =	rddreg [dreg:$0x2];
	[bflag:$0x3] =	sbarrier.arrive $0xFFFF;
	s2 =	simm.s32 @!p0 $0x1C01  }
0x7d: {  	[timem:s3], [sflag:s2] =	dma.local @!p0 [hbm:s0], s1  }
0x7e: {  	s0 =	simm.s32 @!p0 $0x1  }
0x7f: {  	_ =	swait.ge @!p0 [sflag:s0], s1  }
0x80: {  	s1 =	ssub.s32 @!p0 $0x0, s1;
	[sflag:s0] =	ssyncset.done @!p0 $0x0  }
0x81: {  	[sflag:s0] =	ssyncadd.s32 @!p0 s1  }
0x82: {  	[bflag:$0x3] =	sbarrier.arrive $0xFFFF  }
0x83: {  	_ =	shalt  }

</sc_bundles>
